<compile_context>
chip_gen: v7x
topology: tpu7x:2x2x1
jax: 0.10.2.dev20260603
libtpu: 0.0.44.dev20260713+nightly
codegen_flags: <defaults>
</compile_context>

<pallas_src>
import functools

import jax
import jax.numpy as jnp
import numpy as np
from jax import lax
from jax.experimental import pallas as pl
from jax.experimental.pallas import tpu as pltpu
from jax.experimental.pallas import tpu_sc as plsc

EPS = 1e-05
B, C, H, W = 2, 96, 384, 384
N = H * W
DH, DW = 192, 192
M = DH * DW

HB = 8
RB = 16
NCHUNK = H // RB
NWORKERS = 32
ATT_SLOTS = 16
ATT_ROWS = H // ATT_SLOTS
ATT_RB = 8


def _conv_body(xref, gyref, gxref, wref, bref, offref, attref, idxref):
    w = wref[...]
    cb = bref[...]
    gx = gxref[...]
    gyb = gyref[...]
    for r in range(HB):
        xr = xref[:, r, :]
        oa = jnp.dot(w, xr, preferred_element_type=jnp.float32,
                     precision=lax.Precision.HIGHEST) + cb
        offref[:, pl.ds(r, 1), :] = oa[0:2][:, None, :]
        attref[pl.ds(r, 1), :] = jnp.exp(oa[2:3])
        dy = jnp.floor(jnp.clip(gyb[r, 0] + oa[0:1], 0.0, 1.0 - EPS) * DH)
        dx = jnp.floor(jnp.clip(gx + oa[1:2], 0.0, 1.0 - EPS) * DW)
        lin = dy * DW + dx
        idxref[pl.ds(r, 1), :] = lin.astype(jnp.int32)


def _conv_stage(x, gyc, gxr, conv_w, conv_b2):
    grid = (B, H // HB)
    return pl.pallas_call(
        _conv_body,
        grid=grid,
        in_specs=[
            pl.BlockSpec((None, C, HB, W), lambda b, j: (b, 0, j, 0)),
            pl.BlockSpec((HB, 1), lambda b, j: (j, 0)),
            pl.BlockSpec((1, W), lambda b, j: (0, 0)),
            pl.BlockSpec((3, C), lambda b, j: (0, 0)),
            pl.BlockSpec((3, 1), lambda b, j: (0, 0)),
        ],
        out_specs=[
            pl.BlockSpec((None, 2, HB, W), lambda b, j: (b, 0, j, 0)),
            pl.BlockSpec((None, HB, W), lambda b, j: (b, j, 0)),
            pl.BlockSpec((None, HB, W), lambda b, j: (b, j, 0)),
        ],
        out_shape=[
            jax.ShapeDtypeStruct((B, 2, H, W), jnp.float32),
            jax.ShapeDtypeStruct((B, H, W), jnp.float32),
            jax.ShapeDtypeStruct((B, H, W), jnp.int32),
        ],
    )(x, gyc, gxr, conv_w, conv_b2)


def _dest_body(idxref, destref):
    boff = pl.program_id(0).astype(jnp.float32) * float(C * M)
    chan = lax.broadcasted_iota(jnp.int32, (C, 1, 1), 0).astype(jnp.float32) \
        * float(M)
    lin = idxref[...].astype(jnp.float32)
    destref[...] = lin[None] + chan + boff


def _dest_stage(idxm):
    grid = (B, H // HB)
    return pl.pallas_call(
        _dest_body,
        grid=grid,
        in_specs=[pl.BlockSpec((None, HB, W), lambda b, j: (b, j, 0))],
        out_specs=pl.BlockSpec((None, C, HB, W), lambda b, j: (b, 0, j, 0)),
        out_shape=jax.ShapeDtypeStruct((B, C, H, W), jnp.float32),
    )(idxm)


@functools.partial(
    pl.kernel,
    out_type=(
        jax.ShapeDtypeStruct((B, C, M), jnp.float32),
        jax.ShapeDtypeStruct((B, ATT_SLOTS, M), jnp.float32),
    ),
    mesh=plsc.VectorSubcoreMesh(core_axis_name="c", subcore_axis_name="s"),
    compiler_params=pltpu.CompilerParams(needs_layout_passes=False),
    scratch_types=[
        pltpu.VMEM((2 * M,), jnp.float32),
        pltpu.VMEM((2, 2, RB, W), jnp.float32),
        pltpu.VMEM((2, RB, W), jnp.int32),
        pltpu.VMEM((2, RB, W), jnp.float32),
        pltpu.SemaphoreType.DMA,
        pltpu.SemaphoreType.DMA,
    ],
)
def _scatter_kernel(x_hbm, idx_hbm, att_hbm, feat_hbm, attp_hbm,
                    acc, xbuf, ibuf, abuf, sem0, sem1):
    wid = lax.axis_index("s") * 2 + lax.axis_index("c")
    sems = (sem0, sem1)
    zeros16 = jnp.zeros((16,), jnp.float32)

    def zero_acc(nwords):
        @plsc.parallel_loop(0, nwords // 16, unroll=8)
        def _(i):
            acc[pl.ds(i * 16, 16)] = zeros16

    def start_chunk(b, c0, ci, buf):
        row = ci * RB
        pltpu.async_copy(x_hbm.at[b, c0, pl.ds(row, RB), :],
                         xbuf.at[buf, 0], sems[buf])
        pltpu.async_copy(x_hbm.at[b, c0 + 1, pl.ds(row, RB), :],
                         xbuf.at[buf, 1], sems[buf])
        pltpu.async_copy(idx_hbm.at[b, pl.ds(row, RB), :], ibuf.at[buf],
                         sems[buf])
        pltpu.async_copy(att_hbm.at[b, pl.ds(row, RB), :], abuf.at[buf],
                         sems[buf])

    def wait_chunk(buf):
        pltpu.make_async_copy(x_hbm.at[0, 0, pl.ds(0, RB), :],
                              xbuf.at[buf, 0], sems[buf]).wait()
        pltpu.make_async_copy(x_hbm.at[0, 0, pl.ds(0, RB), :],
                              xbuf.at[buf, 1], sems[buf]).wait()
        pltpu.make_async_copy(idx_hbm.at[0, pl.ds(0, RB), :], ibuf.at[buf],
                              sems[buf]).wait()
        pltpu.make_async_copy(att_hbm.at[0, pl.ds(0, RB), :], abuf.at[buf],
                              sems[buf]).wait()

    GPR = W // 16

    def process_chunk(buf):
        @plsc.parallel_loop(0, RB * GPR, unroll=8)
        def _(g):
            r = g // GPR
            s = (g - r * GPR) * 16
            vi = ibuf[buf, r, pl.ds(s, 16)]
            va = abuf[buf, r, pl.ds(s, 16)]
            plsc.addupdate_scatter(acc, [vi],
                                   xbuf[buf, 0, r, pl.ds(s, 16)] * va)
            plsc.addupdate_scatter(acc, [vi + M],
                                   xbuf[buf, 1, r, pl.ds(s, 16)] * va)

    def unit_body(upass, _):
        u = wid + NWORKERS * upass
        b = jnp.where(u < 48, 0, 1)
        c0 = 2 * (u - 48 * b)
        zero_acc(2 * M)
        start_chunk(b, c0, 0, 0)

        def pair_body(i, _, b=b, c0=c0):
            start_chunk(b, c0, 2 * i + 1, 1)
            wait_chunk(0)
            process_chunk(0)

            @pl.when(i < NCHUNK // 2 - 1)
            def _():
                start_chunk(b, c0, 2 * i + 2, 0)

            wait_chunk(1)
            process_chunk(1)
            return 0

        lax.fori_loop(0, NCHUNK // 2, pair_body, 0)
        pltpu.sync_copy(acc.at[pl.ds(0, M)], feat_hbm.at[b, c0, :])
        pltpu.sync_copy(acc.at[pl.ds(M, M)], feat_hbm.at[b, c0 + 1, :])
        return 0

    lax.fori_loop(0, 3, unit_body, 0)

    b = jnp.where(wid < ATT_SLOTS, 0, 1)
    slot = wid - ATT_SLOTS * b
    zero_acc(M)
    for k in range(ATT_ROWS // ATT_RB):
        row = slot * ATT_ROWS + k * ATT_RB
        pltpu.sync_copy(idx_hbm.at[b, pl.ds(row, ATT_RB), :],
                        ibuf.at[0, pl.ds(0, ATT_RB), :])
        pltpu.sync_copy(att_hbm.at[b, pl.ds(row, ATT_RB), :],
                        abuf.at[0, pl.ds(0, ATT_RB), :])

        @plsc.parallel_loop(0, ATT_RB * (W // 16), unroll=8)
        def _(g):
            r = g // (W // 16)
            s = (g - r * (W // 16)) * 16
            vi = ibuf[0, r, pl.ds(s, 16)]
            va = abuf[0, r, pl.ds(s, 16)]
            plsc.addupdate_scatter(acc, [vi], va)
    pltpu.sync_copy(acc.at[pl.ds(0, M)], attp_hbm.at[b, slot, :])


def _div_body(fref, aref, oref):
    asum = jnp.sum(aref[...], axis=0, keepdims=True) + EPS
    oref[...] = (fref[...] / asum).reshape(16, DH, DW)


def _div_stage(feat3, attp3):
    grid = (B, C // 16)
    return pl.pallas_call(
        _div_body,
        grid=grid,
        in_specs=[
            pl.BlockSpec((None, 16, M), lambda b, j: (b, j, 0)),
            pl.BlockSpec((None, ATT_SLOTS, M), lambda b, j: (b, 0, 0)),
        ],
        out_specs=pl.BlockSpec((None, 16, DH, DW), lambda b, j: (b, j, 0, 0)),
        out_shape=jax.ShapeDtypeStruct((B, C, DH, DW), jnp.float32),
    )(feat3, attp3)


def kernel(x, conv_w, conv_b):
    gyc = jnp.asarray((np.arange(H, dtype=np.float32)
                       / np.float32(H)).reshape(H, 1))
    gxr = jnp.asarray((np.arange(W, dtype=np.float32)
                       / np.float32(W)).reshape(1, W))
    conv_b2 = conv_b.reshape(3, 1)

    offm, attm, idxm = _conv_stage(x, gyc, gxr, conv_w, conv_b2)
    feat, attp = _scatter_kernel(x, idxm, attm)
    destf = _dest_stage(idxm)
    out4 = _div_stage(feat, attp)

    return (out4, offm, destf)

# --- scband reference (transcript-rebuilt; emitter-appended) ---
"""Pipeline reference for scband-offset2-d-17772574671403 (READ-ONLY COPY).

The authoritative reference and input builder live on the scoring server;
editing this copy changes nothing except your own understanding.
"""

import jax, jax.numpy as jnp
import numpy as np

EPS = 1e-05
DOWNSAMPLE = 0.5
B, C, H, W = 2, 96, 384, 384


def setup_inputs(seed: int = 0) -> dict:
    key = jax.random.key(seed)
    k1, k2, k3 = jax.random.split(key, 3)
    x = jax.random.normal(k1, (B, C, H, W), dtype=jnp.float32)
    conv_w = jax.random.normal(k2, (3, C), dtype=jnp.float32) / np.sqrt(C)
    conv_b = jax.random.normal(k3, (3,), dtype=jnp.float32) * 0.01
    return {"x": x, "conv_w": conv_w, "conv_b": conv_b}


def reference(x, conv_w, conv_b):
    b, c, h, w = x.shape
    dh = int(round(h * DOWNSAMPLE))
    dw = int(round(w * DOWNSAMPLE))
    # 1x1 conv producing 3 channels: 2 offset + 1 attention
    oa = jnp.einsum('bchw,oc->bohw', x, conv_w) + conv_b.reshape(1, 3, 1, 1)
    offset = oa[:, :2]
    attention = jnp.exp(oa[:, 2:3])  # [B,1,H,W]
    # destination grid in normalized coords plus predicted offsets
    gy = (jnp.arange(h, dtype=x.dtype) / h).reshape(1, h, 1)
    gx = (jnp.arange(w, dtype=x.dtype) / w).reshape(1, 1, w)
    dest_y = jnp.clip(gy + offset[:, 0], 0.0, 1.0 - EPS)
    dest_x = jnp.clip(gx + offset[:, 1], 0.0, 1.0 - EPS)
    dest_y = jnp.floor(dest_y * dh)
    dest_x = jnp.floor(dest_x * dw)
    lin = dest_y * dw + dest_x  # [B,H,W]
    dest = jnp.broadcast_to(lin[:, None, :, :], (b, c, h, w))
    batch_off = (jnp.arange(b) * (c * dh * dw)).reshape(b, 1, 1, 1).astype(x.dtype)
    chan_off = (jnp.arange(c) * (dh * dw)).reshape(1, c, 1, 1).astype(x.dtype)
    dest_full = dest + batch_off + chan_off
    idx = dest_full.reshape(-1).astype(jnp.int32)
    # attention-weighted scatter-add of features
    xw = (x * attention).reshape(-1)
    feat_acc = jnp.zeros(b * c * dh * dw, dtype=x.dtype).at[idx].add(xw)
    # attention normalization accumulator (per batch, shared across channels)
    att_idx = (lin + (jnp.arange(b) * (dh * dw)).reshape(b, 1, 1).astype(x.dtype)).reshape(-1).astype(jnp.int32)
    att_acc = jnp.full(b * dh * dw, EPS, dtype=x.dtype).at[att_idx].add(attention.reshape(-1))
    out = feat_acc.reshape(b, c, dh, dw) / att_acc.reshape(b, 1, dh, dw)
    return (out, offset, dest_full)

if __name__ == "__main__":
    import jax
    _d = setup_inputs()
    print(jax.jit(kernel)(*tuple(_d.values())))

</pallas_src>

<mosaic_0001>
#map = affine_map<(d0, d1) -> (0, 0, 0, 0)>
#map1 = affine_map<(d0, d1) -> (0, 0, 0)>
module attributes {stable_mosaic.version = 14 : i64} {
  func.func @_scatter_kernel(%arg0: i32, %arg1: i32, %arg2: memref<2x96x384x384xf32, #tpu.memory_space<hbm>>, %arg3: memref<2x384x384xi32, #tpu.memory_space<hbm>>, %arg4: memref<2x384x384xf32, #tpu.memory_space<hbm>>, %arg5: memref<2x96x36864xf32, #tpu.memory_space<hbm>>, %arg6: memref<2x16x36864xf32, #tpu.memory_space<hbm>>, %arg7: memref<73728xf32, #tpu.memory_space<vmem>>, %arg8: memref<2x2x16x384xf32, #tpu.memory_space<vmem>>, %arg9: memref<2x16x384xi32, #tpu.memory_space<vmem>>, %arg10: memref<2x16x384xf32, #tpu.memory_space<vmem>>, %arg11: memref<!tpu.dma_semaphore, #tpu.memory_space<semaphore_mem>>, %arg12: memref<!tpu.dma_semaphore, #tpu.memory_space<semaphore_mem>>) attributes {dimension_semantics = [#tpu.dimension_semantics<core_parallel>, #tpu.dimension_semantics<subcore_parallel>], iteration_bounds = array<i64: 2, 16>, scalar_prefetch = 0 : i64, scratch_operands = 6 : i64, tpu.core_type = #tpu.core_type<sc_vector_subcore>, window_params = [{transform_indices = #map}, {transform_indices = #map1}, {transform_indices = #map1}, {transform_indices = #map1}, {transform_indices = #map1}]} {
    %mul3A = arith.constant 2 : i32
    %mul3A_0 = arith.muli %arg1, %mul3A : i32
    %add3A = arith.addi %mul3A_0, %arg0 : i32
    %broadcast_in_dim3A = arith.constant 0.000000e+00 : f32
    %broadcast_in_dim3A_1 = vector.broadcast %broadcast_in_dim3A : f32 to vector<16xf32>
    %scan3A = arith.constant 0 : i32
    %scan3A_2 = arith.constant 0 : i32
    %scan3A_3 = arith.constant 3 : i32
    %scan3A_4 = arith.addi %scan3A_2, %scan3A_3 : i32
    %scan3A_5 = arith.constant 1 : i32
    %scan3A_6 = scf.for %scan3A_40 = %scan3A_2 to %scan3A_4 step %scan3A_5 iter_args(%scan3A_41 = %scan3A) -> (i32)  : i32 {
      %mul3A_42 = arith.constant 32 : i32
      %mul3A_43 = arith.muli %mul3A_42, %scan3A_40 : i32
      %add3A_44 = arith.addi %add3A, %mul3A_43 : i32
      %lt3A_45 = arith.constant 48 : i32
      %lt3A_46 = arith.cmpi slt, %add3A_44, %lt3A_45 : i32
      %jit3A_47 = arith.constant 0 : i32
      %jit3A_48 = arith.constant 1 : i32
      %select_n3A_49 = arith.select %lt3A_46, %jit3A_47, %jit3A_48 : i32
      %mul3A_50 = arith.constant 48 : i32
      %mul3A_51 = arith.muli %mul3A_50, %select_n3A_49 : i32
      %sub3A_52 = arith.subi %add3A_44, %mul3A_51 : i32
      %mul3A_53 = arith.constant 2 : i32
      %mul3A_54 = arith.muli %mul3A_53, %sub3A_52 : i32
      %parallel_loop3A_55 = arith.constant 0 : i32
      %parallel_loop3A_56 = arith.constant 4608 : i32
      %parallel_loop3A_57 = arith.constant 1 : i32
      scf.for %parallel_loop3A_139 = %parallel_loop3A_55 to %parallel_loop3A_56 step %parallel_loop3A_57  : i32 {
        %parallel_loop3A_140 = arith.constant 16 : i32
        %parallel_loop3A_141 = arith.muli %parallel_loop3A_139, %parallel_loop3A_140 : i32
        %parallel_loop3A_142 = arith.index_cast %parallel_loop3A_141 : i32 to index
        %parallel_loop3A_143 = tpu.vector_load %arg7[%parallel_loop3A_142] {strides = array<i32>} : memref<73728xf32, #tpu.memory_space<vmem>>, vector<16xf32>,
        tpu.vector_store %arg7[%parallel_loop3A_142], %broadcast_in_dim3A_1 {strides = array<i32>} : memref<73728xf32, #tpu.memory_space<vmem>>, vector<16xf32>,
      } {sc.loop_unroll_factor = 8 : i64, sc.parallel_access}
      %dma_start3A = arith.constant 0 : i32
      %dma_start3A_58 = arith.constant 0 : i32
      %dma_start3A_59 = arith.constant 0 : i32
      %dma_start3A_60 = arith.constant 0 : i32
      %dma_start3A_61 = tpu.memref_slice %arg8[%dma_start3A, %dma_start3A_58, %dma_start3A_59, %dma_start3A_60] : memref<2x2x16x384xf32, #tpu.memory_space<vmem>> -> memref<1x1x16x384xf32, #tpu.memory_space<vmem>>
      %dma_start3A_62 = tpu.memref_squeeze %dma_start3A_61 : memref<1x1x16x384xf32, #tpu.memory_space<vmem>> -> memref<16x384xf32, #tpu.memory_space<vmem>>
      %dma_start3A_63 = arith.constant 0 : i32
      %dma_start3A_64 = arith.constant 0 : i32
      %dma_start3A_65 = tpu.memref_slice %arg2[%select_n3A_49, %mul3A_54, %dma_start3A_63, %dma_start3A_64] : memref<2x96x384x384xf32, #tpu.memory_space<hbm>> -> memref<1x1x16x384xf32, #tpu.memory_space<hbm>>
      %dma_start3A_66 = tpu.memref_squeeze %dma_start3A_65 : memref<1x1x16x384xf32, #tpu.memory_space<hbm>> -> memref<16x384xf32, #tpu.memory_space<hbm>>
      %dma_start3A_67 = arith.constant 0 : i32
      %dma_start3A_68 = arith.constant 0 : i32
      %dma_start3A_69 = tpu.memref_slice %arg8[%dma_start3A, %dma_start3A_58, %dma_start3A_67, %dma_start3A_68] : memref<2x2x16x384xf32, #tpu.memory_space<vmem>> -> memref<1x1x16x384xf32, #tpu.memory_space<vmem>>
      %dma_start3A_70 = tpu.memref_squeeze %dma_start3A_69 : memref<1x1x16x384xf32, #tpu.memory_space<vmem>> -> memref<16x384xf32, #tpu.memory_space<vmem>>
      %dma_start3A_71 = arith.constant 0 : i32
      %dma_start3A_72 = arith.constant 0 : i32
      %dma_start3A_73 = tpu.memref_slice %arg2[%select_n3A_49, %mul3A_54, %dma_start3A_71, %dma_start3A_72] : memref<2x96x384x384xf32, #tpu.memory_space<hbm>> -> memref<1x1x16x384xf32, #tpu.memory_space<hbm>>
      %dma_start3A_74 = tpu.memref_squeeze %dma_start3A_73 : memref<1x1x16x384xf32, #tpu.memory_space<hbm>> -> memref<16x384xf32, #tpu.memory_space<hbm>>
      tpu.enqueue_dma source(%dma_start3A_74 : memref<16x384xf32, #tpu.memory_space<hbm>>) target(%dma_start3A_70 : memref<16x384xf32, #tpu.memory_space<vmem>>) target_semaphore(%arg11 : memref<!tpu.dma_semaphore, #tpu.memory_space<semaphore_mem>>)
      %add3A_75 = arith.constant 1 : i32
      %add3A_76 = arith.addi %mul3A_54, %add3A_75 : i32
      %dma_start3A_77 = arith.constant 0 : i32
      %dma_start3A_78 = arith.constant 1 : i32
      %dma_start3A_79 = arith.constant 0 : i32
      %dma_start3A_80 = arith.constant 0 : i32
      %dma_start3A_81 = tpu.memref_slice %arg8[%dma_start3A_77, %dma_start3A_78, %dma_start3A_79, %dma_start3A_80] : memref<2x2x16x384xf32, #tpu.memory_space<vmem>> -> memref<1x1x16x384xf32, #tpu.memory_space<vmem>>
      %dma_start3A_82 = tpu.memref_squeeze %dma_start3A_81 : memref<1x1x16x384xf32, #tpu.memory_space<vmem>> -> memref<16x384xf32, #tpu.memory_space<vmem>>
      %dma_start3A_83 = arith.constant 0 : i32
      %dma_start3A_84 = arith.constant 0 : i32
      %dma_start3A_85 = tpu.memref_slice %arg2[%select_n3A_49, %add3A_76, %dma_start3A_83, %dma_start3A_84] : memref<2x96x384x384xf32, #tpu.memory_space<hbm>> -> memref<1x1x16x384xf32, #tpu.memory_space<hbm>>
      %dma_start3A_86 = tpu.memref_squeeze %dma_start3A_85 : memref<1x1x16x384xf32, #tpu.memory_space<hbm>> -> memref<16x384xf32, #tpu.memory_space<hbm>>
      %dma_start3A_87 = arith.constant 0 : i32
      %dma_start3A_88 = arith.constant 0 : i32
      %dma_start3A_89 = tpu.memref_slice %arg8[%dma_start3A_77, %dma_start3A_78, %dma_start3A_87, %dma_start3A_88] : memref<2x2x16x384xf32, #tpu.memory_space<vmem>> -> memref<1x1x16x384xf32, #tpu.memory_space<vmem>>
      %dma_start3A_90 = tpu.memref_squeeze %dma_start3A_89 : memref<1x1x16x384xf32, #tpu.memory_space<vmem>> -> memref<16x384xf32, #tpu.memory_space<vmem>>
      %dma_start3A_91 = arith.constant 0 : i32
      %dma_start3A_92 = arith.constant 0 : i32
      %dma_start3A_93 = tpu.memref_slice %arg2[%select_n3A_49, %add3A_76, %dma_start3A_91, %dma_start3A_92] : memref<2x96x384x384xf32, #tpu.memory_space<hbm>> -> memref<1x1x16x384xf32, #tpu.memory_space<hbm>>
      %dma_start3A_94 = tpu.memref_squeeze %dma_start3A_93 : memref<1x1x16x384xf32, #tpu.memory_space<hbm>> -> memref<16x384xf32, #tpu.memory_space<hbm>>
      tpu.enqueue_dma source(%dma_start3A_94 : memref<16x384xf32, #tpu.memory_space<hbm>>) target(%dma_start3A_90 : memref<16x384xf32, #tpu.memory_space<vmem>>) target_semaphore(%arg11 : memref<!tpu.dma_semaphore, #tpu.memory_space<semaphore_mem>>)
      %dma_start3A_95 = arith.constant 0 : i32
      %dma_start3A_96 = arith.constant 0 : i32
      %dma_start3A_97 = arith.constant 0 : i32
      %dma_start3A_98 = tpu.memref_slice %arg9[%dma_start3A_95, %dma_start3A_96, %dma_start3A_97] : memref<2x16x384xi32, #tpu.memory_space<vmem>> -> memref<1x16x384xi32, #tpu.memory_space<vmem>>
      %dma_start3A_99 = tpu.memref_squeeze %dma_start3A_98 : memref<1x16x384xi32, #tpu.memory_space<vmem>> -> memref<16x384xi32, #tpu.memory_space<vmem>>
      %dma_start3A_100 = arith.constant 0 : i32
      %dma_start3A_101 = arith.constant 0 : i32
      %dma_start3A_102 = tpu.memref_slice %arg3[%select_n3A_49, %dma_start3A_100, %dma_start3A_101] : memref<2x384x384xi32, #tpu.memory_space<hbm>> -> memref<1x16x384xi32, #tpu.memory_space<hbm>>
      %dma_start3A_103 = tpu.memref_squeeze %dma_start3A_102 : memref<1x16x384xi32, #tpu.memory_space<hbm>> -> memref<16x384xi32, #tpu.memory_space<hbm>>
      %dma_start3A_104 = arith.constant 0 : i32
      %dma_start3A_105 = arith.constant 0 : i32
      %dma_start3A_106 = tpu.memref_slice %arg9[%dma_start3A_95, %dma_start3A_104, %dma_start3A_105] : memref<2x16x384xi32, #tpu.memory_space<vmem>> -> memref<1x16x384xi32, #tpu.memory_space<vmem>>
      %dma_start3A_107 = tpu.memref_squeeze %dma_start3A_106 : memref<1x16x384xi32, #tpu.memory_space<vmem>> -> memref<16x384xi32, #tpu.memory_space<vmem>>
      %dma_start3A_108 = arith.constant 0 : i32
      %dma_start3A_109 = arith.constant 0 : i32
      %dma_start3A_110 = tpu.memref_slice %arg3[%select_n3A_49, %dma_start3A_108, %dma_start3A_109] : memref<2x384x384xi32, #tpu.memory_space<hbm>> -> memref<1x16x384xi32, #tpu.memory_space<hbm>>
      %dma_start3A_111 = tpu.memref_squeeze %dma_start3A_110 : memref<1x16x384xi32, #tpu.memory_space<hbm>> -> memref<16x384xi32, #tpu.memory_space<hbm>>
      tpu.enqueue_dma source(%dma_start3A_111 : memref<16x384xi32, #tpu.memory_space<hbm>>) target(%dma_start3A_107 : memref<16x384xi32, #tpu.memory_space<vmem>>) target_semaphore(%arg11 : memref<!tpu.dma_semaphore, #tpu.memory_space<semaphore_mem>>)
      %dma_start3A_112 = arith.constant 0 : i32
      %dma_start3A_113 = arith.constant 0 : i32
      %dma_start3A_114 = arith.constant 0 : i32
      %dma_start3A_115 = tpu.memref_slice %arg10[%dma_start3A_112, %dma_start3A_113, %dma_start3A_114] : memref<2x16x384xf32, #tpu.memory_space<vmem>> -> memref<1x16x384xf32, #tpu.memory_space<vmem>>
      %dma_start3A_116 = tpu.memref_squeeze %dma_start3A_115 : memref<1x16x384xf32, #tpu.memory_space<vmem>> -> memref<16x384xf32, #tpu.memory_space<vmem>>
      %dma_start3A_117 = arith.constant 0 : i32
      %dma_start3A_118 = arith.constant 0 : i32
      %dma_start3A_119 = tpu.memref_slice %arg4[%select_n3A_49, %dma_start3A_117, %dma_start3A_118] : memref<2x384x384xf32, #tpu.memory_space<hbm>> -> memref<1x16x384xf32, #tpu.memory_space<hbm>>
      %dma_start3A_120 = tpu.memref_squeeze %dma_start3A_119 : memref<1x16x384xf32, #tpu.memory_space<hbm>> -> memref<16x384xf32, #tpu.memory_space<hbm>>
      %dma_start3A_121 = arith.constant 0 : i32
      %dma_start3A_122 = arith.constant 0 : i32
      %dma_start3A_123 = tpu.memref_slice %arg10[%dma_start3A_112, %dma_start3A_121, %dma_start3A_122] : memref<2x16x384xf32, #tpu.memory_space<vmem>> -> memref<1x16x384xf32, #tpu.memory_space<vmem>>
      %dma_start3A_124 = tpu.memref_squeeze %dma_start3A_123 : memref<1x16x384xf32, #tpu.memory_space<vmem>> -> memref<16x384xf32, #tpu.memory_space<vmem>>
      %dma_start3A_125 = arith.constant 0 : i32
      %dma_start3A_126 = arith.constant 0 : i32
      %dma_start3A_127 = tpu.memref_slice %arg4[%select_n3A_49, %dma_start3A_125, %dma_start3A_126] : memref<2x384x384xf32, #tpu.memory_space<hbm>> -> memref<1x16x384xf32, #tpu.memory_space<hbm>>
      %dma_start3A_128 = tpu.memref_squeeze %dma_start3A_127 : memref<1x16x384xf32, #tpu.memory_space<hbm>> -> memref<16x384xf32, #tpu.memory_space<hbm>>
      tpu.enqueue_dma source(%dma_start3A_128 : memref<16x384xf32, #tpu.memory_space<hbm>>) target(%dma_start3A_124 : memref<16x384xf32, #tpu.memory_space<vmem>>) target_semaphore(%arg11 : memref<!tpu.dma_semaphore, #tpu.memory_space<semaphore_mem>>)
      %scan3A_129 = arith.constant 0 : i32
      %scan3A_130 = arith.constant 0 : i32
      %scan3A_131 = arith.constant 12 : i32
      %scan3A_132 = arith.addi %scan3A_130, %scan3A_131 : i32
      %scan3A_133 = arith.constant 1 : i32
      %scan3A_134 = scf.for %scan3A_139 = %scan3A_130 to %scan3A_132 step %scan3A_133 iter_args(%scan3A_140 = %scan3A_129) -> (i32)  : i32 {
        %mul3A_141 = arith.constant 2 : i32
        %mul3A_142 = arith.muli %mul3A_141, %scan3A_139 : i32
        %add3A_143 = arith.constant 1 : i32
        %add3A_144 = arith.addi %mul3A_142, %add3A_143 : i32
        %mul3A_145 = arith.constant 16 : i32
        %mul3A_146 = arith.muli %add3A_144, %mul3A_145 : i32
        %dma_start3A_147 = arith.constant 1 : i32
        %dma_start3A_148 = arith.constant 0 : i32
        %dma_start3A_149 = arith.constant 0 : i32
        %dma_start3A_150 = arith.constant 0 : i32
        %dma_start3A_151 = tpu.memref_slice %arg8[%dma_start3A_147, %dma_start3A_148, %dma_start3A_149, %dma_start3A_150] : memref<2x2x16x384xf32, #tpu.memory_space<vmem>> -> memref<1x1x16x384xf32, #tpu.memory_space<vmem>>
        %dma_start3A_152 = tpu.memref_squeeze %dma_start3A_151 : memref<1x1x16x384xf32, #tpu.memory_space<vmem>> -> memref<16x384xf32, #tpu.memory_space<vmem>>
        %dma_start3A_153 = arith.constant 0 : i32
        %dma_start3A_154 = tpu.memref_slice %arg2[%select_n3A_49, %mul3A_54, %mul3A_146, %dma_start3A_153] : memref<2x96x384x384xf32, #tpu.memory_space<hbm>> -> memref<1x1x16x384xf32, #tpu.memory_space<hbm>>
        %dma_start3A_155 = tpu.memref_squeeze %dma_start3A_154 : memref<1x1x16x384xf32, #tpu.memory_space<hbm>> -> memref<16x384xf32, #tpu.memory_space<hbm>>
        %dma_start3A_156 = arith.constant 0 : i32
        %dma_start3A_157 = arith.constant 0 : i32
        %dma_start3A_158 = tpu.memref_slice %arg8[%dma_start3A_147, %dma_start3A_148, %dma_start3A_156, %dma_start3A_157] : memref<2x2x16x384xf32, #tpu.memory_space<vmem>> -> memref<1x1x16x384xf32, #tpu.memory_space<vmem>>
        %dma_start3A_159 = tpu.memref_squeeze %dma_start3A_158 : memref<1x1x16x384xf32, #tpu.memory_space<vmem>> -> memref<16x384xf32, #tpu.memory_space<vmem>>
        %dma_start3A_160 = arith.constant 0 : i32
        %dma_start3A_161 = tpu.memref_slice %arg2[%select_n3A_49, %mul3A_54, %mul3A_146, %dma_start3A_160] : memref<2x96x384x384xf32, #tpu.memory_space<hbm>> -> memref<1x1x16x384xf32, #tpu.memory_space<hbm>>
        %dma_start3A_162 = tpu.memref_squeeze %dma_start3A_161 : memref<1x1x16x384xf32, #tpu.memory_space<hbm>> -> memref<16x384xf32, #tpu.memory_space<hbm>>
        tpu.enqueue_dma source(%dma_start3A_162 : memref<16x384xf32, #tpu.memory_space<hbm>>) target(%dma_start3A_159 : memref<16x384xf32, #tpu.memory_space<vmem>>) target_semaphore(%arg12 : memref<!tpu.dma_semaphore, #tpu.memory_space<semaphore_mem>>)
        %add3A_163 = arith.constant 1 : i32
        %add3A_164 = arith.addi %mul3A_54, %add3A_163 : i32
        %dma_start3A_165 = arith.constant 1 : i32
        %dma_start3A_166 = arith.constant 1 : i32
        %dma_start3A_167 = arith.constant 0 : i32
        %dma_start3A_168 = arith.constant 0 : i32
        %dma_start3A_169 = tpu.memref_slice %arg8[%dma_start3A_165, %dma_start3A_166, %dma_start3A_167, %dma_start3A_168] : memref<2x2x16x384xf32, #tpu.memory_space<vmem>> -> memref<1x1x16x384xf32, #tpu.memory_space<vmem>>
        %dma_start3A_170 = tpu.memref_squeeze %dma_start3A_169 : memref<1x1x16x384xf32, #tpu.memory_space<vmem>> -> memref<16x384xf32, #tpu.memory_space<vmem>>
        %dma_start3A_171 = arith.constant 0 : i32
        %dma_start3A_172 = tpu.memref_slice %arg2[%select_n3A_49, %add3A_164, %mul3A_146, %dma_start3A_171] : memref<2x96x384x384xf32, #tpu.memory_space<hbm>> -> memref<1x1x16x384xf32, #tpu.memory_space<hbm>>
        %dma_start3A_173 = tpu.memref_squeeze %dma_start3A_172 : memref<1x1x16x384xf32, #tpu.memory_space<hbm>> -> memref<16x384xf32, #tpu.memory_space<hbm>>
        %dma_start3A_174 = arith.constant 0 : i32
        %dma_start3A_175 = arith.constant 0 : i32
        %dma_start3A_176 = tpu.memref_slice %arg8[%dma_start3A_165, %dma_start3A_166, %dma_start3A_174, %dma_start3A_175] : memref<2x2x16x384xf32, #tpu.memory_space<vmem>> -> memref<1x1x16x384xf32, #tpu.memory_space<vmem>>
        %dma_start3A_177 = tpu.memref_squeeze %dma_start3A_176 : memref<1x1x16x384xf32, #tpu.memory_space<vmem>> -> memref<16x384xf32, #tpu.memory_space<vmem>>
        %dma_start3A_178 = arith.constant 0 : i32
        %dma_start3A_179 = tpu.memref_slice %arg2[%select_n3A_49, %add3A_164, %mul3A_146, %dma_start3A_178] : memref<2x96x384x384xf32, #tpu.memory_space<hbm>> -> memref<1x1x16x384xf32, #tpu.memory_space<hbm>>
        %dma_start3A_180 = tpu.memref_squeeze %dma_start3A_179 : memref<1x1x16x384xf32, #tpu.memory_space<hbm>> -> memref<16x384xf32, #tpu.memory_space<hbm>>
        tpu.enqueue_dma source(%dma_start3A_180 : memref<16x384xf32, #tpu.memory_space<hbm>>) target(%dma_start3A_177 : memref<16x384xf32, #tpu.memory_space<vmem>>) target_semaphore(%arg12 : memref<!tpu.dma_semaphore, #tpu.memory_space<semaphore_mem>>)
        %dma_start3A_181 = arith.constant 1 : i32
        %dma_start3A_182 = arith.constant 0 : i32
        %dma_start3A_183 = arith.constant 0 : i32
        %dma_start3A_184 = tpu.memref_slice %arg9[%dma_start3A_181, %dma_start3A_182, %dma_start3A_183] : memref<2x16x384xi32, #tpu.memory_space<vmem>> -> memref<1x16x384xi32, #tpu.memory_space<vmem>>
        %dma_start3A_185 = tpu.memref_squeeze %dma_start3A_184 : memref<1x16x384xi32, #tpu.memory_space<vmem>> -> memref<16x384xi32, #tpu.memory_space<vmem>>
        %dma_start3A_186 = arith.constant 0 : i32
        %dma_start3A_187 = tpu.memref_slice %arg3[%select_n3A_49, %mul3A_146, %dma_start3A_186] : memref<2x384x384xi32, #tpu.memory_space<hbm>> -> memref<1x16x384xi32, #tpu.memory_space<hbm>>
        %dma_start3A_188 = tpu.memref_squeeze %dma_start3A_187 : memref<1x16x384xi32, #tpu.memory_space<hbm>> -> memref<16x384xi32, #tpu.memory_space<hbm>>
        %dma_start3A_189 = arith.constant 0 : i32
        %dma_start3A_190 = arith.constant 0 : i32
        %dma_start3A_191 = tpu.memref_slice %arg9[%dma_start3A_181, %dma_start3A_189, %dma_start3A_190] : memref<2x16x384xi32, #tpu.memory_space<vmem>> -> memref<1x16x384xi32, #tpu.memory_space<vmem>>
        %dma_start3A_192 = tpu.memref_squeeze %dma_start3A_191 : memref<1x16x384xi32, #tpu.memory_space<vmem>> -> memref<16x384xi32, #tpu.memory_space<vmem>>
        %dma_start3A_193 = arith.constant 0 : i32
        %dma_start3A_194 = tpu.memref_slice %arg3[%select_n3A_49, %mul3A_146, %dma_start3A_193] : memref<2x384x384xi32, #tpu.memory_space<hbm>> -> memref<1x16x384xi32, #tpu.memory_space<hbm>>
        %dma_start3A_195 = tpu.memref_squeeze %dma_start3A_194 : memref<1x16x384xi32, #tpu.memory_space<hbm>> -> memref<16x384xi32, #tpu.memory_space<hbm>>
        tpu.enqueue_dma source(%dma_start3A_195 : memref<16x384xi32, #tpu.memory_space<hbm>>) target(%dma_start3A_192 : memref<16x384xi32, #tpu.memory_space<vmem>>) target_semaphore(%arg12 : memref<!tpu.dma_semaphore, #tpu.memory_space<semaphore_mem>>)
        %dma_start3A_196 = arith.constant 1 : i32
        %dma_start3A_197 = arith.constant 0 : i32
        %dma_start3A_198 = arith.constant 0 : i32
        %dma_start3A_199 = tpu.memref_slice %arg10[%dma_start3A_196, %dma_start3A_197, %dma_start3A_198] : memref<2x16x384xf32, #tpu.memory_space<vmem>> -> memref<1x16x384xf32, #tpu.memory_space<vmem>>
        %dma_start3A_200 = tpu.memref_squeeze %dma_start3A_199 : memref<1x16x384xf32, #tpu.memory_space<vmem>> -> memref<16x384xf32, #tpu.memory_space<vmem>>
        %dma_start3A_201 = arith.constant 0 : i32
        %dma_start3A_202 = tpu.memref_slice %arg4[%select_n3A_49, %mul3A_146, %dma_start3A_201] : memref<2x384x384xf32, #tpu.memory_space<hbm>> -> memref<1x16x384xf32, #tpu.memory_space<hbm>>
        %dma_start3A_203 = tpu.memref_squeeze %dma_start3A_202 : memref<1x16x384xf32, #tpu.memory_space<hbm>> -> memref<16x384xf32, #tpu.memory_space<hbm>>
        %dma_start3A_204 = arith.constant 0 : i32
        %dma_start3A_205 = arith.constant 0 : i32
        %dma_start3A_206 = tpu.memref_slice %arg10[%dma_start3A_196, %dma_start3A_204, %dma_start3A_205] : memref<2x16x384xf32, #tpu.memory_space<vmem>> -> memref<1x16x384xf32, #tpu.memory_space<vmem>>
        %dma_start3A_207 = tpu.memref_squeeze %dma_start3A_206 : memref<1x16x384xf32, #tpu.memory_space<vmem>> -> memref<16x384xf32, #tpu.memory_space<vmem>>
        %dma_start3A_208 = arith.constant 0 : i32
        %dma_start3A_209 = tpu.memref_slice %arg4[%select_n3A_49, %mul3A_146, %dma_start3A_208] : memref<2x384x384xf32, #tpu.memory_space<hbm>> -> memref<1x16x384xf32, #tpu.memory_space<hbm>>
        %dma_start3A_210 = tpu.memref_squeeze %dma_start3A_209 : memref<1x16x384xf32, #tpu.memory_space<hbm>> -> memref<16x384xf32, #tpu.memory_space<hbm>>
        tpu.enqueue_dma source(%dma_start3A_210 : memref<16x384xf32, #tpu.memory_space<hbm>>) target(%dma_start3A_207 : memref<16x384xf32, #tpu.memory_space<vmem>>) target_semaphore(%arg12 : memref<!tpu.dma_semaphore, #tpu.memory_space<semaphore_mem>>)
        %dma_wait3A = arith.constant 0 : i32
        %dma_wait3A_211 = arith.constant 0 : i32
        %dma_wait3A_212 = arith.constant 0 : i32
        %dma_wait3A_213 = arith.constant 0 : i32
        %dma_wait3A_214 = arith.constant 0 : i32
        %dma_wait3A_215 = arith.constant 0 : i32
        %dma_wait3A_216 = tpu.memref_slice %arg8[%dma_wait3A_212, %dma_wait3A_213, %dma_wait3A_214, %dma_wait3A_215] : memref<2x2x16x384xf32, #tpu.memory_space<vmem>> -> memref<1x1x16x384xf32, #tpu.memory_space<vmem>>
        %dma_wait3A_217 = tpu.memref_squeeze %dma_wait3A_216 : memref<1x1x16x384xf32, #tpu.memory_space<vmem>> -> memref<16x384xf32, #tpu.memory_space<vmem>>
        %dma_wait3A_218 = arith.constant 0 : i32
        %dma_wait3A_219 = arith.constant 0 : i32
        %dma_wait3A_220 = tpu.memref_slice %arg2[%dma_wait3A, %dma_wait3A_211, %dma_wait3A_218, %dma_wait3A_219] : memref<2x96x384x384xf32, #tpu.memory_space<hbm>> -> memref<1x1x16x384xf32, #tpu.memory_space<hbm>>
        %dma_wait3A_221 = tpu.memref_squeeze %dma_wait3A_220 : memref<1x1x16x384xf32, #tpu.memory_space<hbm>> -> memref<16x384xf32, #tpu.memory_space<hbm>>
        %dma_wait3A_222 = arith.constant 0 : i32
        %dma_wait3A_223 = arith.constant 0 : i32
        %dma_wait3A_224 = tpu.memref_slice %arg8[%dma_wait3A_212, %dma_wait3A_213, %dma_wait3A_222, %dma_wait3A_223] : memref<2x2x16x384xf32, #tpu.memory_space<vmem>> -> memref<1x1x16x384xf32, #tpu.memory_space<vmem>>
        %dma_wait3A_225 = tpu.memref_squeeze %dma_wait3A_224 : memref<1x1x16x384xf32, #tpu.memory_space<vmem>> -> memref<16x384xf32, #tpu.memory_space<vmem>>
        %dma_wait3A_226 = arith.constant 0 : i32
        %dma_wait3A_227 = arith.constant 0 : i32
        %dma_wait3A_228 = tpu.memref_slice %arg2[%dma_wait3A, %dma_wait3A_211, %dma_wait3A_226, %dma_wait3A_227] : memref<2x96x384x384xf32, #tpu.memory_space<hbm>> -> memref<1x1x16x384xf32, #tpu.memory_space<hbm>>
        %dma_wait3A_229 = tpu.memref_squeeze %dma_wait3A_228 : memref<1x1x16x384xf32, #tpu.memory_space<hbm>> -> memref<16x384xf32, #tpu.memory_space<hbm>>
        tpu.wait_dma2 semaphore(%arg11 : memref<!tpu.dma_semaphore, #tpu.memory_space<semaphore_mem>>) src(%dma_wait3A_229 : memref<16x384xf32, #tpu.memory_space<hbm>>) dst(%dma_wait3A_225 : memref<16x384xf32, #tpu.memory_space<vmem>>)
        %dma_wait3A_230 = arith.constant 0 : i32
        %dma_wait3A_231 = arith.constant 0 : i32
        %dma_wait3A_232 = arith.constant 0 : i32
        %dma_wait3A_233 = arith.constant 1 : i32
        %dma_wait3A_234 = arith.constant 0 : i32
        %dma_wait3A_235 = arith.constant 0 : i32
        %dma_wait3A_236 = tpu.memref_slice %arg8[%dma_wait3A_232, %dma_wait3A_233, %dma_wait3A_234, %dma_wait3A_235] : memref<2x2x16x384xf32, #tpu.memory_space<vmem>> -> memref<1x1x16x384xf32, #tpu.memory_space<vmem>>
        %dma_wait3A_237 = tpu.memref_squeeze %dma_wait3A_236 : memref<1x1x16x384xf32, #tpu.memory_space<vmem>> -> memref<16x384xf32, #tpu.memory_space<vmem>>
        %dma_wait3A_238 = arith.constant 0 : i32
        %dma_wait3A_239 = arith.constant 0 : i32
        %dma_wait3A_240 = tpu.memref_slice %arg2[%dma_wait3A_230, %dma_wait3A_231, %dma_wait3A_238, %dma_wait3A_239] : memref<2x96x384x384xf32, #tpu.memory_space<hbm>> -> memref<1x1x16x384xf32, #tpu.memory_space<hbm>>
        %dma_wait3A_241 = tpu.memref_squeeze %dma_wait3A_240 : memref<1x1x16x384xf32, #tpu.memory_space<hbm>> -> memref<16x384xf32, #tpu.memory_space<hbm>>
        %dma_wait3A_242 = arith.constant 0 : i32
        %dma_wait3A_243 = arith.constant 0 : i32
        %dma_wait3A_244 = tpu.memref_slice %arg8[%dma_wait3A_232, %dma_wait3A_233, %dma_wait3A_242, %dma_wait3A_243] : memref<2x2x16x384xf32, #tpu.memory_space<vmem>> -> memref<1x1x16x384xf32, #tpu.memory_space<vmem>>
        %dma_wait3A_245 = tpu.memref_squeeze %dma_wait3A_244 : memref<1x1x16x384xf32, #tpu.memory_space<vmem>> -> memref<16x384xf32, #tpu.memory_space<vmem>>
        %dma_wait3A_246 = arith.constant 0 : i32
        %dma_wait3A_247 = arith.constant 0 : i32
        %dma_wait3A_248 = tpu.memref_slice %arg2[%dma_wait3A_230, %dma_wait3A_231, %dma_wait3A_246, %dma_wait3A_247] : memref<2x96x384x384xf32, #tpu.memory_space<hbm>> -> memref<1x1x16x384xf32, #tpu.memory_space<hbm>>
        %dma_wait3A_249 = tpu.memref_squeeze %dma_wait3A_248 : memref<1x1x16x384xf32, #tpu.memory_space<hbm>> -> memref<16x384xf32, #tpu.memory_space<hbm>>
        tpu.wait_dma2 semaphore(%arg11 : memref<!tpu.dma_semaphore, #tpu.memory_space<semaphore_mem>>) src(%dma_wait3A_249 : memref<16x384xf32, #tpu.memory_space<hbm>>) dst(%dma_wait3A_245 : memref<16x384xf32, #tpu.memory_space<vmem>>)
        %dma_wait3A_250 = arith.constant 0 : i32
        %dma_wait3A_251 = arith.constant 0 : i32
        %dma_wait3A_252 = arith.constant 0 : i32
        %dma_wait3A_253 = arith.constant 0 : i32
        %dma_wait3A_254 = tpu.memref_slice %arg9[%dma_wait3A_251, %dma_wait3A_252, %dma_wait3A_253] : memref<2x16x384xi32, #tpu.memory_space<vmem>> -> memref<1x16x384xi32, #tpu.memory_space<vmem>>
        %dma_wait3A_255 = tpu.memref_squeeze %dma_wait3A_254 : memref<1x16x384xi32, #tpu.memory_space<vmem>> -> memref<16x384xi32, #tpu.memory_space<vmem>>
        %dma_wait3A_256 = arith.constant 0 : i32
        %dma_wait3A_257 = arith.constant 0 : i32
        %dma_wait3A_258 = tpu.memref_slice %arg3[%dma_wait3A_250, %dma_wait3A_256, %dma_wait3A_257] : memref<2x384x384xi32, #tpu.memory_space<hbm>> -> memref<1x16x384xi32, #tpu.memory_space<hbm>>
        %dma_wait3A_259 = tpu.memref_squeeze %dma_wait3A_258 : memref<1x16x384xi32, #tpu.memory_space<hbm>> -> memref<16x384xi32, #tpu.memory_space<hbm>>
        %dma_wait3A_260 = arith.constant 0 : i32
        %dma_wait3A_261 = arith.constant 0 : i32
        %dma_wait3A_262 = tpu.memref_slice %arg9[%dma_wait3A_251, %dma_wait3A_260, %dma_wait3A_261] : memref<2x16x384xi32, #tpu.memory_space<vmem>> -> memref<1x16x384xi32, #tpu.memory_space<vmem>>
        %dma_wait3A_263 = tpu.memref_squeeze %dma_wait3A_262 : memref<1x16x384xi32, #tpu.memory_space<vmem>> -> memref<16x384xi32, #tpu.memory_space<vmem>>
        %dma_wait3A_264 = arith.constant 0 : i32
        %dma_wait3A_265 = arith.constant 0 : i32
        %dma_wait3A_266 = tpu.memref_slice %arg3[%dma_wait3A_250, %dma_wait3A_264, %dma_wait3A_265] : memref<2x384x384xi32, #tpu.memory_space<hbm>> -> memref<1x16x384xi32, #tpu.memory_space<hbm>>
        %dma_wait3A_267 = tpu.memref_squeeze %dma_wait3A_266 : memref<1x16x384xi32, #tpu.memory_space<hbm>> -> memref<16x384xi32, #tpu.memory_space<hbm>>
        tpu.wait_dma2 semaphore(%arg11 : memref<!tpu.dma_semaphore, #tpu.memory_space<semaphore_mem>>) src(%dma_wait3A_267 : memref<16x384xi32, #tpu.memory_space<hbm>>) dst(%dma_wait3A_263 : memref<16x384xi32, #tpu.memory_space<vmem>>)
        %dma_wait3A_268 = arith.constant 0 : i32
        %dma_wait3A_269 = arith.constant 0 : i32
        %dma_wait3A_270 = arith.constant 0 : i32
        %dma_wait3A_271 = arith.constant 0 : i32
        %dma_wait3A_272 = tpu.memref_slice %arg10[%dma_wait3A_269, %dma_wait3A_270, %dma_wait3A_271] : memref<2x16x384xf32, #tpu.memory_space<vmem>> -> memref<1x16x384xf32, #tpu.memory_space<vmem>>
        %dma_wait3A_273 = tpu.memref_squeeze %dma_wait3A_272 : memref<1x16x384xf32, #tpu.memory_space<vmem>> -> memref<16x384xf32, #tpu.memory_space<vmem>>
        %dma_wait3A_274 = arith.constant 0 : i32
        %dma_wait3A_275 = arith.constant 0 : i32
        %dma_wait3A_276 = tpu.memref_slice %arg4[%dma_wait3A_268, %dma_wait3A_274, %dma_wait3A_275] : memref<2x384x384xf32, #tpu.memory_space<hbm>> -> memref<1x16x384xf32, #tpu.memory_space<hbm>>
        %dma_wait3A_277 = tpu.memref_squeeze %dma_wait3A_276 : memref<1x16x384xf32, #tpu.memory_space<hbm>> -> memref<16x384xf32, #tpu.memory_space<hbm>>
        %dma_wait3A_278 = arith.constant 0 : i32
        %dma_wait3A_279 = arith.constant 0 : i32
        %dma_wait3A_280 = tpu.memref_slice %arg10[%dma_wait3A_269, %dma_wait3A_278, %dma_wait3A_279] : memref<2x16x384xf32, #tpu.memory_space<vmem>> -> memref<1x16x384xf32, #tpu.memory_space<vmem>>
        %dma_wait3A_281 = tpu.memref_squeeze %dma_wait3A_280 : memref<1x16x384xf32, #tpu.memory_space<vmem>> -> memref<16x384xf32, #tpu.memory_space<vmem>>
        %dma_wait3A_282 = arith.constant 0 : i32
        %dma_wait3A_283 = arith.constant 0 : i32
        %dma_wait3A_284 = tpu.memref_slice %arg4[%dma_wait3A_268, %dma_wait3A_282, %dma_wait3A_283] : memref<2x384x384xf32, #tpu.memory_space<hbm>> -> memref<1x16x384xf32, #tpu.memory_space<hbm>>
        %dma_wait3A_285 = tpu.memref_squeeze %dma_wait3A_284 : memref<1x16x384xf32, #tpu.memory_space<hbm>> -> memref<16x384xf32, #tpu.memory_space<hbm>>
        tpu.wait_dma2 semaphore(%arg11 : memref<!tpu.dma_semaphore, #tpu.memory_space<semaphore_mem>>) src(%dma_wait3A_285 : memref<16x384xf32, #tpu.memory_space<hbm>>) dst(%dma_wait3A_281 : memref<16x384xf32, #tpu.memory_space<vmem>>)
        %parallel_loop3A_286 = arith.constant 0 : i32
        %parallel_loop3A_287 = arith.constant 384 : i32
        %parallel_loop3A_288 = arith.constant 1 : i32
        scf.for %parallel_loop3A_372 = %parallel_loop3A_286 to %parallel_loop3A_287 step %parallel_loop3A_288  : i32 {
          %parallel_loop3A_373 = arith.constant 24 : i32
          %parallel_loop3A_374 = arith.divsi %parallel_loop3A_372, %parallel_loop3A_373 : i32
          %parallel_loop3A_375 = arith.constant 0 : i32
          %parallel_loop3A_376 = arith.cmpi sgt, %parallel_loop3A_372, %parallel_loop3A_375 : i32
          %parallel_loop3A_377 = arith.extui %parallel_loop3A_376 : i1 to i32
          %parallel_loop3A_378 = arith.constant 0 : i32
          %parallel_loop3A_379 = arith.cmpi slt, %parallel_loop3A_372, %parallel_loop3A_378 : i32
          %parallel_loop3A_380 = arith.extui %parallel_loop3A_379 : i1 to i32
          %parallel_loop3A_381 = arith.subi %parallel_loop3A_377, %parallel_loop3A_380 : i32
          %parallel_loop3A_382 = arith.constant 0 : i32
          %parallel_loop3A_383 = arith.cmpi sgt, %parallel_loop3A_373, %parallel_loop3A_382 : i32
          %parallel_loop3A_384 = arith.extui %parallel_loop3A_383 : i1 to i32
          %parallel_loop3A_385 = arith.constant 0 : i32
          %parallel_loop3A_386 = arith.cmpi slt, %parallel_loop3A_373, %parallel_loop3A_385 : i32
          %parallel_loop3A_387 = arith.extui %parallel_loop3A_386 : i1 to i32
          %parallel_loop3A_388 = arith.subi %parallel_loop3A_384, %parallel_loop3A_387 : i32
          %parallel_loop3A_389 = arith.cmpi ne, %parallel_loop3A_381, %parallel_loop3A_388 : i32
          %parallel_loop3A_390 = arith.remsi %parallel_loop3A_372, %parallel_loop3A_373 : i32
          %parallel_loop3A_391 = arith.constant 0 : i32
          %parallel_loop3A_392 = arith.cmpi ne, %parallel_loop3A_390, %parallel_loop3A_391 : i32
          %parallel_loop3A_393 = arith.andi %parallel_loop3A_389, %parallel_loop3A_392 : i1
          %parallel_loop3A_394 = arith.constant 1 : i32
          %parallel_loop3A_395 = arith.subi %parallel_loop3A_374, %parallel_loop3A_394 : i32
          %parallel_loop3A_396 = arith.select %parallel_loop3A_393, %parallel_loop3A_395, %parallel_loop3A_374 : i32
          %parallel_loop3A_397 = arith.constant 24 : i32
          %parallel_loop3A_398 = arith.muli %parallel_loop3A_396, %parallel_loop3A_397 : i32
          %parallel_loop3A_399 = arith.subi %parallel_loop3A_372, %parallel_loop3A_398 : i32
          %parallel_loop3A_400 = arith.constant 16 : i32
          %parallel_loop3A_401 = arith.muli %parallel_loop3A_399, %parallel_loop3A_400 : i32
          %parallel_loop3A_402 = arith.constant 0 : i32
          %parallel_loop3A_403 = arith.index_cast %parallel_loop3A_402 : i32 to index
          %parallel_loop3A_404 = arith.index_cast %parallel_loop3A_396 : i32 to index
          %parallel_loop3A_405 = arith.index_cast %parallel_loop3A_401 : i32 to index
          %parallel_loop3A_406 = tpu.vector_load %arg9[%parallel_loop3A_403, %parallel_loop3A_404, %parallel_loop3A_405] {strides = array<i32>} : memref<2x16x384xi32, #tpu.memory_space<vmem>>, vector<16xi32>,
          %parallel_loop3A_407 = arith.constant 0 : i32
          %parallel_loop3A_408 = arith.index_cast %parallel_loop3A_407 : i32 to index
          %parallel_loop3A_409 = arith.index_cast %parallel_loop3A_396 : i32 to index
          %parallel_loop3A_410 = arith.index_cast %parallel_loop3A_401 : i32 to index
          %parallel_loop3A_411 = tpu.vector_load %arg10[%parallel_loop3A_408, %parallel_loop3A_409, %parallel_loop3A_410] {strides = array<i32>} : memref<2x16x384xf32, #tpu.memory_space<vmem>>, vector<16xf32>,
          %parallel_loop3A_412 = arith.constant 0 : i32
          %parallel_loop3A_413 = arith.constant 0 : i32
          %parallel_loop3A_414 = arith.index_cast %parallel_loop3A_412 : i32 to index
          %parallel_loop3A_415 = arith.index_cast %parallel_loop3A_413 : i32 to index
          %parallel_loop3A_416 = arith.index_cast %parallel_loop3A_396 : i32 to index
          %parallel_loop3A_417 = arith.index_cast %parallel_loop3A_401 : i32 to index
          %parallel_loop3A_418 = tpu.vector_load %arg8[%parallel_loop3A_414, %parallel_loop3A_415, %parallel_loop3A_416, %parallel_loop3A_417] {strides = array<i32>} : memref<2x2x16x384xf32, #tpu.memory_space<vmem>>, vector<16xf32>,
          %parallel_loop3A_419 = arith.mulf %parallel_loop3A_418, %parallel_loop3A_411 : vector<16xf32>
          tpu.vector_store_idx %arg7[%parallel_loop3A_406], %parallel_loop3A_419 {add = true} : memref<73728xf32, #tpu.memory_space<vmem>>[vector<16xi32>], vector<16xf32>,
          %parallel_loop3A_420 = arith.constant 36864 : i32
          %parallel_loop3A_421 = vector.broadcast %parallel_loop3A_420 : i32 to vector<16xi32>
          %parallel_loop3A_422 = arith.addi %parallel_loop3A_406, %parallel_loop3A_421 : vector<16xi32>
          %parallel_loop3A_423 = arith.constant 0 : i32
          %parallel_loop3A_424 = arith.constant 1 : i32
          %parallel_loop3A_425 = arith.index_cast %parallel_loop3A_423 : i32 to index
          %parallel_loop3A_426 = arith.index_cast %parallel_loop3A_424 : i32 to index
          %parallel_loop3A_427 = arith.index_cast %parallel_loop3A_396 : i32 to index
          %parallel_loop3A_428 = arith.index_cast %parallel_loop3A_401 : i32 to index
          %parallel_loop3A_429 = tpu.vector_load %arg8[%parallel_loop3A_425, %parallel_loop3A_426, %parallel_loop3A_427, %parallel_loop3A_428] {strides = array<i32>} : memref<2x2x16x384xf32, #tpu.memory_space<vmem>>, vector<16xf32>,
          %parallel_loop3A_430 = arith.mulf %parallel_loop3A_429, %parallel_loop3A_411 : vector<16xf32>
          tpu.vector_store_idx %arg7[%parallel_loop3A_422], %parallel_loop3A_430 {add = true} : memref<73728xf32, #tpu.memory_space<vmem>>[vector<16xi32>], vector<16xf32>,
        } {sc.loop_unroll_factor = 8 : i64, sc.parallel_access}
        %lt3A_289 = arith.constant 11 : i32
        %lt3A_290 = arith.cmpi slt, %scan3A_139, %lt3A_289 : i32
        %convert_element_type3A = arith.extui %lt3A_290 : i1 to i32
        %cond3A = arith.constant 0 : i32
        %cond3A_291 = arith.cmpi ne, %convert_element_type3A, %cond3A : i32
        scf.if %cond3A_291 {
          %mul3A_372 = arith.constant 2 : i32
          %mul3A_373 = arith.muli %mul3A_372, %scan3A_139 : i32
          %add3A_374 = arith.constant 2 : i32
          %add3A_375 = arith.addi %mul3A_373, %add3A_374 : i32
          %mul3A_376 = arith.constant 16 : i32
          %mul3A_377 = arith.muli %add3A_375, %mul3A_376 : i32
          %dma_start3A_378 = arith.constant 0 : i32
          %dma_start3A_379 = arith.constant 0 : i32
          %dma_start3A_380 = arith.constant 0 : i32
          %dma_start3A_381 = arith.constant 0 : i32
          %dma_start3A_382 = tpu.memref_slice %arg8[%dma_start3A_378, %dma_start3A_379, %dma_start3A_380, %dma_start3A_381] : memref<2x2x16x384xf32, #tpu.memory_space<vmem>> -> memref<1x1x16x384xf32, #tpu.memory_space<vmem>>
          %dma_start3A_383 = tpu.memref_squeeze %dma_start3A_382 : memref<1x1x16x384xf32, #tpu.memory_space<vmem>> -> memref<16x384xf32, #tpu.memory_space<vmem>>
          %dma_start3A_384 = arith.constant 0 : i32
          %dma_start3A_385 = tpu.memref_slice %arg2[%select_n3A_49, %mul3A_54, %mul3A_377, %dma_start3A_384] : memref<2x96x384x384xf32, #tpu.memory_space<hbm>> -> memref<1x1x16x384xf32, #tpu.memory_space<hbm>>
          %dma_start3A_386 = tpu.memref_squeeze %dma_start3A_385 : memref<1x1x16x384xf32, #tpu.memory_space<hbm>> -> memref<16x384xf32, #tpu.memory_space<hbm>>
          %dma_start3A_387 = arith.constant 0 : i32
          %dma_start3A_388 = arith.constant 0 : i32
          %dma_start3A_389 = tpu.memref_slice %arg8[%dma_start3A_378, %dma_start3A_379, %dma_start3A_387, %dma_start3A_388] : memref<2x2x16x384xf32, #tpu.memory_space<vmem>> -> memref<1x1x16x384xf32, #tpu.memory_space<vmem>>
          %dma_start3A_390 = tpu.memref_squeeze %dma_start3A_389 : memref<1x1x16x384xf32, #tpu.memory_space<vmem>> -> memref<16x384xf32, #tpu.memory_space<vmem>>
          %dma_start3A_391 = arith.constant 0 : i32
          %dma_start3A_392 = tpu.memref_slice %arg2[%select_n3A_49, %mul3A_54, %mul3A_377, %dma_start3A_391] : memref<2x96x384x384xf32, #tpu.memory_space<hbm>> -> memref<1x1x16x384xf32, #tpu.memory_space<hbm>>
          %dma_start3A_393 = tpu.memref_squeeze %dma_start3A_392 : memref<1x1x16x384xf32, #tpu.memory_space<hbm>> -> memref<16x384xf32, #tpu.memory_space<hbm>>
          tpu.enqueue_dma source(%dma_start3A_393 : memref<16x384xf32, #tpu.memory_space<hbm>>) target(%dma_start3A_390 : memref<16x384xf32, #tpu.memory_space<vmem>>) target_semaphore(%arg11 : memref<!tpu.dma_semaphore, #tpu.memory_space<semaphore_mem>>)
          %add3A_394 = arith.constant 1 : i32
          %add3A_395 = arith.addi %mul3A_54, %add3A_394 : i32
          %dma_start3A_396 = arith.constant 0 : i32
          %dma_start3A_397 = arith.constant 1 : i32
          %dma_start3A_398 = arith.constant 0 : i32
          %dma_start3A_399 = arith.constant 0 : i32
          %dma_start3A_400 = tpu.memref_slice %arg8[%dma_start3A_396, %dma_start3A_397, %dma_start3A_398, %dma_start3A_399] : memref<2x2x16x384xf32, #tpu.memory_space<vmem>> -> memref<1x1x16x384xf32, #tpu.memory_space<vmem>>
          %dma_start3A_401 = tpu.memref_squeeze %dma_start3A_400 : memref<1x1x16x384xf32, #tpu.memory_space<vmem>> -> memref<16x384xf32, #tpu.memory_space<vmem>>
          %dma_start3A_402 = arith.constant 0 : i32
          %dma_start3A_403 = tpu.memref_slice %arg2[%select_n3A_49, %add3A_395, %mul3A_377, %dma_start3A_402] : memref<2x96x384x384xf32, #tpu.memory_space<hbm>> -> memref<1x1x16x384xf32, #tpu.memory_space<hbm>>
          %dma_start3A_404 = tpu.memref_squeeze %dma_start3A_403 : memref<1x1x16x384xf32, #tpu.memory_space<hbm>> -> memref<16x384xf32, #tpu.memory_space<hbm>>
          %dma_start3A_405 = arith.constant 0 : i32
          %dma_start3A_406 = arith.constant 0 : i32
          %dma_start3A_407 = tpu.memref_slice %arg8[%dma_start3A_396, %dma_start3A_397, %dma_start3A_405, %dma_start3A_406] : memref<2x2x16x384xf32, #tpu.memory_space<vmem>> -> memref<1x1x16x384xf32, #tpu.memory_space<vmem>>
          %dma_start3A_408 = tpu.memref_squeeze %dma_start3A_407 : memref<1x1x16x384xf32, #tpu.memory_space<vmem>> -> memref<16x384xf32, #tpu.memory_space<vmem>>
          %dma_start3A_409 = arith.constant 0 : i32
          %dma_start3A_410 = tpu.memref_slice %arg2[%select_n3A_49, %add3A_395, %mul3A_377, %dma_start3A_409] : memref<2x96x384x384xf32, #tpu.memory_space<hbm>> -> memref<1x1x16x384xf32, #tpu.memory_space<hbm>>
          %dma_start3A_411 = tpu.memref_squeeze %dma_start3A_410 : memref<1x1x16x384xf32, #tpu.memory_space<hbm>> -> memref<16x384xf32, #tpu.memory_space<hbm>>
          tpu.enqueue_dma source(%dma_start3A_411 : memref<16x384xf32, #tpu.memory_space<hbm>>) target(%dma_start3A_408 : memref<16x384xf32, #tpu.memory_space<vmem>>) target_semaphore(%arg11 : memref<!tpu.dma_semaphore, #tpu.memory_space<semaphore_mem>>)
          %dma_start3A_412 = arith.constant 0 : i32
          %dma_start3A_413 = arith.constant 0 : i32
          %dma_start3A_414 = arith.constant 0 : i32
          %dma_start3A_415 = tpu.memref_slice %arg9[%dma_start3A_412, %dma_start3A_413, %dma_start3A_414] : memref<2x16x384xi32, #tpu.memory_space<vmem>> -> memref<1x16x384xi32, #tpu.memory_space<vmem>>
          %dma_start3A_416 = tpu.memref_squeeze %dma_start3A_415 : memref<1x16x384xi32, #tpu.memory_space<vmem>> -> memref<16x384xi32, #tpu.memory_space<vmem>>
          %dma_start3A_417 = arith.constant 0 : i32
          %dma_start3A_418 = tpu.memref_slice %arg3[%select_n3A_49, %mul3A_377, %dma_start3A_417] : memref<2x384x384xi32, #tpu.memory_space<hbm>> -> memref<1x16x384xi32, #tpu.memory_space<hbm>>
          %dma_start3A_419 = tpu.memref_squeeze %dma_start3A_418 : memref<1x16x384xi32, #tpu.memory_space<hbm>> -> memref<16x384xi32, #tpu.memory_space<hbm>>
          %dma_start3A_420 = arith.constant 0 : i32
          %dma_start3A_421 = arith.constant 0 : i32
          %dma_start3A_422 = tpu.memref_slice %arg9[%dma_start3A_412, %dma_start3A_420, %dma_start3A_421] : memref<2x16x384xi32, #tpu.memory_space<vmem>> -> memref<1x16x384xi32, #tpu.memory_space<vmem>>
          %dma_start3A_423 = tpu.memref_squeeze %dma_start3A_422 : memref<1x16x384xi32, #tpu.memory_space<vmem>> -> memref<16x384xi32, #tpu.memory_space<vmem>>
          %dma_start3A_424 = arith.constant 0 : i32
          %dma_start3A_425 = tpu.memref_slice %arg3[%select_n3A_49, %mul3A_377, %dma_start3A_424] : memref<2x384x384xi32, #tpu.memory_space<hbm>> -> memref<1x16x384xi32, #tpu.memory_space<hbm>>
          %dma_start3A_426 = tpu.memref_squeeze %dma_start3A_425 : memref<1x16x384xi32, #tpu.memory_space<hbm>> -> memref<16x384xi32, #tpu.memory_space<hbm>>
          tpu.enqueue_dma source(%dma_start3A_426 : memref<16x384xi32, #tpu.memory_space<hbm>>) target(%dma_start3A_423 : memref<16x384xi32, #tpu.memory_space<vmem>>) target_semaphore(%arg11 : memref<!tpu.dma_semaphore, #tpu.memory_space<semaphore_mem>>)
          %dma_start3A_427 = arith.constant 0 : i32
          %dma_start3A_428 = arith.constant 0 : i32
          %dma_start3A_429 = arith.constant 0 : i32
          %dma_start3A_430 = tpu.memref_slice %arg10[%dma_start3A_427, %dma_start3A_428, %dma_start3A_429] : memref<2x16x384xf32, #tpu.memory_space<vmem>> -> memref<1x16x384xf32, #tpu.memory_space<vmem>>
          %dma_start3A_431 = tpu.memref_squeeze %dma_start3A_430 : memref<1x16x384xf32, #tpu.memory_space<vmem>> -> memref<16x384xf32, #tpu.memory_space<vmem>>
          %dma_start3A_432 = arith.constant 0 : i32
          %dma_start3A_433 = tpu.memref_slice %arg4[%select_n3A_49, %mul3A_377, %dma_start3A_432] : memref<2x384x384xf32, #tpu.memory_space<hbm>> -> memref<1x16x384xf32, #tpu.memory_space<hbm>>
          %dma_start3A_434 = tpu.memref_squeeze %dma_start3A_433 : memref<1x16x384xf32, #tpu.memory_space<hbm>> -> memref<16x384xf32, #tpu.memory_space<hbm>>
          %dma_start3A_435 = arith.constant 0 : i32
          %dma_start3A_436 = arith.constant 0 : i32
          %dma_start3A_437 = tpu.memref_slice %arg10[%dma_start3A_427, %dma_start3A_435, %dma_start3A_436] : memref<2x16x384xf32, #tpu.memory_space<vmem>> -> memref<1x16x384xf32, #tpu.memory_space<vmem>>
          %dma_start3A_438 = tpu.memref_squeeze %dma_start3A_437 : memref<1x16x384xf32, #tpu.memory_space<vmem>> -> memref<16x384xf32, #tpu.memory_space<vmem>>
          %dma_start3A_439 = arith.constant 0 : i32
          %dma_start3A_440 = tpu.memref_slice %arg4[%select_n3A_49, %mul3A_377, %dma_start3A_439] : memref<2x384x384xf32, #tpu.memory_space<hbm>> -> memref<1x16x384xf32, #tpu.memory_space<hbm>>
          %dma_start3A_441 = tpu.memref_squeeze %dma_start3A_440 : memref<1x16x384xf32, #tpu.memory_space<hbm>> -> memref<16x384xf32, #tpu.memory_space<hbm>>
          tpu.enqueue_dma source(%dma_start3A_441 : memref<16x384xf32, #tpu.memory_space<hbm>>) target(%dma_start3A_438 : memref<16x384xf32, #tpu.memory_space<vmem>>) target_semaphore(%arg11 : memref<!tpu.dma_semaphore, #tpu.memory_space<semaphore_mem>>)
        } else {
        }
        %dma_wait3A_292 = arith.constant 0 : i32
        %dma_wait3A_293 = arith.constant 0 : i32
        %dma_wait3A_294 = arith.constant 1 : i32
        %dma_wait3A_295 = arith.constant 0 : i32
        %dma_wait3A_296 = arith.constant 0 : i32
        %dma_wait3A_297 = arith.constant 0 : i32
        %dma_wait3A_298 = tpu.memref_slice %arg8[%dma_wait3A_294, %dma_wait3A_295, %dma_wait3A_296, %dma_wait3A_297] : memref<2x2x16x384xf32, #tpu.memory_space<vmem>> -> memref<1x1x16x384xf32, #tpu.memory_space<vmem>>
        %dma_wait3A_299 = tpu.memref_squeeze %dma_wait3A_298 : memref<1x1x16x384xf32, #tpu.memory_space<vmem>> -> memref<16x384xf32, #tpu.memory_space<vmem>>
        %dma_wait3A_300 = arith.constant 0 : i32
        %dma_wait3A_301 = arith.constant 0 : i32
        %dma_wait3A_302 = tpu.memref_slice %arg2[%dma_wait3A_292, %dma_wait3A_293, %dma_wait3A_300, %dma_wait3A_301] : memref<2x96x384x384xf32, #tpu.memory_space<hbm>> -> memref<1x1x16x384xf32, #tpu.memory_space<hbm>>
        %dma_wait3A_303 = tpu.memref_squeeze %dma_wait3A_302 : memref<1x1x16x384xf32, #tpu.memory_space<hbm>> -> memref<16x384xf32, #tpu.memory_space<hbm>>
        %dma_wait3A_304 = arith.constant 0 : i32
        %dma_wait3A_305 = arith.constant 0 : i32
        %dma_wait3A_306 = tpu.memref_slice %arg8[%dma_wait3A_294, %dma_wait3A_295, %dma_wait3A_304, %dma_wait3A_305] : memref<2x2x16x384xf32, #tpu.memory_space<vmem>> -> memref<1x1x16x384xf32, #tpu.memory_space<vmem>>
        %dma_wait3A_307 = tpu.memref_squeeze %dma_wait3A_306 : memref<1x1x16x384xf32, #tpu.memory_space<vmem>> -> memref<16x384xf32, #tpu.memory_space<vmem>>
        %dma_wait3A_308 = arith.constant 0 : i32
        %dma_wait3A_309 = arith.constant 0 : i32
        %dma_wait3A_310 = tpu.memref_slice %arg2[%dma_wait3A_292, %dma_wait3A_293, %dma_wait3A_308, %dma_wait3A_309] : memref<2x96x384x384xf32, #tpu.memory_space<hbm>> -> memref<1x1x16x384xf32, #tpu.memory_space<hbm>>
        %dma_wait3A_311 = tpu.memref_squeeze %dma_wait3A_310 : memref<1x1x16x384xf32, #tpu.memory_space<hbm>> -> memref<16x384xf32, #tpu.memory_space<hbm>>
        tpu.wait_dma2 semaphore(%arg12 : memref<!tpu.dma_semaphore, #tpu.memory_space<semaphore_mem>>) src(%dma_wait3A_311 : memref<16x384xf32, #tpu.memory_space<hbm>>) dst(%dma_wait3A_307 : memref<16x384xf32, #tpu.memory_space<vmem>>)
        %dma_wait3A_312 = arith.constant 0 : i32
        %dma_wait3A_313 = arith.constant 0 : i32
        %dma_wait3A_314 = arith.constant 1 : i32
        %dma_wait3A_315 = arith.constant 1 : i32
        %dma_wait3A_316 = arith.constant 0 : i32
        %dma_wait3A_317 = arith.constant 0 : i32
        %dma_wait3A_318 = tpu.memref_slice %arg8[%dma_wait3A_314, %dma_wait3A_315, %dma_wait3A_316, %dma_wait3A_317] : memref<2x2x16x384xf32, #tpu.memory_space<vmem>> -> memref<1x1x16x384xf32, #tpu.memory_space<vmem>>
        %dma_wait3A_319 = tpu.memref_squeeze %dma_wait3A_318 : memref<1x1x16x384xf32, #tpu.memory_space<vmem>> -> memref<16x384xf32, #tpu.memory_space<vmem>>
        %dma_wait3A_320 = arith.constant 0 : i32
        %dma_wait3A_321 = arith.constant 0 : i32
        %dma_wait3A_322 = tpu.memref_slice %arg2[%dma_wait3A_312, %dma_wait3A_313, %dma_wait3A_320, %dma_wait3A_321] : memref<2x96x384x384xf32, #tpu.memory_space<hbm>> -> memref<1x1x16x384xf32, #tpu.memory_space<hbm>>
        %dma_wait3A_323 = tpu.memref_squeeze %dma_wait3A_322 : memref<1x1x16x384xf32, #tpu.memory_space<hbm>> -> memref<16x384xf32, #tpu.memory_space<hbm>>
        %dma_wait3A_324 = arith.constant 0 : i32
        %dma_wait3A_325 = arith.constant 0 : i32
        %dma_wait3A_326 = tpu.memref_slice %arg8[%dma_wait3A_314, %dma_wait3A_315, %dma_wait3A_324, %dma_wait3A_325] : memref<2x2x16x384xf32, #tpu.memory_space<vmem>> -> memref<1x1x16x384xf32, #tpu.memory_space<vmem>>
        %dma_wait3A_327 = tpu.memref_squeeze %dma_wait3A_326 : memref<1x1x16x384xf32, #tpu.memory_space<vmem>> -> memref<16x384xf32, #tpu.memory_space<vmem>>
        %dma_wait3A_328 = arith.constant 0 : i32
        %dma_wait3A_329 = arith.constant 0 : i32
        %dma_wait3A_330 = tpu.memref_slice %arg2[%dma_wait3A_312, %dma_wait3A_313, %dma_wait3A_328, %dma_wait3A_329] : memref<2x96x384x384xf32, #tpu.memory_space<hbm>> -> memref<1x1x16x384xf32, #tpu.memory_space<hbm>>
        %dma_wait3A_331 = tpu.memref_squeeze %dma_wait3A_330 : memref<1x1x16x384xf32, #tpu.memory_space<hbm>> -> memref<16x384xf32, #tpu.memory_space<hbm>>
        tpu.wait_dma2 semaphore(%arg12 : memref<!tpu.dma_semaphore, #tpu.memory_space<semaphore_mem>>) src(%dma_wait3A_331 : memref<16x384xf32, #tpu.memory_space<hbm>>) dst(%dma_wait3A_327 : memref<16x384xf32, #tpu.memory_space<vmem>>)
        %dma_wait3A_332 = arith.constant 0 : i32
        %dma_wait3A_333 = arith.constant 1 : i32
        %dma_wait3A_334 = arith.constant 0 : i32
        %dma_wait3A_335 = arith.constant 0 : i32
        %dma_wait3A_336 = tpu.memref_slice %arg9[%dma_wait3A_333, %dma_wait3A_334, %dma_wait3A_335] : memref<2x16x384xi32, #tpu.memory_space<vmem>> -> memref<1x16x384xi32, #tpu.memory_space<vmem>>
        %dma_wait3A_337 = tpu.memref_squeeze %dma_wait3A_336 : memref<1x16x384xi32, #tpu.memory_space<vmem>> -> memref<16x384xi32, #tpu.memory_space<vmem>>
        %dma_wait3A_338 = arith.constant 0 : i32
        %dma_wait3A_339 = arith.constant 0 : i32
        %dma_wait3A_340 = tpu.memref_slice %arg3[%dma_wait3A_332, %dma_wait3A_338, %dma_wait3A_339] : memref<2x384x384xi32, #tpu.memory_space<hbm>> -> memref<1x16x384xi32, #tpu.memory_space<hbm>>
        %dma_wait3A_341 = tpu.memref_squeeze %dma_wait3A_340 : memref<1x16x384xi32, #tpu.memory_space<hbm>> -> memref<16x384xi32, #tpu.memory_space<hbm>>
        %dma_wait3A_342 = arith.constant 0 : i32
        %dma_wait3A_343 = arith.constant 0 : i32
        %dma_wait3A_344 = tpu.memref_slice %arg9[%dma_wait3A_333, %dma_wait3A_342, %dma_wait3A_343] : memref<2x16x384xi32, #tpu.memory_space<vmem>> -> memref<1x16x384xi32, #tpu.memory_space<vmem>>
        %dma_wait3A_345 = tpu.memref_squeeze %dma_wait3A_344 : memref<1x16x384xi32, #tpu.memory_space<vmem>> -> memref<16x384xi32, #tpu.memory_space<vmem>>
        %dma_wait3A_346 = arith.constant 0 : i32
        %dma_wait3A_347 = arith.constant 0 : i32
        %dma_wait3A_348 = tpu.memref_slice %arg3[%dma_wait3A_332, %dma_wait3A_346, %dma_wait3A_347] : memref<2x384x384xi32, #tpu.memory_space<hbm>> -> memref<1x16x384xi32, #tpu.memory_space<hbm>>
        %dma_wait3A_349 = tpu.memref_squeeze %dma_wait3A_348 : memref<1x16x384xi32, #tpu.memory_space<hbm>> -> memref<16x384xi32, #tpu.memory_space<hbm>>
        tpu.wait_dma2 semaphore(%arg12 : memref<!tpu.dma_semaphore, #tpu.memory_space<semaphore_mem>>) src(%dma_wait3A_349 : memref<16x384xi32, #tpu.memory_space<hbm>>) dst(%dma_wait3A_345 : memref<16x384xi32, #tpu.memory_space<vmem>>)
        %dma_wait3A_350 = arith.constant 0 : i32
        %dma_wait3A_351 = arith.constant 1 : i32
        %dma_wait3A_352 = arith.constant 0 : i32
        %dma_wait3A_353 = arith.constant 0 : i32
        %dma_wait3A_354 = tpu.memref_slice %arg10[%dma_wait3A_351, %dma_wait3A_352, %dma_wait3A_353] : memref<2x16x384xf32, #tpu.memory_space<vmem>> -> memref<1x16x384xf32, #tpu.memory_space<vmem>>
        %dma_wait3A_355 = tpu.memref_squeeze %dma_wait3A_354 : memref<1x16x384xf32, #tpu.memory_space<vmem>> -> memref<16x384xf32, #tpu.memory_space<vmem>>
        %dma_wait3A_356 = arith.constant 0 : i32
        %dma_wait3A_357 = arith.constant 0 : i32
        %dma_wait3A_358 = tpu.memref_slice %arg4[%dma_wait3A_350, %dma_wait3A_356, %dma_wait3A_357] : memref<2x384x384xf32, #tpu.memory_space<hbm>> -> memref<1x16x384xf32, #tpu.memory_space<hbm>>
        %dma_wait3A_359 = tpu.memref_squeeze %dma_wait3A_358 : memref<1x16x384xf32, #tpu.memory_space<hbm>> -> memref<16x384xf32, #tpu.memory_space<hbm>>
        %dma_wait3A_360 = arith.constant 0 : i32
        %dma_wait3A_361 = arith.constant 0 : i32
        %dma_wait3A_362 = tpu.memref_slice %arg10[%dma_wait3A_351, %dma_wait3A_360, %dma_wait3A_361] : memref<2x16x384xf32, #tpu.memory_space<vmem>> -> memref<1x16x384xf32, #tpu.memory_space<vmem>>
        %dma_wait3A_363 = tpu.memref_squeeze %dma_wait3A_362 : memref<1x16x384xf32, #tpu.memory_space<vmem>> -> memref<16x384xf32, #tpu.memory_space<vmem>>
        %dma_wait3A_364 = arith.constant 0 : i32
        %dma_wait3A_365 = arith.constant 0 : i32
        %dma_wait3A_366 = tpu.memref_slice %arg4[%dma_wait3A_350, %dma_wait3A_364, %dma_wait3A_365] : memref<2x384x384xf32, #tpu.memory_space<hbm>> -> memref<1x16x384xf32, #tpu.memory_space<hbm>>
        %dma_wait3A_367 = tpu.memref_squeeze %dma_wait3A_366 : memref<1x16x384xf32, #tpu.memory_space<hbm>> -> memref<16x384xf32, #tpu.memory_space<hbm>>
        tpu.wait_dma2 semaphore(%arg12 : memref<!tpu.dma_semaphore, #tpu.memory_space<semaphore_mem>>) src(%dma_wait3A_367 : memref<16x384xf32, #tpu.memory_space<hbm>>) dst(%dma_wait3A_363 : memref<16x384xf32, #tpu.memory_space<vmem>>)
        %parallel_loop3A_368 = arith.constant 0 : i32
        %parallel_loop3A_369 = arith.constant 384 : i32
        %parallel_loop3A_370 = arith.constant 1 : i32
        scf.for %parallel_loop3A_372 = %parallel_loop3A_368 to %parallel_loop3A_369 step %parallel_loop3A_370  : i32 {
          %parallel_loop3A_373 = arith.constant 24 : i32
          %parallel_loop3A_374 = arith.divsi %parallel_loop3A_372, %parallel_loop3A_373 : i32
          %parallel_loop3A_375 = arith.constant 0 : i32
          %parallel_loop3A_376 = arith.cmpi sgt, %parallel_loop3A_372, %parallel_loop3A_375 : i32
          %parallel_loop3A_377 = arith.extui %parallel_loop3A_376 : i1 to i32
          %parallel_loop3A_378 = arith.constant 0 : i32
          %parallel_loop3A_379 = arith.cmpi slt, %parallel_loop3A_372, %parallel_loop3A_378 : i32
          %parallel_loop3A_380 = arith.extui %parallel_loop3A_379 : i1 to i32
          %parallel_loop3A_381 = arith.subi %parallel_loop3A_377, %parallel_loop3A_380 : i32
          %parallel_loop3A_382 = arith.constant 0 : i32
          %parallel_loop3A_383 = arith.cmpi sgt, %parallel_loop3A_373, %parallel_loop3A_382 : i32
          %parallel_loop3A_384 = arith.extui %parallel_loop3A_383 : i1 to i32
          %parallel_loop3A_385 = arith.constant 0 : i32
          %parallel_loop3A_386 = arith.cmpi slt, %parallel_loop3A_373, %parallel_loop3A_385 : i32
          %parallel_loop3A_387 = arith.extui %parallel_loop3A_386 : i1 to i32
          %parallel_loop3A_388 = arith.subi %parallel_loop3A_384, %parallel_loop3A_387 : i32
          %parallel_loop3A_389 = arith.cmpi ne, %parallel_loop3A_381, %parallel_loop3A_388 : i32
          %parallel_loop3A_390 = arith.remsi %parallel_loop3A_372, %parallel_loop3A_373 : i32
          %parallel_loop3A_391 = arith.constant 0 : i32
          %parallel_loop3A_392 = arith.cmpi ne, %parallel_loop3A_390, %parallel_loop3A_391 : i32
          %parallel_loop3A_393 = arith.andi %parallel_loop3A_389, %parallel_loop3A_392 : i1
          %parallel_loop3A_394 = arith.constant 1 : i32
          %parallel_loop3A_395 = arith.subi %parallel_loop3A_374, %parallel_loop3A_394 : i32
          %parallel_loop3A_396 = arith.select %parallel_loop3A_393, %parallel_loop3A_395, %parallel_loop3A_374 : i32
          %parallel_loop3A_397 = arith.constant 24 : i32
          %parallel_loop3A_398 = arith.muli %parallel_loop3A_396, %parallel_loop3A_397 : i32
          %parallel_loop3A_399 = arith.subi %parallel_loop3A_372, %parallel_loop3A_398 : i32
          %parallel_loop3A_400 = arith.constant 16 : i32
          %parallel_loop3A_401 = arith.muli %parallel_loop3A_399, %parallel_loop3A_400 : i32
          %parallel_loop3A_402 = arith.constant 1 : i32
          %parallel_loop3A_403 = arith.index_cast %parallel_loop3A_402 : i32 to index
          %parallel_loop3A_404 = arith.index_cast %parallel_loop3A_396 : i32 to index
          %parallel_loop3A_405 = arith.index_cast %parallel_loop3A_401 : i32 to index
          %parallel_loop3A_406 = tpu.vector_load %arg9[%parallel_loop3A_403, %parallel_loop3A_404, %parallel_loop3A_405] {strides = array<i32>} : memref<2x16x384xi32, #tpu.memory_space<vmem>>, vector<16xi32>,
          %parallel_loop3A_407 = arith.constant 1 : i32
          %parallel_loop3A_408 = arith.index_cast %parallel_loop3A_407 : i32 to index
          %parallel_loop3A_409 = arith.index_cast %parallel_loop3A_396 : i32 to index
          %parallel_loop3A_410 = arith.index_cast %parallel_loop3A_401 : i32 to index
          %parallel_loop3A_411 = tpu.vector_load %arg10[%parallel_loop3A_408, %parallel_loop3A_409, %parallel_loop3A_410] {strides = array<i32>} : memref<2x16x384xf32, #tpu.memory_space<vmem>>, vector<16xf32>,
          %parallel_loop3A_412 = arith.constant 1 : i32
          %parallel_loop3A_413 = arith.constant 0 : i32
          %parallel_loop3A_414 = arith.index_cast %parallel_loop3A_412 : i32 to index
          %parallel_loop3A_415 = arith.index_cast %parallel_loop3A_413 : i32 to index
          %parallel_loop3A_416 = arith.index_cast %parallel_loop3A_396 : i32 to index
          %parallel_loop3A_417 = arith.index_cast %parallel_loop3A_401 : i32 to index
          %parallel_loop3A_418 = tpu.vector_load %arg8[%parallel_loop3A_414, %parallel_loop3A_415, %parallel_loop3A_416, %parallel_loop3A_417] {strides = array<i32>} : memref<2x2x16x384xf32, #tpu.memory_space<vmem>>, vector<16xf32>,
          %parallel_loop3A_419 = arith.mulf %parallel_loop3A_418, %parallel_loop3A_411 : vector<16xf32>
          tpu.vector_store_idx %arg7[%parallel_loop3A_406], %parallel_loop3A_419 {add = true} : memref<73728xf32, #tpu.memory_space<vmem>>[vector<16xi32>], vector<16xf32>,
          %parallel_loop3A_420 = arith.constant 36864 : i32
          %parallel_loop3A_421 = vector.broadcast %parallel_loop3A_420 : i32 to vector<16xi32>
          %parallel_loop3A_422 = arith.addi %parallel_loop3A_406, %parallel_loop3A_421 : vector<16xi32>
          %parallel_loop3A_423 = arith.constant 1 : i32
          %parallel_loop3A_424 = arith.constant 1 : i32
          %parallel_loop3A_425 = arith.index_cast %parallel_loop3A_423 : i32 to index
          %parallel_loop3A_426 = arith.index_cast %parallel_loop3A_424 : i32 to index
          %parallel_loop3A_427 = arith.index_cast %parallel_loop3A_396 : i32 to index
          %parallel_loop3A_428 = arith.index_cast %parallel_loop3A_401 : i32 to index
          %parallel_loop3A_429 = tpu.vector_load %arg8[%parallel_loop3A_425, %parallel_loop3A_426, %parallel_loop3A_427, %parallel_loop3A_428] {strides = array<i32>} : memref<2x2x16x384xf32, #tpu.memory_space<vmem>>, vector<16xf32>,
          %parallel_loop3A_430 = arith.mulf %parallel_loop3A_429, %parallel_loop3A_411 : vector<16xf32>
          tpu.vector_store_idx %arg7[%parallel_loop3A_422], %parallel_loop3A_430 {add = true} : memref<73728xf32, #tpu.memory_space<vmem>>[vector<16xi32>], vector<16xf32>,
        } {sc.loop_unroll_factor = 8 : i64, sc.parallel_access}
        %scan3A_371 = arith.constant 0 : i32
        scf.yield %scan3A_371 : i32
      }
      %scan3A_135 = arith.constant 12 : i32
      "tpu.region"() ({
        %run_scoped3A_139 = tpu.sem_alloc : memref<!tpu.dma_semaphore, #tpu.memory_space<semaphore_mem>>
        %dma_start3A_140 = arith.constant 0 : i32
        %dma_start3A_141 = tpu.memref_slice %arg7[%dma_start3A_140] : memref<73728xf32, #tpu.memory_space<vmem>> -> memref<36864xf32, #tpu.memory_space<vmem>>
        %dma_start3A_142 = arith.constant 0 : i32
        %dma_start3A_143 = tpu.memref_slice %arg5[%select_n3A_49, %mul3A_54, %dma_start3A_142] : memref<2x96x36864xf32, #tpu.memory_space<hbm>> -> memref<1x1x36864xf32, #tpu.memory_space<hbm>>
        %dma_start3A_144 = tpu.memref_squeeze %dma_start3A_143 : memref<1x1x36864xf32, #tpu.memory_space<hbm>> -> memref<36864xf32, #tpu.memory_space<hbm>>
        %dma_start3A_145 = arith.constant 0 : i32
        %dma_start3A_146 = tpu.memref_slice %arg5[%select_n3A_49, %mul3A_54, %dma_start3A_145] : memref<2x96x36864xf32, #tpu.memory_space<hbm>> -> memref<1x1x36864xf32, #tpu.memory_space<hbm>>
        %dma_start3A_147 = tpu.memref_squeeze %dma_start3A_146 : memref<1x1x36864xf32, #tpu.memory_space<hbm>> -> memref<36864xf32, #tpu.memory_space<hbm>>
        %dma_start3A_148 = arith.constant 0 : i32
        %dma_start3A_149 = tpu.memref_slice %arg7[%dma_start3A_148] : memref<73728xf32, #tpu.memory_space<vmem>> -> memref<36864xf32, #tpu.memory_space<vmem>>
        tpu.enqueue_dma source(%dma_start3A_149 : memref<36864xf32, #tpu.memory_space<vmem>>) target(%dma_start3A_147 : memref<36864xf32, #tpu.memory_space<hbm>>) target_semaphore(%run_scoped3A_139 : memref<!tpu.dma_semaphore, #tpu.memory_space<semaphore_mem>>)
        %dma_wait3A = arith.constant 0 : i32
        %dma_wait3A_150 = tpu.memref_slice %arg7[%dma_wait3A] : memref<73728xf32, #tpu.memory_space<vmem>> -> memref<36864xf32, #tpu.memory_space<vmem>>
        %dma_wait3A_151 = arith.constant 0 : i32
        %dma_wait3A_152 = tpu.memref_slice %arg5[%select_n3A_49, %mul3A_54, %dma_wait3A_151] : memref<2x96x36864xf32, #tpu.memory_space<hbm>> -> memref<1x1x36864xf32, #tpu.memory_space<hbm>>
        %dma_wait3A_153 = tpu.memref_squeeze %dma_wait3A_152 : memref<1x1x36864xf32, #tpu.memory_space<hbm>> -> memref<36864xf32, #tpu.memory_space<hbm>>
        %dma_wait3A_154 = arith.constant 0 : i32
        %dma_wait3A_155 = tpu.memref_slice %arg5[%select_n3A_49, %mul3A_54, %dma_wait3A_154] : memref<2x96x36864xf32, #tpu.memory_space<hbm>> -> memref<1x1x36864xf32, #tpu.memory_space<hbm>>
        %dma_wait3A_156 = tpu.memref_squeeze %dma_wait3A_155 : memref<1x1x36864xf32, #tpu.memory_space<hbm>> -> memref<36864xf32, #tpu.memory_space<hbm>>
        %dma_wait3A_157 = arith.constant 0 : i32
        %dma_wait3A_158 = tpu.memref_slice %arg7[%dma_wait3A_157] : memref<73728xf32, #tpu.memory_space<vmem>> -> memref<36864xf32, #tpu.memory_space<vmem>>
        tpu.wait_dma2 semaphore(%run_scoped3A_139 : memref<!tpu.dma_semaphore, #tpu.memory_space<semaphore_mem>>) src(%dma_wait3A_158 : memref<36864xf32, #tpu.memory_space<vmem>>) dst(%dma_wait3A_156 : memref<36864xf32, #tpu.memory_space<hbm>>)
        tpu.yield
      }) : () -> ()
      %add3A_136 = arith.constant 1 : i32
      %add3A_137 = arith.addi %mul3A_54, %add3A_136 : i32
      "tpu.region"() ({
        %run_scoped3A_139 = tpu.sem_alloc : memref<!tpu.dma_semaphore, #tpu.memory_space<semaphore_mem>>
        %dma_start3A_140 = arith.constant 36864 : i32
        %dma_start3A_141 = tpu.memref_slice %arg7[%dma_start3A_140] : memref<73728xf32, #tpu.memory_space<vmem>> -> memref<36864xf32, #tpu.memory_space<vmem>>
        %dma_start3A_142 = arith.constant 0 : i32
        %dma_start3A_143 = tpu.memref_slice %arg5[%select_n3A_49, %add3A_137, %dma_start3A_142] : memref<2x96x36864xf32, #tpu.memory_space<hbm>> -> memref<1x1x36864xf32, #tpu.memory_space<hbm>>
        %dma_start3A_144 = tpu.memref_squeeze %dma_start3A_143 : memref<1x1x36864xf32, #tpu.memory_space<hbm>> -> memref<36864xf32, #tpu.memory_space<hbm>>
        %dma_start3A_145 = arith.constant 0 : i32
        %dma_start3A_146 = tpu.memref_slice %arg5[%select_n3A_49, %add3A_137, %dma_start3A_145] : memref<2x96x36864xf32, #tpu.memory_space<hbm>> -> memref<1x1x36864xf32, #tpu.memory_space<hbm>>
        %dma_start3A_147 = tpu.memref_squeeze %dma_start3A_146 : memref<1x1x36864xf32, #tpu.memory_space<hbm>> -> memref<36864xf32, #tpu.memory_space<hbm>>
        %dma_start3A_148 = arith.constant 36864 : i32
        %dma_start3A_149 = tpu.memref_slice %arg7[%dma_start3A_148] : memref<73728xf32, #tpu.memory_space<vmem>> -> memref<36864xf32, #tpu.memory_space<vmem>>
        tpu.enqueue_dma source(%dma_start3A_149 : memref<36864xf32, #tpu.memory_space<vmem>>) target(%dma_start3A_147 : memref<36864xf32, #tpu.memory_space<hbm>>) target_semaphore(%run_scoped3A_139 : memref<!tpu.dma_semaphore, #tpu.memory_space<semaphore_mem>>)
        %dma_wait3A = arith.constant 36864 : i32
        %dma_wait3A_150 = tpu.memref_slice %arg7[%dma_wait3A] : memref<73728xf32, #tpu.memory_space<vmem>> -> memref<36864xf32, #tpu.memory_space<vmem>>
        %dma_wait3A_151 = arith.constant 0 : i32
        %dma_wait3A_152 = tpu.memref_slice %arg5[%select_n3A_49, %add3A_137, %dma_wait3A_151] : memref<2x96x36864xf32, #tpu.memory_space<hbm>> -> memref<1x1x36864xf32, #tpu.memory_space<hbm>>
        %dma_wait3A_153 = tpu.memref_squeeze %dma_wait3A_152 : memref<1x1x36864xf32, #tpu.memory_space<hbm>> -> memref<36864xf32, #tpu.memory_space<hbm>>
        %dma_wait3A_154 = arith.constant 0 : i32
        %dma_wait3A_155 = tpu.memref_slice %arg5[%select_n3A_49, %add3A_137, %dma_wait3A_154] : memref<2x96x36864xf32, #tpu.memory_space<hbm>> -> memref<1x1x36864xf32, #tpu.memory_space<hbm>>
        %dma_wait3A_156 = tpu.memref_squeeze %dma_wait3A_155 : memref<1x1x36864xf32, #tpu.memory_space<hbm>> -> memref<36864xf32, #tpu.memory_space<hbm>>
        %dma_wait3A_157 = arith.constant 36864 : i32
        %dma_wait3A_158 = tpu.memref_slice %arg7[%dma_wait3A_157] : memref<73728xf32, #tpu.memory_space<vmem>> -> memref<36864xf32, #tpu.memory_space<vmem>>
        tpu.wait_dma2 semaphore(%run_scoped3A_139 : memref<!tpu.dma_semaphore, #tpu.memory_space<semaphore_mem>>) src(%dma_wait3A_158 : memref<36864xf32, #tpu.memory_space<vmem>>) dst(%dma_wait3A_156 : memref<36864xf32, #tpu.memory_space<hbm>>)
        tpu.yield
      }) : () -> ()
      %scan3A_138 = arith.constant 0 : i32
      scf.yield %scan3A_138 : i32
    }
    %scan3A_7 = arith.constant 3 : i32
    %lt3A = arith.constant 16 : i32
    %lt3A_8 = arith.cmpi slt, %add3A, %lt3A : i32
    %jit3A = arith.constant 0 : i32
    %jit3A_9 = arith.constant 1 : i32
    %select_n3A = arith.select %lt3A_8, %jit3A, %jit3A_9 : i32
    %mul3A_10 = arith.constant 16 : i32
    %mul3A_11 = arith.muli %mul3A_10, %select_n3A : i32
    %sub3A = arith.subi %add3A, %mul3A_11 : i32
    %parallel_loop3A = arith.constant 0 : i32
    %parallel_loop3A_12 = arith.constant 2304 : i32
    %parallel_loop3A_13 = arith.constant 1 : i32
    scf.for %parallel_loop3A_40 = %parallel_loop3A to %parallel_loop3A_12 step %parallel_loop3A_13  : i32 {
      %parallel_loop3A_41 = arith.constant 16 : i32
      %parallel_loop3A_42 = arith.muli %parallel_loop3A_40, %parallel_loop3A_41 : i32
      %parallel_loop3A_43 = arith.index_cast %parallel_loop3A_42 : i32 to index
      %parallel_loop3A_44 = tpu.vector_load %arg7[%parallel_loop3A_43] {strides = array<i32>} : memref<73728xf32, #tpu.memory_space<vmem>>, vector<16xf32>,
      tpu.vector_store %arg7[%parallel_loop3A_43], %broadcast_in_dim3A_1 {strides = array<i32>} : memref<73728xf32, #tpu.memory_space<vmem>>, vector<16xf32>,
    } {sc.loop_unroll_factor = 8 : i64, sc.parallel_access}
    %mul3A_14 = arith.constant 24 : i32
    %mul3A_15 = arith.muli %sub3A, %mul3A_14 : i32
    %add3A_16 = arith.constant 0 : i32
    %add3A_17 = arith.addi %mul3A_15, %add3A_16 : i32
    %run_scoped3A = arith.constant 0 : i32
    "tpu.region"() ({
      %run_scoped3A_40 = tpu.sem_alloc : memref<!tpu.dma_semaphore, #tpu.memory_space<semaphore_mem>>
      %dma_start3A = arith.constant 0 : i32
      %dma_start3A_41 = arith.constant 0 : i32
      %dma_start3A_42 = tpu.memref_slice %arg9[%run_scoped3A, %dma_start3A, %dma_start3A_41] : memref<2x16x384xi32, #tpu.memory_space<vmem>> -> memref<1x8x384xi32, #tpu.memory_space<vmem>>
      %dma_start3A_43 = tpu.memref_squeeze %dma_start3A_42 : memref<1x8x384xi32, #tpu.memory_space<vmem>> -> memref<8x384xi32, #tpu.memory_space<vmem>>
      %dma_start3A_44 = arith.constant 0 : i32
      %dma_start3A_45 = tpu.memref_slice %arg3[%select_n3A, %add3A_17, %dma_start3A_44] : memref<2x384x384xi32, #tpu.memory_space<hbm>> -> memref<1x8x384xi32, #tpu.memory_space<hbm>>
      %dma_start3A_46 = tpu.memref_squeeze %dma_start3A_45 : memref<1x8x384xi32, #tpu.memory_space<hbm>> -> memref<8x384xi32, #tpu.memory_space<hbm>>
      %dma_start3A_47 = arith.constant 0 : i32
      %dma_start3A_48 = arith.constant 0 : i32
      %dma_start3A_49 = tpu.memref_slice %arg9[%run_scoped3A, %dma_start3A_47, %dma_start3A_48] : memref<2x16x384xi32, #tpu.memory_space<vmem>> -> memref<1x8x384xi32, #tpu.memory_space<vmem>>
      %dma_start3A_50 = tpu.memref_squeeze %dma_start3A_49 : memref<1x8x384xi32, #tpu.memory_space<vmem>> -> memref<8x384xi32, #tpu.memory_space<vmem>>
      %dma_start3A_51 = arith.constant 0 : i32
      %dma_start3A_52 = tpu.memref_slice %arg3[%select_n3A, %add3A_17, %dma_start3A_51] : memref<2x384x384xi32, #tpu.memory_space<hbm>> -> memref<1x8x384xi32, #tpu.memory_space<hbm>>
      %dma_start3A_53 = tpu.memref_squeeze %dma_start3A_52 : memref<1x8x384xi32, #tpu.memory_space<hbm>> -> memref<8x384xi32, #tpu.memory_space<hbm>>
      tpu.enqueue_dma source(%dma_start3A_53 : memref<8x384xi32, #tpu.memory_space<hbm>>) target(%dma_start3A_50 : memref<8x384xi32, #tpu.memory_space<vmem>>) target_semaphore(%run_scoped3A_40 : memref<!tpu.dma_semaphore, #tpu.memory_space<semaphore_mem>>)
      %dma_wait3A = arith.constant 0 : i32
      %dma_wait3A_54 = arith.constant 0 : i32
      %dma_wait3A_55 = tpu.memref_slice %arg9[%run_scoped3A, %dma_wait3A, %dma_wait3A_54] : memref<2x16x384xi32, #tpu.memory_space<vmem>> -> memref<1x8x384xi32, #tpu.memory_space<vmem>>
      %dma_wait3A_56 = tpu.memref_squeeze %dma_wait3A_55 : memref<1x8x384xi32, #tpu.memory_space<vmem>> -> memref<8x384xi32, #tpu.memory_space<vmem>>
      %dma_wait3A_57 = arith.constant 0 : i32
      %dma_wait3A_58 = tpu.memref_slice %arg3[%select_n3A, %add3A_17, %dma_wait3A_57] : memref<2x384x384xi32, #tpu.memory_space<hbm>> -> memref<1x8x384xi32, #tpu.memory_space<hbm>>
      %dma_wait3A_59 = tpu.memref_squeeze %dma_wait3A_58 : memref<1x8x384xi32, #tpu.memory_space<hbm>> -> memref<8x384xi32, #tpu.memory_space<hbm>>
      %dma_wait3A_60 = arith.constant 0 : i32
      %dma_wait3A_61 = arith.constant 0 : i32
      %dma_wait3A_62 = tpu.memref_slice %arg9[%run_scoped3A, %dma_wait3A_60, %dma_wait3A_61] : memref<2x16x384xi32, #tpu.memory_space<vmem>> -> memref<1x8x384xi32, #tpu.memory_space<vmem>>
      %dma_wait3A_63 = tpu.memref_squeeze %dma_wait3A_62 : memref<1x8x384xi32, #tpu.memory_space<vmem>> -> memref<8x384xi32, #tpu.memory_space<vmem>>
      %dma_wait3A_64 = arith.constant 0 : i32
      %dma_wait3A_65 = tpu.memref_slice %arg3[%select_n3A, %add3A_17, %dma_wait3A_64] : memref<2x384x384xi32, #tpu.memory_space<hbm>> -> memref<1x8x384xi32, #tpu.memory_space<hbm>>
      %dma_wait3A_66 = tpu.memref_squeeze %dma_wait3A_65 : memref<1x8x384xi32, #tpu.memory_space<hbm>> -> memref<8x384xi32, #tpu.memory_space<hbm>>
      tpu.wait_dma2 semaphore(%run_scoped3A_40 : memref<!tpu.dma_semaphore, #tpu.memory_space<semaphore_mem>>) src(%dma_wait3A_66 : memref<8x384xi32, #tpu.memory_space<hbm>>) dst(%dma_wait3A_63 : memref<8x384xi32, #tpu.memory_space<vmem>>)
      tpu.yield
    }) : () -> ()
    %run_scoped3A_18 = arith.constant 0 : i32
    "tpu.region"() ({
      %run_scoped3A_40 = tpu.sem_alloc : memref<!tpu.dma_semaphore, #tpu.memory_space<semaphore_mem>>
      %dma_start3A = arith.constant 0 : i32
      %dma_start3A_41 = arith.constant 0 : i32
      %dma_start3A_42 = tpu.memref_slice %arg10[%run_scoped3A_18, %dma_start3A, %dma_start3A_41] : memref<2x16x384xf32, #tpu.memory_space<vmem>> -> memref<1x8x384xf32, #tpu.memory_space<vmem>>
      %dma_start3A_43 = tpu.memref_squeeze %dma_start3A_42 : memref<1x8x384xf32, #tpu.memory_space<vmem>> -> memref<8x384xf32, #tpu.memory_space<vmem>>
      %dma_start3A_44 = arith.constant 0 : i32
      %dma_start3A_45 = tpu.memref_slice %arg4[%select_n3A, %add3A_17, %dma_start3A_44] : memref<2x384x384xf32, #tpu.memory_space<hbm>> -> memref<1x8x384xf32, #tpu.memory_space<hbm>>
      %dma_start3A_46 = tpu.memref_squeeze %dma_start3A_45 : memref<1x8x384xf32, #tpu.memory_space<hbm>> -> memref<8x384xf32, #tpu.memory_space<hbm>>
      %dma_start3A_47 = arith.constant 0 : i32
      %dma_start3A_48 = arith.constant 0 : i32
      %dma_start3A_49 = tpu.memref_slice %arg10[%run_scoped3A_18, %dma_start3A_47, %dma_start3A_48] : memref<2x16x384xf32, #tpu.memory_space<vmem>> -> memref<1x8x384xf32, #tpu.memory_space<vmem>>
      %dma_start3A_50 = tpu.memref_squeeze %dma_start3A_49 : memref<1x8x384xf32, #tpu.memory_space<vmem>> -> memref<8x384xf32, #tpu.memory_space<vmem>>
      %dma_start3A_51 = arith.constant 0 : i32
      %dma_start3A_52 = tpu.memref_slice %arg4[%select_n3A, %add3A_17, %dma_start3A_51] : memref<2x384x384xf32, #tpu.memory_space<hbm>> -> memref<1x8x384xf32, #tpu.memory_space<hbm>>
      %dma_start3A_53 = tpu.memref_squeeze %dma_start3A_52 : memref<1x8x384xf32, #tpu.memory_space<hbm>> -> memref<8x384xf32, #tpu.memory_space<hbm>>
      tpu.enqueue_dma source(%dma_start3A_53 : memref<8x384xf32, #tpu.memory_space<hbm>>) target(%dma_start3A_50 : memref<8x384xf32, #tpu.memory_space<vmem>>) target_semaphore(%run_scoped3A_40 : memref<!tpu.dma_semaphore, #tpu.memory_space<semaphore_mem>>)
      %dma_wait3A = arith.constant 0 : i32
      %dma_wait3A_54 = arith.constant 0 : i32
      %dma_wait3A_55 = tpu.memref_slice %arg10[%run_scoped3A_18, %dma_wait3A, %dma_wait3A_54] : memref<2x16x384xf32, #tpu.memory_space<vmem>> -> memref<1x8x384xf32, #tpu.memory_space<vmem>>
      %dma_wait3A_56 = tpu.memref_squeeze %dma_wait3A_55 : memref<1x8x384xf32, #tpu.memory_space<vmem>> -> memref<8x384xf32, #tpu.memory_space<vmem>>
      %dma_wait3A_57 = arith.constant 0 : i32
      %dma_wait3A_58 = tpu.memref_slice %arg4[%select_n3A, %add3A_17, %dma_wait3A_57] : memref<2x384x384xf32, #tpu.memory_space<hbm>> -> memref<1x8x384xf32, #tpu.memory_space<hbm>>
      %dma_wait3A_59 = tpu.memref_squeeze %dma_wait3A_58 : memref<1x8x384xf32, #tpu.memory_space<hbm>> -> memref<8x384xf32, #tpu.memory_space<hbm>>
      %dma_wait3A_60 = arith.constant 0 : i32
      %dma_wait3A_61 = arith.constant 0 : i32
      %dma_wait3A_62 = tpu.memref_slice %arg10[%run_scoped3A_18, %dma_wait3A_60, %dma_wait3A_61] : memref<2x16x384xf32, #tpu.memory_space<vmem>> -> memref<1x8x384xf32, #tpu.memory_space<vmem>>
      %dma_wait3A_63 = tpu.memref_squeeze %dma_wait3A_62 : memref<1x8x384xf32, #tpu.memory_space<vmem>> -> memref<8x384xf32, #tpu.memory_space<vmem>>
      %dma_wait3A_64 = arith.constant 0 : i32
      %dma_wait3A_65 = tpu.memref_slice %arg4[%select_n3A, %add3A_17, %dma_wait3A_64] : memref<2x384x384xf32, #tpu.memory_space<hbm>> -> memref<1x8x384xf32, #tpu.memory_space<hbm>>
      %dma_wait3A_66 = tpu.memref_squeeze %dma_wait3A_65 : memref<1x8x384xf32, #tpu.memory_space<hbm>> -> memref<8x384xf32, #tpu.memory_space<hbm>>
      tpu.wait_dma2 semaphore(%run_scoped3A_40 : memref<!tpu.dma_semaphore, #tpu.memory_space<semaphore_mem>>) src(%dma_wait3A_66 : memref<8x384xf32, #tpu.memory_space<hbm>>) dst(%dma_wait3A_63 : memref<8x384xf32, #tpu.memory_space<vmem>>)
      tpu.yield
    }) : () -> ()
    %parallel_loop3A_19 = arith.constant 0 : i32
    %parallel_loop3A_20 = arith.constant 192 : i32
    %parallel_loop3A_21 = arith.constant 1 : i32
    scf.for %parallel_loop3A_40 = %parallel_loop3A_19 to %parallel_loop3A_20 step %parallel_loop3A_21  : i32 {
      %parallel_loop3A_41 = arith.constant 24 : i32
      %parallel_loop3A_42 = arith.divsi %parallel_loop3A_40, %parallel_loop3A_41 : i32
      %parallel_loop3A_43 = arith.constant 0 : i32
      %parallel_loop3A_44 = arith.cmpi sgt, %parallel_loop3A_40, %parallel_loop3A_43 : i32
      %parallel_loop3A_45 = arith.extui %parallel_loop3A_44 : i1 to i32
      %parallel_loop3A_46 = arith.constant 0 : i32
      %parallel_loop3A_47 = arith.cmpi slt, %parallel_loop3A_40, %parallel_loop3A_46 : i32
      %parallel_loop3A_48 = arith.extui %parallel_loop3A_47 : i1 to i32
      %parallel_loop3A_49 = arith.subi %parallel_loop3A_45, %parallel_loop3A_48 : i32
      %parallel_loop3A_50 = arith.constant 0 : i32
      %parallel_loop3A_51 = arith.cmpi sgt, %parallel_loop3A_41, %parallel_loop3A_50 : i32
      %parallel_loop3A_52 = arith.extui %parallel_loop3A_51 : i1 to i32
      %parallel_loop3A_53 = arith.constant 0 : i32
      %parallel_loop3A_54 = arith.cmpi slt, %parallel_loop3A_41, %parallel_loop3A_53 : i32
      %parallel_loop3A_55 = arith.extui %parallel_loop3A_54 : i1 to i32
      %parallel_loop3A_56 = arith.subi %parallel_loop3A_52, %parallel_loop3A_55 : i32
      %parallel_loop3A_57 = arith.cmpi ne, %parallel_loop3A_49, %parallel_loop3A_56 : i32
      %parallel_loop3A_58 = arith.remsi %parallel_loop3A_40, %parallel_loop3A_41 : i32
      %parallel_loop3A_59 = arith.constant 0 : i32
      %parallel_loop3A_60 = arith.cmpi ne, %parallel_loop3A_58, %parallel_loop3A_59 : i32
      %parallel_loop3A_61 = arith.andi %parallel_loop3A_57, %parallel_loop3A_60 : i1
      %parallel_loop3A_62 = arith.constant 1 : i32
      %parallel_loop3A_63 = arith.subi %parallel_loop3A_42, %parallel_loop3A_62 : i32
      %parallel_loop3A_64 = arith.select %parallel_loop3A_61, %parallel_loop3A_63, %parallel_loop3A_42 : i32
      %parallel_loop3A_65 = arith.constant 24 : i32
      %parallel_loop3A_66 = arith.muli %parallel_loop3A_64, %parallel_loop3A_65 : i32
      %parallel_loop3A_67 = arith.subi %parallel_loop3A_40, %parallel_loop3A_66 : i32
      %parallel_loop3A_68 = arith.constant 16 : i32
      %parallel_loop3A_69 = arith.muli %parallel_loop3A_67, %parallel_loop3A_68 : i32
      %parallel_loop3A_70 = arith.constant 0 : i32
      %parallel_loop3A_71 = arith.index_cast %parallel_loop3A_70 : i32 to index
      %parallel_loop3A_72 = arith.index_cast %parallel_loop3A_64 : i32 to index
      %parallel_loop3A_73 = arith.index_cast %parallel_loop3A_69 : i32 to index
      %parallel_loop3A_74 = tpu.vector_load %arg9[%parallel_loop3A_71, %parallel_loop3A_72, %parallel_loop3A_73] {strides = array<i32>} : memref<2x16x384xi32, #tpu.memory_space<vmem>>, vector<16xi32>,
      %parallel_loop3A_75 = arith.constant 0 : i32
      %parallel_loop3A_76 = arith.index_cast %parallel_loop3A_75 : i32 to index
      %parallel_loop3A_77 = arith.index_cast %parallel_loop3A_64 : i32 to index
      %parallel_loop3A_78 = arith.index_cast %parallel_loop3A_69 : i32 to index
      %parallel_loop3A_79 = tpu.vector_load %arg10[%parallel_loop3A_76, %parallel_loop3A_77, %parallel_loop3A_78] {strides = array<i32>} : memref<2x16x384xf32, #tpu.memory_space<vmem>>, vector<16xf32>,
      tpu.vector_store_idx %arg7[%parallel_loop3A_74], %parallel_loop3A_79 {add = true} : memref<73728xf32, #tpu.memory_space<vmem>>[vector<16xi32>], vector<16xf32>,
    } {sc.loop_unroll_factor = 8 : i64, sc.parallel_access}
    %mul3A_22 = arith.constant 24 : i32
    %mul3A_23 = arith.muli %sub3A, %mul3A_22 : i32
    %add3A_24 = arith.constant 8 : i32
    %add3A_25 = arith.addi %mul3A_23, %add3A_24 : i32
    %run_scoped3A_26 = arith.constant 0 : i32
    "tpu.region"() ({
      %run_scoped3A_40 = tpu.sem_alloc : memref<!tpu.dma_semaphore, #tpu.memory_space<semaphore_mem>>
      %dma_start3A = arith.constant 0 : i32
      %dma_start3A_41 = arith.constant 0 : i32
      %dma_start3A_42 = tpu.memref_slice %arg9[%run_scoped3A_26, %dma_start3A, %dma_start3A_41] : memref<2x16x384xi32, #tpu.memory_space<vmem>> -> memref<1x8x384xi32, #tpu.memory_space<vmem>>
      %dma_start3A_43 = tpu.memref_squeeze %dma_start3A_42 : memref<1x8x384xi32, #tpu.memory_space<vmem>> -> memref<8x384xi32, #tpu.memory_space<vmem>>
      %dma_start3A_44 = arith.constant 0 : i32
      %dma_start3A_45 = tpu.memref_slice %arg3[%select_n3A, %add3A_25, %dma_start3A_44] : memref<2x384x384xi32, #tpu.memory_space<hbm>> -> memref<1x8x384xi32, #tpu.memory_space<hbm>>
      %dma_start3A_46 = tpu.memref_squeeze %dma_start3A_45 : memref<1x8x384xi32, #tpu.memory_space<hbm>> -> memref<8x384xi32, #tpu.memory_space<hbm>>
      %dma_start3A_47 = arith.constant 0 : i32
      %dma_start3A_48 = arith.constant 0 : i32
      %dma_start3A_49 = tpu.memref_slice %arg9[%run_scoped3A_26, %dma_start3A_47, %dma_start3A_48] : memref<2x16x384xi32, #tpu.memory_space<vmem>> -> memref<1x8x384xi32, #tpu.memory_space<vmem>>
      %dma_start3A_50 = tpu.memref_squeeze %dma_start3A_49 : memref<1x8x384xi32, #tpu.memory_space<vmem>> -> memref<8x384xi32, #tpu.memory_space<vmem>>
      %dma_start3A_51 = arith.constant 0 : i32
      %dma_start3A_52 = tpu.memref_slice %arg3[%select_n3A, %add3A_25, %dma_start3A_51] : memref<2x384x384xi32, #tpu.memory_space<hbm>> -> memref<1x8x384xi32, #tpu.memory_space<hbm>>
      %dma_start3A_53 = tpu.memref_squeeze %dma_start3A_52 : memref<1x8x384xi32, #tpu.memory_space<hbm>> -> memref<8x384xi32, #tpu.memory_space<hbm>>
      tpu.enqueue_dma source(%dma_start3A_53 : memref<8x384xi32, #tpu.memory_space<hbm>>) target(%dma_start3A_50 : memref<8x384xi32, #tpu.memory_space<vmem>>) target_semaphore(%run_scoped3A_40 : memref<!tpu.dma_semaphore, #tpu.memory_space<semaphore_mem>>)
      %dma_wait3A = arith.constant 0 : i32
      %dma_wait3A_54 = arith.constant 0 : i32
      %dma_wait3A_55 = tpu.memref_slice %arg9[%run_scoped3A_26, %dma_wait3A, %dma_wait3A_54] : memref<2x16x384xi32, #tpu.memory_space<vmem>> -> memref<1x8x384xi32, #tpu.memory_space<vmem>>
      %dma_wait3A_56 = tpu.memref_squeeze %dma_wait3A_55 : memref<1x8x384xi32, #tpu.memory_space<vmem>> -> memref<8x384xi32, #tpu.memory_space<vmem>>
      %dma_wait3A_57 = arith.constant 0 : i32
      %dma_wait3A_58 = tpu.memref_slice %arg3[%select_n3A, %add3A_25, %dma_wait3A_57] : memref<2x384x384xi32, #tpu.memory_space<hbm>> -> memref<1x8x384xi32, #tpu.memory_space<hbm>>
      %dma_wait3A_59 = tpu.memref_squeeze %dma_wait3A_58 : memref<1x8x384xi32, #tpu.memory_space<hbm>> -> memref<8x384xi32, #tpu.memory_space<hbm>>
      %dma_wait3A_60 = arith.constant 0 : i32
      %dma_wait3A_61 = arith.constant 0 : i32
      %dma_wait3A_62 = tpu.memref_slice %arg9[%run_scoped3A_26, %dma_wait3A_60, %dma_wait3A_61] : memref<2x16x384xi32, #tpu.memory_space<vmem>> -> memref<1x8x384xi32, #tpu.memory_space<vmem>>
      %dma_wait3A_63 = tpu.memref_squeeze %dma_wait3A_62 : memref<1x8x384xi32, #tpu.memory_space<vmem>> -> memref<8x384xi32, #tpu.memory_space<vmem>>
      %dma_wait3A_64 = arith.constant 0 : i32
      %dma_wait3A_65 = tpu.memref_slice %arg3[%select_n3A, %add3A_25, %dma_wait3A_64] : memref<2x384x384xi32, #tpu.memory_space<hbm>> -> memref<1x8x384xi32, #tpu.memory_space<hbm>>
      %dma_wait3A_66 = tpu.memref_squeeze %dma_wait3A_65 : memref<1x8x384xi32, #tpu.memory_space<hbm>> -> memref<8x384xi32, #tpu.memory_space<hbm>>
      tpu.wait_dma2 semaphore(%run_scoped3A_40 : memref<!tpu.dma_semaphore, #tpu.memory_space<semaphore_mem>>) src(%dma_wait3A_66 : memref<8x384xi32, #tpu.memory_space<hbm>>) dst(%dma_wait3A_63 : memref<8x384xi32, #tpu.memory_space<vmem>>)
      tpu.yield
    }) : () -> ()
    %run_scoped3A_27 = arith.constant 0 : i32
    "tpu.region"() ({
      %run_scoped3A_40 = tpu.sem_alloc : memref<!tpu.dma_semaphore, #tpu.memory_space<semaphore_mem>>
      %dma_start3A = arith.constant 0 : i32
      %dma_start3A_41 = arith.constant 0 : i32
      %dma_start3A_42 = tpu.memref_slice %arg10[%run_scoped3A_27, %dma_start3A, %dma_start3A_41] : memref<2x16x384xf32, #tpu.memory_space<vmem>> -> memref<1x8x384xf32, #tpu.memory_space<vmem>>
      %dma_start3A_43 = tpu.memref_squeeze %dma_start3A_42 : memref<1x8x384xf32, #tpu.memory_space<vmem>> -> memref<8x384xf32, #tpu.memory_space<vmem>>
      %dma_start3A_44 = arith.constant 0 : i32
      %dma_start3A_45 = tpu.memref_slice %arg4[%select_n3A, %add3A_25, %dma_start3A_44] : memref<2x384x384xf32, #tpu.memory_space<hbm>> -> memref<1x8x384xf32, #tpu.memory_space<hbm>>
      %dma_start3A_46 = tpu.memref_squeeze %dma_start3A_45 : memref<1x8x384xf32, #tpu.memory_space<hbm>> -> memref<8x384xf32, #tpu.memory_space<hbm>>
      %dma_start3A_47 = arith.constant 0 : i32
      %dma_start3A_48 = arith.constant 0 : i32
      %dma_start3A_49 = tpu.memref_slice %arg10[%run_scoped3A_27, %dma_start3A_47, %dma_start3A_48] : memref<2x16x384xf32, #tpu.memory_space<vmem>> -> memref<1x8x384xf32, #tpu.memory_space<vmem>>
      %dma_start3A_50 = tpu.memref_squeeze %dma_start3A_49 : memref<1x8x384xf32, #tpu.memory_space<vmem>> -> memref<8x384xf32, #tpu.memory_space<vmem>>
      %dma_start3A_51 = arith.constant 0 : i32
      %dma_start3A_52 = tpu.memref_slice %arg4[%select_n3A, %add3A_25, %dma_start3A_51] : memref<2x384x384xf32, #tpu.memory_space<hbm>> -> memref<1x8x384xf32, #tpu.memory_space<hbm>>
      %dma_start3A_53 = tpu.memref_squeeze %dma_start3A_52 : memref<1x8x384xf32, #tpu.memory_space<hbm>> -> memref<8x384xf32, #tpu.memory_space<hbm>>
      tpu.enqueue_dma source(%dma_start3A_53 : memref<8x384xf32, #tpu.memory_space<hbm>>) target(%dma_start3A_50 : memref<8x384xf32, #tpu.memory_space<vmem>>) target_semaphore(%run_scoped3A_40 : memref<!tpu.dma_semaphore, #tpu.memory_space<semaphore_mem>>)
      %dma_wait3A = arith.constant 0 : i32
      %dma_wait3A_54 = arith.constant 0 : i32
      %dma_wait3A_55 = tpu.memref_slice %arg10[%run_scoped3A_27, %dma_wait3A, %dma_wait3A_54] : memref<2x16x384xf32, #tpu.memory_space<vmem>> -> memref<1x8x384xf32, #tpu.memory_space<vmem>>
      %dma_wait3A_56 = tpu.memref_squeeze %dma_wait3A_55 : memref<1x8x384xf32, #tpu.memory_space<vmem>> -> memref<8x384xf32, #tpu.memory_space<vmem>>
      %dma_wait3A_57 = arith.constant 0 : i32
      %dma_wait3A_58 = tpu.memref_slice %arg4[%select_n3A, %add3A_25, %dma_wait3A_57] : memref<2x384x384xf32, #tpu.memory_space<hbm>> -> memref<1x8x384xf32, #tpu.memory_space<hbm>>
      %dma_wait3A_59 = tpu.memref_squeeze %dma_wait3A_58 : memref<1x8x384xf32, #tpu.memory_space<hbm>> -> memref<8x384xf32, #tpu.memory_space<hbm>>
      %dma_wait3A_60 = arith.constant 0 : i32
      %dma_wait3A_61 = arith.constant 0 : i32
      %dma_wait3A_62 = tpu.memref_slice %arg10[%run_scoped3A_27, %dma_wait3A_60, %dma_wait3A_61] : memref<2x16x384xf32, #tpu.memory_space<vmem>> -> memref<1x8x384xf32, #tpu.memory_space<vmem>>
      %dma_wait3A_63 = tpu.memref_squeeze %dma_wait3A_62 : memref<1x8x384xf32, #tpu.memory_space<vmem>> -> memref<8x384xf32, #tpu.memory_space<vmem>>
      %dma_wait3A_64 = arith.constant 0 : i32
      %dma_wait3A_65 = tpu.memref_slice %arg4[%select_n3A, %add3A_25, %dma_wait3A_64] : memref<2x384x384xf32, #tpu.memory_space<hbm>> -> memref<1x8x384xf32, #tpu.memory_space<hbm>>
      %dma_wait3A_66 = tpu.memref_squeeze %dma_wait3A_65 : memref<1x8x384xf32, #tpu.memory_space<hbm>> -> memref<8x384xf32, #tpu.memory_space<hbm>>
      tpu.wait_dma2 semaphore(%run_scoped3A_40 : memref<!tpu.dma_semaphore, #tpu.memory_space<semaphore_mem>>) src(%dma_wait3A_66 : memref<8x384xf32, #tpu.memory_space<hbm>>) dst(%dma_wait3A_63 : memref<8x384xf32, #tpu.memory_space<vmem>>)
      tpu.yield
    }) : () -> ()
    %parallel_loop3A_28 = arith.constant 0 : i32
    %parallel_loop3A_29 = arith.constant 192 : i32
    %parallel_loop3A_30 = arith.constant 1 : i32
    scf.for %parallel_loop3A_40 = %parallel_loop3A_28 to %parallel_loop3A_29 step %parallel_loop3A_30  : i32 {
      %parallel_loop3A_41 = arith.constant 24 : i32
      %parallel_loop3A_42 = arith.divsi %parallel_loop3A_40, %parallel_loop3A_41 : i32
      %parallel_loop3A_43 = arith.constant 0 : i32
      %parallel_loop3A_44 = arith.cmpi sgt, %parallel_loop3A_40, %parallel_loop3A_43 : i32
      %parallel_loop3A_45 = arith.extui %parallel_loop3A_44 : i1 to i32
      %parallel_loop3A_46 = arith.constant 0 : i32
      %parallel_loop3A_47 = arith.cmpi slt, %parallel_loop3A_40, %parallel_loop3A_46 : i32
      %parallel_loop3A_48 = arith.extui %parallel_loop3A_47 : i1 to i32
      %parallel_loop3A_49 = arith.subi %parallel_loop3A_45, %parallel_loop3A_48 : i32
      %parallel_loop3A_50 = arith.constant 0 : i32
      %parallel_loop3A_51 = arith.cmpi sgt, %parallel_loop3A_41, %parallel_loop3A_50 : i32
      %parallel_loop3A_52 = arith.extui %parallel_loop3A_51 : i1 to i32
      %parallel_loop3A_53 = arith.constant 0 : i32
      %parallel_loop3A_54 = arith.cmpi slt, %parallel_loop3A_41, %parallel_loop3A_53 : i32
      %parallel_loop3A_55 = arith.extui %parallel_loop3A_54 : i1 to i32
      %parallel_loop3A_56 = arith.subi %parallel_loop3A_52, %parallel_loop3A_55 : i32
      %parallel_loop3A_57 = arith.cmpi ne, %parallel_loop3A_49, %parallel_loop3A_56 : i32
      %parallel_loop3A_58 = arith.remsi %parallel_loop3A_40, %parallel_loop3A_41 : i32
      %parallel_loop3A_59 = arith.constant 0 : i32
      %parallel_loop3A_60 = arith.cmpi ne, %parallel_loop3A_58, %parallel_loop3A_59 : i32
      %parallel_loop3A_61 = arith.andi %parallel_loop3A_57, %parallel_loop3A_60 : i1
      %parallel_loop3A_62 = arith.constant 1 : i32
      %parallel_loop3A_63 = arith.subi %parallel_loop3A_42, %parallel_loop3A_62 : i32
      %parallel_loop3A_64 = arith.select %parallel_loop3A_61, %parallel_loop3A_63, %parallel_loop3A_42 : i32
      %parallel_loop3A_65 = arith.constant 24 : i32
      %parallel_loop3A_66 = arith.muli %parallel_loop3A_64, %parallel_loop3A_65 : i32
      %parallel_loop3A_67 = arith.subi %parallel_loop3A_40, %parallel_loop3A_66 : i32
      %parallel_loop3A_68 = arith.constant 16 : i32
      %parallel_loop3A_69 = arith.muli %parallel_loop3A_67, %parallel_loop3A_68 : i32
      %parallel_loop3A_70 = arith.constant 0 : i32
      %parallel_loop3A_71 = arith.index_cast %parallel_loop3A_70 : i32 to index
      %parallel_loop3A_72 = arith.index_cast %parallel_loop3A_64 : i32 to index
      %parallel_loop3A_73 = arith.index_cast %parallel_loop3A_69 : i32 to index
      %parallel_loop3A_74 = tpu.vector_load %arg9[%parallel_loop3A_71, %parallel_loop3A_72, %parallel_loop3A_73] {strides = array<i32>} : memref<2x16x384xi32, #tpu.memory_space<vmem>>, vector<16xi32>,
      %parallel_loop3A_75 = arith.constant 0 : i32
      %parallel_loop3A_76 = arith.index_cast %parallel_loop3A_75 : i32 to index
      %parallel_loop3A_77 = arith.index_cast %parallel_loop3A_64 : i32 to index
      %parallel_loop3A_78 = arith.index_cast %parallel_loop3A_69 : i32 to index
      %parallel_loop3A_79 = tpu.vector_load %arg10[%parallel_loop3A_76, %parallel_loop3A_77, %parallel_loop3A_78] {strides = array<i32>} : memref<2x16x384xf32, #tpu.memory_space<vmem>>, vector<16xf32>,
      tpu.vector_store_idx %arg7[%parallel_loop3A_74], %parallel_loop3A_79 {add = true} : memref<73728xf32, #tpu.memory_space<vmem>>[vector<16xi32>], vector<16xf32>,
    } {sc.loop_unroll_factor = 8 : i64, sc.parallel_access}
    %mul3A_31 = arith.constant 24 : i32
    %mul3A_32 = arith.muli %sub3A, %mul3A_31 : i32
    %add3A_33 = arith.constant 16 : i32
    %add3A_34 = arith.addi %mul3A_32, %add3A_33 : i32
    %run_scoped3A_35 = arith.constant 0 : i32
    "tpu.region"() ({
      %run_scoped3A_40 = tpu.sem_alloc : memref<!tpu.dma_semaphore, #tpu.memory_space<semaphore_mem>>
      %dma_start3A = arith.constant 0 : i32
      %dma_start3A_41 = arith.constant 0 : i32
      %dma_start3A_42 = tpu.memref_slice %arg9[%run_scoped3A_35, %dma_start3A, %dma_start3A_41] : memref<2x16x384xi32, #tpu.memory_space<vmem>> -> memref<1x8x384xi32, #tpu.memory_space<vmem>>
      %dma_start3A_43 = tpu.memref_squeeze %dma_start3A_42 : memref<1x8x384xi32, #tpu.memory_space<vmem>> -> memref<8x384xi32, #tpu.memory_space<vmem>>
      %dma_start3A_44 = arith.constant 0 : i32
      %dma_start3A_45 = tpu.memref_slice %arg3[%select_n3A, %add3A_34, %dma_start3A_44] : memref<2x384x384xi32, #tpu.memory_space<hbm>> -> memref<1x8x384xi32, #tpu.memory_space<hbm>>
      %dma_start3A_46 = tpu.memref_squeeze %dma_start3A_45 : memref<1x8x384xi32, #tpu.memory_space<hbm>> -> memref<8x384xi32, #tpu.memory_space<hbm>>
      %dma_start3A_47 = arith.constant 0 : i32
      %dma_start3A_48 = arith.constant 0 : i32
      %dma_start3A_49 = tpu.memref_slice %arg9[%run_scoped3A_35, %dma_start3A_47, %dma_start3A_48] : memref<2x16x384xi32, #tpu.memory_space<vmem>> -> memref<1x8x384xi32, #tpu.memory_space<vmem>>
      %dma_start3A_50 = tpu.memref_squeeze %dma_start3A_49 : memref<1x8x384xi32, #tpu.memory_space<vmem>> -> memref<8x384xi32, #tpu.memory_space<vmem>>
      %dma_start3A_51 = arith.constant 0 : i32
      %dma_start3A_52 = tpu.memref_slice %arg3[%select_n3A, %add3A_34, %dma_start3A_51] : memref<2x384x384xi32, #tpu.memory_space<hbm>> -> memref<1x8x384xi32, #tpu.memory_space<hbm>>
      %dma_start3A_53 = tpu.memref_squeeze %dma_start3A_52 : memref<1x8x384xi32, #tpu.memory_space<hbm>> -> memref<8x384xi32, #tpu.memory_space<hbm>>
      tpu.enqueue_dma source(%dma_start3A_53 : memref<8x384xi32, #tpu.memory_space<hbm>>) target(%dma_start3A_50 : memref<8x384xi32, #tpu.memory_space<vmem>>) target_semaphore(%run_scoped3A_40 : memref<!tpu.dma_semaphore, #tpu.memory_space<semaphore_mem>>)
      %dma_wait3A = arith.constant 0 : i32
      %dma_wait3A_54 = arith.constant 0 : i32
      %dma_wait3A_55 = tpu.memref_slice %arg9[%run_scoped3A_35, %dma_wait3A, %dma_wait3A_54] : memref<2x16x384xi32, #tpu.memory_space<vmem>> -> memref<1x8x384xi32, #tpu.memory_space<vmem>>
      %dma_wait3A_56 = tpu.memref_squeeze %dma_wait3A_55 : memref<1x8x384xi32, #tpu.memory_space<vmem>> -> memref<8x384xi32, #tpu.memory_space<vmem>>
      %dma_wait3A_57 = arith.constant 0 : i32
      %dma_wait3A_58 = tpu.memref_slice %arg3[%select_n3A, %add3A_34, %dma_wait3A_57] : memref<2x384x384xi32, #tpu.memory_space<hbm>> -> memref<1x8x384xi32, #tpu.memory_space<hbm>>
      %dma_wait3A_59 = tpu.memref_squeeze %dma_wait3A_58 : memref<1x8x384xi32, #tpu.memory_space<hbm>> -> memref<8x384xi32, #tpu.memory_space<hbm>>
      %dma_wait3A_60 = arith.constant 0 : i32
      %dma_wait3A_61 = arith.constant 0 : i32
      %dma_wait3A_62 = tpu.memref_slice %arg9[%run_scoped3A_35, %dma_wait3A_60, %dma_wait3A_61] : memref<2x16x384xi32, #tpu.memory_space<vmem>> -> memref<1x8x384xi32, #tpu.memory_space<vmem>>
      %dma_wait3A_63 = tpu.memref_squeeze %dma_wait3A_62 : memref<1x8x384xi32, #tpu.memory_space<vmem>> -> memref<8x384xi32, #tpu.memory_space<vmem>>
      %dma_wait3A_64 = arith.constant 0 : i32
      %dma_wait3A_65 = tpu.memref_slice %arg3[%select_n3A, %add3A_34, %dma_wait3A_64] : memref<2x384x384xi32, #tpu.memory_space<hbm>> -> memref<1x8x384xi32, #tpu.memory_space<hbm>>
      %dma_wait3A_66 = tpu.memref_squeeze %dma_wait3A_65 : memref<1x8x384xi32, #tpu.memory_space<hbm>> -> memref<8x384xi32, #tpu.memory_space<hbm>>
      tpu.wait_dma2 semaphore(%run_scoped3A_40 : memref<!tpu.dma_semaphore, #tpu.memory_space<semaphore_mem>>) src(%dma_wait3A_66 : memref<8x384xi32, #tpu.memory_space<hbm>>) dst(%dma_wait3A_63 : memref<8x384xi32, #tpu.memory_space<vmem>>)
      tpu.yield
    }) : () -> ()
    %run_scoped3A_36 = arith.constant 0 : i32
    "tpu.region"() ({
      %run_scoped3A_40 = tpu.sem_alloc : memref<!tpu.dma_semaphore, #tpu.memory_space<semaphore_mem>>
      %dma_start3A = arith.constant 0 : i32
      %dma_start3A_41 = arith.constant 0 : i32
      %dma_start3A_42 = tpu.memref_slice %arg10[%run_scoped3A_36, %dma_start3A, %dma_start3A_41] : memref<2x16x384xf32, #tpu.memory_space<vmem>> -> memref<1x8x384xf32, #tpu.memory_space<vmem>>
      %dma_start3A_43 = tpu.memref_squeeze %dma_start3A_42 : memref<1x8x384xf32, #tpu.memory_space<vmem>> -> memref<8x384xf32, #tpu.memory_space<vmem>>
      %dma_start3A_44 = arith.constant 0 : i32
      %dma_start3A_45 = tpu.memref_slice %arg4[%select_n3A, %add3A_34, %dma_start3A_44] : memref<2x384x384xf32, #tpu.memory_space<hbm>> -> memref<1x8x384xf32, #tpu.memory_space<hbm>>
      %dma_start3A_46 = tpu.memref_squeeze %dma_start3A_45 : memref<1x8x384xf32, #tpu.memory_space<hbm>> -> memref<8x384xf32, #tpu.memory_space<hbm>>
      %dma_start3A_47 = arith.constant 0 : i32
      %dma_start3A_48 = arith.constant 0 : i32
      %dma_start3A_49 = tpu.memref_slice %arg10[%run_scoped3A_36, %dma_start3A_47, %dma_start3A_48] : memref<2x16x384xf32, #tpu.memory_space<vmem>> -> memref<1x8x384xf32, #tpu.memory_space<vmem>>
      %dma_start3A_50 = tpu.memref_squeeze %dma_start3A_49 : memref<1x8x384xf32, #tpu.memory_space<vmem>> -> memref<8x384xf32, #tpu.memory_space<vmem>>
      %dma_start3A_51 = arith.constant 0 : i32
      %dma_start3A_52 = tpu.memref_slice %arg4[%select_n3A, %add3A_34, %dma_start3A_51] : memref<2x384x384xf32, #tpu.memory_space<hbm>> -> memref<1x8x384xf32, #tpu.memory_space<hbm>>
      %dma_start3A_53 = tpu.memref_squeeze %dma_start3A_52 : memref<1x8x384xf32, #tpu.memory_space<hbm>> -> memref<8x384xf32, #tpu.memory_space<hbm>>
      tpu.enqueue_dma source(%dma_start3A_53 : memref<8x384xf32, #tpu.memory_space<hbm>>) target(%dma_start3A_50 : memref<8x384xf32, #tpu.memory_space<vmem>>) target_semaphore(%run_scoped3A_40 : memref<!tpu.dma_semaphore, #tpu.memory_space<semaphore_mem>>)
      %dma_wait3A = arith.constant 0 : i32
      %dma_wait3A_54 = arith.constant 0 : i32
      %dma_wait3A_55 = tpu.memref_slice %arg10[%run_scoped3A_36, %dma_wait3A, %dma_wait3A_54] : memref<2x16x384xf32, #tpu.memory_space<vmem>> -> memref<1x8x384xf32, #tpu.memory_space<vmem>>
      %dma_wait3A_56 = tpu.memref_squeeze %dma_wait3A_55 : memref<1x8x384xf32, #tpu.memory_space<vmem>> -> memref<8x384xf32, #tpu.memory_space<vmem>>
      %dma_wait3A_57 = arith.constant 0 : i32
      %dma_wait3A_58 = tpu.memref_slice %arg4[%select_n3A, %add3A_34, %dma_wait3A_57] : memref<2x384x384xf32, #tpu.memory_space<hbm>> -> memref<1x8x384xf32, #tpu.memory_space<hbm>>
      %dma_wait3A_59 = tpu.memref_squeeze %dma_wait3A_58 : memref<1x8x384xf32, #tpu.memory_space<hbm>> -> memref<8x384xf32, #tpu.memory_space<hbm>>
      %dma_wait3A_60 = arith.constant 0 : i32
      %dma_wait3A_61 = arith.constant 0 : i32
      %dma_wait3A_62 = tpu.memref_slice %arg10[%run_scoped3A_36, %dma_wait3A_60, %dma_wait3A_61] : memref<2x16x384xf32, #tpu.memory_space<vmem>> -> memref<1x8x384xf32, #tpu.memory_space<vmem>>
      %dma_wait3A_63 = tpu.memref_squeeze %dma_wait3A_62 : memref<1x8x384xf32, #tpu.memory_space<vmem>> -> memref<8x384xf32, #tpu.memory_space<vmem>>
      %dma_wait3A_64 = arith.constant 0 : i32
      %dma_wait3A_65 = tpu.memref_slice %arg4[%select_n3A, %add3A_34, %dma_wait3A_64] : memref<2x384x384xf32, #tpu.memory_space<hbm>> -> memref<1x8x384xf32, #tpu.memory_space<hbm>>
      %dma_wait3A_66 = tpu.memref_squeeze %dma_wait3A_65 : memref<1x8x384xf32, #tpu.memory_space<hbm>> -> memref<8x384xf32, #tpu.memory_space<hbm>>
      tpu.wait_dma2 semaphore(%run_scoped3A_40 : memref<!tpu.dma_semaphore, #tpu.memory_space<semaphore_mem>>) src(%dma_wait3A_66 : memref<8x384xf32, #tpu.memory_space<hbm>>) dst(%dma_wait3A_63 : memref<8x384xf32, #tpu.memory_space<vmem>>)
      tpu.yield
    }) : () -> ()
    %parallel_loop3A_37 = arith.constant 0 : i32
    %parallel_loop3A_38 = arith.constant 192 : i32
    %parallel_loop3A_39 = arith.constant 1 : i32
    scf.for %parallel_loop3A_40 = %parallel_loop3A_37 to %parallel_loop3A_38 step %parallel_loop3A_39  : i32 {
      %parallel_loop3A_41 = arith.constant 24 : i32
      %parallel_loop3A_42 = arith.divsi %parallel_loop3A_40, %parallel_loop3A_41 : i32
      %parallel_loop3A_43 = arith.constant 0 : i32
      %parallel_loop3A_44 = arith.cmpi sgt, %parallel_loop3A_40, %parallel_loop3A_43 : i32
      %parallel_loop3A_45 = arith.extui %parallel_loop3A_44 : i1 to i32
      %parallel_loop3A_46 = arith.constant 0 : i32
      %parallel_loop3A_47 = arith.cmpi slt, %parallel_loop3A_40, %parallel_loop3A_46 : i32
      %parallel_loop3A_48 = arith.extui %parallel_loop3A_47 : i1 to i32
      %parallel_loop3A_49 = arith.subi %parallel_loop3A_45, %parallel_loop3A_48 : i32
      %parallel_loop3A_50 = arith.constant 0 : i32
      %parallel_loop3A_51 = arith.cmpi sgt, %parallel_loop3A_41, %parallel_loop3A_50 : i32
      %parallel_loop3A_52 = arith.extui %parallel_loop3A_51 : i1 to i32
      %parallel_loop3A_53 = arith.constant 0 : i32
      %parallel_loop3A_54 = arith.cmpi slt, %parallel_loop3A_41, %parallel_loop3A_53 : i32
      %parallel_loop3A_55 = arith.extui %parallel_loop3A_54 : i1 to i32
      %parallel_loop3A_56 = arith.subi %parallel_loop3A_52, %parallel_loop3A_55 : i32
      %parallel_loop3A_57 = arith.cmpi ne, %parallel_loop3A_49, %parallel_loop3A_56 : i32
      %parallel_loop3A_58 = arith.remsi %parallel_loop3A_40, %parallel_loop3A_41 : i32
      %parallel_loop3A_59 = arith.constant 0 : i32
      %parallel_loop3A_60 = arith.cmpi ne, %parallel_loop3A_58, %parallel_loop3A_59 : i32
      %parallel_loop3A_61 = arith.andi %parallel_loop3A_57, %parallel_loop3A_60 : i1
      %parallel_loop3A_62 = arith.constant 1 : i32
      %parallel_loop3A_63 = arith.subi %parallel_loop3A_42, %parallel_loop3A_62 : i32
      %parallel_loop3A_64 = arith.select %parallel_loop3A_61, %parallel_loop3A_63, %parallel_loop3A_42 : i32
      %parallel_loop3A_65 = arith.constant 24 : i32
      %parallel_loop3A_66 = arith.muli %parallel_loop3A_64, %parallel_loop3A_65 : i32
      %parallel_loop3A_67 = arith.subi %parallel_loop3A_40, %parallel_loop3A_66 : i32
      %parallel_loop3A_68 = arith.constant 16 : i32
      %parallel_loop3A_69 = arith.muli %parallel_loop3A_67, %parallel_loop3A_68 : i32
      %parallel_loop3A_70 = arith.constant 0 : i32
      %parallel_loop3A_71 = arith.index_cast %parallel_loop3A_70 : i32 to index
      %parallel_loop3A_72 = arith.index_cast %parallel_loop3A_64 : i32 to index
      %parallel_loop3A_73 = arith.index_cast %parallel_loop3A_69 : i32 to index
      %parallel_loop3A_74 = tpu.vector_load %arg9[%parallel_loop3A_71, %parallel_loop3A_72, %parallel_loop3A_73] {strides = array<i32>} : memref<2x16x384xi32, #tpu.memory_space<vmem>>, vector<16xi32>,
      %parallel_loop3A_75 = arith.constant 0 : i32
      %parallel_loop3A_76 = arith.index_cast %parallel_loop3A_75 : i32 to index
      %parallel_loop3A_77 = arith.index_cast %parallel_loop3A_64 : i32 to index
      %parallel_loop3A_78 = arith.index_cast %parallel_loop3A_69 : i32 to index
      %parallel_loop3A_79 = tpu.vector_load %arg10[%parallel_loop3A_76, %parallel_loop3A_77, %parallel_loop3A_78] {strides = array<i32>} : memref<2x16x384xf32, #tpu.memory_space<vmem>>, vector<16xf32>,
      tpu.vector_store_idx %arg7[%parallel_loop3A_74], %parallel_loop3A_79 {add = true} : memref<73728xf32, #tpu.memory_space<vmem>>[vector<16xi32>], vector<16xf32>,
    } {sc.loop_unroll_factor = 8 : i64, sc.parallel_access}
    "tpu.region"() ({
      %run_scoped3A_40 = tpu.sem_alloc : memref<!tpu.dma_semaphore, #tpu.memory_space<semaphore_mem>>
      %dma_start3A = arith.constant 0 : i32
      %dma_start3A_41 = tpu.memref_slice %arg7[%dma_start3A] : memref<73728xf32, #tpu.memory_space<vmem>> -> memref<36864xf32, #tpu.memory_space<vmem>>
      %dma_start3A_42 = arith.constant 0 : i32
      %dma_start3A_43 = tpu.memref_slice %arg6[%select_n3A, %sub3A, %dma_start3A_42] : memref<2x16x36864xf32, #tpu.memory_space<hbm>> -> memref<1x1x36864xf32, #tpu.memory_space<hbm>>
      %dma_start3A_44 = tpu.memref_squeeze %dma_start3A_43 : memref<1x1x36864xf32, #tpu.memory_space<hbm>> -> memref<36864xf32, #tpu.memory_space<hbm>>
      %dma_start3A_45 = arith.constant 0 : i32
      %dma_start3A_46 = tpu.memref_slice %arg6[%select_n3A, %sub3A, %dma_start3A_45] : memref<2x16x36864xf32, #tpu.memory_space<hbm>> -> memref<1x1x36864xf32, #tpu.memory_space<hbm>>
      %dma_start3A_47 = tpu.memref_squeeze %dma_start3A_46 : memref<1x1x36864xf32, #tpu.memory_space<hbm>> -> memref<36864xf32, #tpu.memory_space<hbm>>
      %dma_start3A_48 = arith.constant 0 : i32
      %dma_start3A_49 = tpu.memref_slice %arg7[%dma_start3A_48] : memref<73728xf32, #tpu.memory_space<vmem>> -> memref<36864xf32, #tpu.memory_space<vmem>>
      tpu.enqueue_dma source(%dma_start3A_49 : memref<36864xf32, #tpu.memory_space<vmem>>) target(%dma_start3A_47 : memref<36864xf32, #tpu.memory_space<hbm>>) target_semaphore(%run_scoped3A_40 : memref<!tpu.dma_semaphore, #tpu.memory_space<semaphore_mem>>)
      %dma_wait3A = arith.constant 0 : i32
      %dma_wait3A_50 = tpu.memref_slice %arg7[%dma_wait3A] : memref<73728xf32, #tpu.memory_space<vmem>> -> memref<36864xf32, #tpu.memory_space<vmem>>
      %dma_wait3A_51 = arith.constant 0 : i32
      %dma_wait3A_52 = tpu.memref_slice %arg6[%select_n3A, %sub3A, %dma_wait3A_51] : memref<2x16x36864xf32, #tpu.memory_space<hbm>> -> memref<1x1x36864xf32, #tpu.memory_space<hbm>>
      %dma_wait3A_53 = tpu.memref_squeeze %dma_wait3A_52 : memref<1x1x36864xf32, #tpu.memory_space<hbm>> -> memref<36864xf32, #tpu.memory_space<hbm>>
      %dma_wait3A_54 = arith.constant 0 : i32
      %dma_wait3A_55 = tpu.memref_slice %arg6[%select_n3A, %sub3A, %dma_wait3A_54] : memref<2x16x36864xf32, #tpu.memory_space<hbm>> -> memref<1x1x36864xf32, #tpu.memory_space<hbm>>
      %dma_wait3A_56 = tpu.memref_squeeze %dma_wait3A_55 : memref<1x1x36864xf32, #tpu.memory_space<hbm>> -> memref<36864xf32, #tpu.memory_space<hbm>>
      %dma_wait3A_57 = arith.constant 0 : i32
      %dma_wait3A_58 = tpu.memref_slice %arg7[%dma_wait3A_57] : memref<73728xf32, #tpu.memory_space<vmem>> -> memref<36864xf32, #tpu.memory_space<vmem>>
      tpu.wait_dma2 semaphore(%run_scoped3A_40 : memref<!tpu.dma_semaphore, #tpu.memory_space<semaphore_mem>>) src(%dma_wait3A_58 : memref<36864xf32, #tpu.memory_space<vmem>>) dst(%dma_wait3A_56 : memref<36864xf32, #tpu.memory_space<hbm>>)
      tpu.yield
    }) : () -> ()
    return
  }
}

module attributes {stable_mosaic.version = 14 : i64} {
  func.func @_div_body(%arg0: i32, %arg1: i32, %arg2: memref<1x16x36864xf32, #tpu.memory_space<vmem>>, %arg3: memref<1x16x36864xf32, #tpu.memory_space<vmem>>, %arg4: memref<1x16x192x192xf32, #tpu.memory_space<vmem>>) attributes {dimension_semantics = [#tpu.dimension_semantics<arbitrary>, #tpu.dimension_semantics<arbitrary>], iteration_bounds = array<i64: 2, 6>, scalar_prefetch = 0 : i64, scratch_operands = 0 : i64, tpu.core_type = #tpu.core_type<tc>, window_params = [{transform_indices = @transform_0, window_bounds = array<i64: 1, 16, 36864>}, {transform_indices = @transform_1, window_bounds = array<i64: 1, 16, 36864>}, {transform_indices = @transform_2, window_bounds = array<i64: 1, 16, 192, 192>}]} {
    %get3A = arith.constant 0 : index
    %get3A_0 = arith.constant 0 : index
    %get3A_1 = arith.constant 0 : index
    %get3A_2 = vector.load %arg3[%get3A, %get3A_0, %get3A_1] : memref<1x16x36864xf32, #tpu.memory_space<vmem>>, vector<1x16x36864xf32>
    %get3A_3 = vector.shape_cast %get3A_2 : vector<1x16x36864xf32> to vector<16x36864xf32>
    %reduce_sum3A = arith.constant dense<0.000000e+00> : vector<36864xf32>
    %reduce_sum3A_4 = vector.multi_reduction <add>, %get3A_3, %reduce_sum3A [0] : vector<16x36864xf32> to vector<36864xf32>
    %broadcast_in_dim3A = vector.shape_cast %reduce_sum3A_4 : vector<36864xf32> to vector<1x36864xf32>
    %add3A = arith.constant 9.99999974E-6 : f32
    %add3A_5 = vector.broadcast %add3A : f32 to vector<1x36864xf32>
    %add3A_6 = arith.addf %broadcast_in_dim3A, %add3A_5 : vector<1x36864xf32>
    %get3A_7 = arith.constant 0 : index
    %get3A_8 = arith.constant 0 : index
    %get3A_9 = arith.constant 0 : index
    %get3A_10 = vector.load %arg2[%get3A_7, %get3A_8, %get3A_9] : memref<1x16x36864xf32, #tpu.memory_space<vmem>>, vector<1x16x36864xf32>
    %get3A_11 = vector.shape_cast %get3A_10 : vector<1x16x36864xf32> to vector<16x36864xf32>
    %div3A = vector.broadcast %add3A_6 : vector<1x36864xf32> to vector<16x36864xf32>
    %div3A_12 = arith.divf %get3A_11, %div3A : vector<16x36864xf32>
    %reshape3A = vector.shape_cast %div3A_12 : vector<16x36864xf32> to vector<16x192x192xf32>
    %swap3A = arith.constant 0 : index
    %swap3A_13 = arith.constant 0 : index
    %swap3A_14 = arith.constant 0 : index
    %swap3A_15 = arith.constant 0 : index
    %swap3A_16 = vector.load %arg4[%swap3A, %swap3A_13, %swap3A_14, %swap3A_15] : memref<1x16x192x192xf32, #tpu.memory_space<vmem>>, vector<1x16x192x192xf32>
    %swap3A_17 = vector.shape_cast %swap3A_16 : vector<1x16x192x192xf32> to vector<16x192x192xf32>
    %swap3A_18 = vector.shape_cast %reshape3A : vector<16x192x192xf32> to vector<1x16x192x192xf32>
    tpu.vector_store %arg4[%swap3A, %swap3A_13, %swap3A_14, %swap3A_15], %swap3A_18 {strides = array<i32>} : memref<1x16x192x192xf32, #tpu.memory_space<vmem>>, vector<1x16x192x192xf32>,
    return
  }
  func.func @transform_0(%arg0: i32, %arg1: i32) -> (i32, i32, i32) {
    %c0_i32 = arith.constant 0 : i32
    %c0_i32_0 = arith.constant 0 : i32
    return %arg0, %arg1, %c0_i32 : i32, i32, i32
  }
  func.func @transform_1(%arg0: i32, %arg1: i32) -> (i32, i32, i32) {
    %c0_i32 = arith.constant 0 : i32
    %c0_i32_0 = arith.constant 0 : i32
    %c0_i32_1 = arith.constant 0 : i32
    return %arg0, %c0_i32, %c0_i32_0 : i32, i32, i32
  }
  func.func @transform_2(%arg0: i32, %arg1: i32) -> (i32, i32, i32, i32) {
    %c0_i32 = arith.constant 0 : i32
    %c0_i32_0 = arith.constant 0 : i32
    %c0_i32_1 = arith.constant 0 : i32
    return %arg0, %arg1, %c0_i32, %c0_i32_0 : i32, i32, i32, i32
  }
}

module attributes {stable_mosaic.version = 14 : i64} {
  func.func @_dest_body(%arg0: i32, %arg1: i32, %arg2: memref<1x8x384xi32, #tpu.memory_space<vmem>>, %arg3: memref<1x96x8x384xf32, #tpu.memory_space<vmem>>) attributes {dimension_semantics = [#tpu.dimension_semantics<arbitrary>, #tpu.dimension_semantics<arbitrary>], iteration_bounds = array<i64: 2, 48>, scalar_prefetch = 0 : i64, scratch_operands = 0 : i64, tpu.core_type = #tpu.core_type<tc>, window_params = [{transform_indices = @transform_0, window_bounds = array<i64: 1, 8, 384>}, {transform_indices = @transform_1, window_bounds = array<i64: 1, 96, 8, 384>}]} {
    %convert_element_type3A = arith.sitofp %arg0 : i32 to f32
    %mul3A = arith.constant 0x4A580000 : f32
    %mul3A_0 = arith.mulf %convert_element_type3A, %mul3A : f32
    %iota3A = tpu.iota {dimensions = array<i32: 0>} : vector<96x1x1xi32>
    %convert_element_type3A_1 = arith.sitofp %iota3A : vector<96x1x1xi32> to vector<96x1x1xf32>
    %mul3A_2 = arith.constant 3.686400e+04 : f32
    %mul3A_3 = vector.broadcast %mul3A_2 : f32 to vector<96x1x1xf32>
    %mul3A_4 = arith.mulf %convert_element_type3A_1, %mul3A_3 : vector<96x1x1xf32>
    %get3A = arith.constant 0 : index
    %get3A_5 = arith.constant 0 : index
    %get3A_6 = arith.constant 0 : index
    %get3A_7 = vector.load %arg2[%get3A, %get3A_5, %get3A_6] : memref<1x8x384xi32, #tpu.memory_space<vmem>>, vector<1x8x384xi32>
    %get3A_8 = vector.shape_cast %get3A_7 : vector<1x8x384xi32> to vector<8x384xi32>
    %convert_element_type3A_9 = arith.sitofp %get3A_8 : vector<8x384xi32> to vector<8x384xf32>
    %broadcast_in_dim3A = vector.shape_cast %convert_element_type3A_9 : vector<8x384xf32> to vector<1x8x384xf32>
    %add3A = vector.broadcast %broadcast_in_dim3A : vector<1x8x384xf32> to vector<96x8x384xf32>
    %add3A_10 = vector.broadcast %mul3A_4 : vector<96x1x1xf32> to vector<96x8x384xf32>
    %add3A_11 = arith.addf %add3A, %add3A_10 : vector<96x8x384xf32>
    %add3A_12 = vector.broadcast %mul3A_0 : f32 to vector<96x8x384xf32>
    %add3A_13 = arith.addf %add3A_11, %add3A_12 : vector<96x8x384xf32>
    %swap3A = arith.constant 0 : index
    %swap3A_14 = arith.constant 0 : index
    %swap3A_15 = arith.constant 0 : index
    %swap3A_16 = arith.constant 0 : index
    %swap3A_17 = vector.load %arg3[%swap3A, %swap3A_14, %swap3A_15, %swap3A_16] : memref<1x96x8x384xf32, #tpu.memory_space<vmem>>, vector<1x96x8x384xf32>
    %swap3A_18 = vector.shape_cast %swap3A_17 : vector<1x96x8x384xf32> to vector<96x8x384xf32>
    %swap3A_19 = vector.shape_cast %add3A_13 : vector<96x8x384xf32> to vector<1x96x8x384xf32>
    tpu.vector_store %arg3[%swap3A, %swap3A_14, %swap3A_15, %swap3A_16], %swap3A_19 {strides = array<i32>} : memref<1x96x8x384xf32, #tpu.memory_space<vmem>>, vector<1x96x8x384xf32>,
    return
  }
  func.func @transform_0(%arg0: i32, %arg1: i32) -> (i32, i32, i32) {
    %c0_i32 = arith.constant 0 : i32
    %c0_i32_0 = arith.constant 0 : i32
    return %arg0, %arg1, %c0_i32 : i32, i32, i32
  }
  func.func @transform_1(%arg0: i32, %arg1: i32) -> (i32, i32, i32, i32) {
    %c0_i32 = arith.constant 0 : i32
    %c0_i32_0 = arith.constant 0 : i32
    %c0_i32_1 = arith.constant 0 : i32
    return %arg0, %c0_i32, %arg1, %c0_i32_0 : i32, i32, i32, i32
  }
}

module attributes {stable_mosaic.version = 14 : i64} {
  func.func @_conv_body(%arg0: i32, %arg1: i32, %arg2: memref<1x96x8x384xf32, #tpu.memory_space<vmem>>, %arg3: memref<8x1xf32, #tpu.memory_space<vmem>>, %arg4: memref<1x384xf32, #tpu.memory_space<vmem>>, %arg5: memref<3x96xf32, #tpu.memory_space<vmem>>, %arg6: memref<3x1xf32, #tpu.memory_space<vmem>>, %arg7: memref<1x2x8x384xf32, #tpu.memory_space<vmem>>, %arg8: memref<1x8x384xf32, #tpu.memory_space<vmem>>, %arg9: memref<1x8x384xi32, #tpu.memory_space<vmem>>) attributes {dimension_semantics = [#tpu.dimension_semantics<arbitrary>, #tpu.dimension_semantics<arbitrary>], iteration_bounds = array<i64: 2, 48>, scalar_prefetch = 0 : i64, scratch_operands = 0 : i64, tpu.core_type = #tpu.core_type<tc>, window_params = [{transform_indices = @transform_0, window_bounds = array<i64: 1, 96, 8, 384>}, {transform_indices = @transform_1, window_bounds = array<i64: 8, 1>}, {pipeline_mode = #tpu.pipeline_mode<synchronous>, transform_indices = @transform_2, window_bounds = array<i64: 1, 384>}, {pipeline_mode = #tpu.pipeline_mode<synchronous>, transform_indices = @transform_3, window_bounds = array<i64: 3, 96>}, {pipeline_mode = #tpu.pipeline_mode<synchronous>, transform_indices = @transform_4, window_bounds = array<i64: 3, 1>}, {transform_indices = @transform_5, window_bounds = array<i64: 1, 2, 8, 384>}, {transform_indices = @transform_6, window_bounds = array<i64: 1, 8, 384>}, {transform_indices = @transform_7, window_bounds = array<i64: 1, 8, 384>}]} {
    %get3A = arith.constant 0 : index
    %get3A_0 = arith.constant 0 : index
    %get3A_1 = vector.load %arg5[%get3A, %get3A_0] : memref<3x96xf32, #tpu.memory_space<vmem>>, vector<3x96xf32>
    %get3A_2 = arith.constant 0 : index
    %get3A_3 = arith.constant 0 : index
    %get3A_4 = vector.load %arg6[%get3A_2, %get3A_3] : memref<3x1xf32, #tpu.memory_space<vmem>>, vector<3x1xf32>
    %get3A_5 = arith.constant 0 : index
    %get3A_6 = arith.constant 0 : index
    %get3A_7 = vector.load %arg4[%get3A_5, %get3A_6] : memref<1x384xf32, #tpu.memory_space<vmem>>, vector<1x384xf32>
    %get3A_8 = arith.constant 0 : index
    %get3A_9 = arith.constant 0 : index
    %get3A_10 = vector.load %arg3[%get3A_8, %get3A_9] : memref<8x1xf32, #tpu.memory_space<vmem>>, vector<8x1xf32>
    %get3A_11 = arith.constant 0 : index
    %get3A_12 = arith.constant 0 : index
    %get3A_13 = arith.constant 0 : index
    %get3A_14 = arith.constant 0 : index
    %get3A_15 = vector.load %arg2[%get3A_11, %get3A_12, %get3A_13, %get3A_14] : memref<1x96x8x384xf32, #tpu.memory_space<vmem>>, vector<1x96x1x384xf32>
    %get3A_16 = vector.shape_cast %get3A_15 : vector<1x96x1x384xf32> to vector<96x384xf32>
    %dot_general3A = arith.constant dense<0.000000e+00> : vector<3x384xf32>
    %dot_general3A_17 = tpu.matmul %get3A_1, %get3A_16, %dot_general3A {dimension_numbers = #tpu.dot_dimension_numbers<[1], [0], [0], [1], [0, 0, 1, 1], [], []>, precision = #tpu.contract_precision<fp32>, transpose_lhs_hint = false} : vector<3x96xf32>, vector<96x384xf32>, vector<3x384xf32> -> vector<3x384xf32>
    %add3A = vector.broadcast %get3A_4 : vector<3x1xf32> to vector<3x384xf32>
    %add3A_18 = arith.addf %dot_general3A_17, %add3A : vector<3x384xf32>
    %slice3A = vector.extract_strided_slice %add3A_18 {offsets = [0, 0], sizes = [2, 384], strides = [1, 1]} : vector<3x384xf32> to vector<2x384xf32>
    %broadcast_in_dim3A = vector.shape_cast %slice3A : vector<2x384xf32> to vector<2x1x384xf32>
    %swap3A = arith.constant 0 : index
    %swap3A_19 = arith.constant 0 : index
    %swap3A_20 = arith.constant 0 : index
    %swap3A_21 = arith.constant 0 : index
    %swap3A_22 = vector.load %arg7[%swap3A, %swap3A_19, %swap3A_20, %swap3A_21] : memref<1x2x8x384xf32, #tpu.memory_space<vmem>>, vector<1x2x1x384xf32>
    %swap3A_23 = vector.shape_cast %swap3A_22 : vector<1x2x1x384xf32> to vector<2x1x384xf32>
    %swap3A_24 = vector.shape_cast %broadcast_in_dim3A : vector<2x1x384xf32> to vector<1x2x1x384xf32>
    tpu.vector_store %arg7[%swap3A, %swap3A_19, %swap3A_20, %swap3A_21], %swap3A_24 {strides = array<i32>} : memref<1x2x8x384xf32, #tpu.memory_space<vmem>>, vector<1x2x1x384xf32>,
    %slice3A_25 = vector.extract_strided_slice %add3A_18 {offsets = [2, 0], sizes = [1, 384], strides = [1, 1]} : vector<3x384xf32> to vector<1x384xf32>
    %exp3A = math.exp %slice3A_25 : vector<1x384xf32>
    %swap3A_26 = arith.constant 0 : index
    %swap3A_27 = arith.constant 0 : index
    %swap3A_28 = arith.constant 0 : index
    %swap3A_29 = vector.load %arg8[%swap3A_26, %swap3A_27, %swap3A_28] : memref<1x8x384xf32, #tpu.memory_space<vmem>>, vector<1x1x384xf32>
    %swap3A_30 = vector.shape_cast %swap3A_29 : vector<1x1x384xf32> to vector<1x384xf32>
    %swap3A_31 = vector.shape_cast %exp3A : vector<1x384xf32> to vector<1x1x384xf32>
    tpu.vector_store %arg8[%swap3A_26, %swap3A_27, %swap3A_28], %swap3A_31 {strides = array<i32>} : memref<1x8x384xf32, #tpu.memory_space<vmem>>, vector<1x1x384xf32>,
    %slice3A_32 = vector.extract_strided_slice %get3A_10 {offsets = [0, 0], sizes = [1, 1], strides = [1, 1]} : vector<8x1xf32> to vector<1x1xf32>
    %squeeze3A = vector.extract %slice3A_32[0, 0] : f32 from vector<1x1xf32>
    %slice3A_33 = vector.extract_strided_slice %add3A_18 {offsets = [0, 0], sizes = [1, 384], strides = [1, 1]} : vector<3x384xf32> to vector<1x384xf32>
    %add3A_34 = vector.broadcast %squeeze3A : f32 to vector<1x384xf32>
    %add3A_35 = arith.addf %add3A_34, %slice3A_33 : vector<1x384xf32>
    %jit3A = arith.constant 0.000000e+00 : f32
    %jit3A_36 = arith.constant 0.999989986 : f32
    %max3A = vector.broadcast %jit3A : f32 to vector<1x384xf32>
    %max3A_37 = arith.maximumf %max3A, %add3A_35 : vector<1x384xf32>
    %min3A = vector.broadcast %jit3A_36 : f32 to vector<1x384xf32>
    %min3A_38 = arith.minimumf %min3A, %max3A_37 : vector<1x384xf32>
    %mul3A = arith.constant 1.920000e+02 : f32
    %mul3A_39 = vector.broadcast %mul3A : f32 to vector<1x384xf32>
    %mul3A_40 = arith.mulf %min3A_38, %mul3A_39 : vector<1x384xf32>
    %floor3A = math.floor %mul3A_40 : vector<1x384xf32>
    %slice3A_41 = vector.extract_strided_slice %add3A_18 {offsets = [1, 0], sizes = [1, 384], strides = [1, 1]} : vector<3x384xf32> to vector<1x384xf32>
    %add3A_42 = arith.addf %get3A_7, %slice3A_41 : vector<1x384xf32>
    %jit3A_43 = arith.constant 0.000000e+00 : f32
    %jit3A_44 = arith.constant 0.999989986 : f32
    %max3A_45 = vector.broadcast %jit3A_43 : f32 to vector<1x384xf32>
    %max3A_46 = arith.maximumf %max3A_45, %add3A_42 : vector<1x384xf32>
    %min3A_47 = vector.broadcast %jit3A_44 : f32 to vector<1x384xf32>
    %min3A_48 = arith.minimumf %min3A_47, %max3A_46 : vector<1x384xf32>
    %mul3A_49 = arith.constant 1.920000e+02 : f32
    %mul3A_50 = vector.broadcast %mul3A_49 : f32 to vector<1x384xf32>
    %mul3A_51 = arith.mulf %min3A_48, %mul3A_50 : vector<1x384xf32>
    %floor3A_52 = math.floor %mul3A_51 : vector<1x384xf32>
    %mul3A_53 = arith.constant 1.920000e+02 : f32
    %mul3A_54 = vector.broadcast %mul3A_53 : f32 to vector<1x384xf32>
    %mul3A_55 = arith.mulf %floor3A, %mul3A_54 : vector<1x384xf32>
    %add3A_56 = arith.addf %mul3A_55, %floor3A_52 : vector<1x384xf32>
    %convert_element_type3A = arith.fptosi %add3A_56 : vector<1x384xf32> to vector<1x384xi32>
    %swap3A_57 = arith.constant 0 : index
    %swap3A_58 = arith.constant 0 : index
    %swap3A_59 = arith.constant 0 : index
    %swap3A_60 = vector.load %arg9[%swap3A_57, %swap3A_58, %swap3A_59] : memref<1x8x384xi32, #tpu.memory_space<vmem>>, vector<1x1x384xi32>
    %swap3A_61 = vector.shape_cast %swap3A_60 : vector<1x1x384xi32> to vector<1x384xi32>
    %swap3A_62 = vector.shape_cast %convert_element_type3A : vector<1x384xi32> to vector<1x1x384xi32>
    tpu.vector_store %arg9[%swap3A_57, %swap3A_58, %swap3A_59], %swap3A_62 {strides = array<i32>} : memref<1x8x384xi32, #tpu.memory_space<vmem>>, vector<1x1x384xi32>,
    %get3A_63 = arith.constant 0 : index
    %get3A_64 = arith.constant 0 : index
    %get3A_65 = arith.constant 1 : index
    %get3A_66 = arith.constant 0 : index
    %get3A_67 = vector.load %arg2[%get3A_63, %get3A_64, %get3A_65, %get3A_66] : memref<1x96x8x384xf32, #tpu.memory_space<vmem>>, vector<1x96x1x384xf32>
    %get3A_68 = vector.shape_cast %get3A_67 : vector<1x96x1x384xf32> to vector<96x384xf32>
    %dot_general3A_69 = arith.constant dense<0.000000e+00> : vector<3x384xf32>
    %dot_general3A_70 = tpu.matmul %get3A_1, %get3A_68, %dot_general3A_69 {dimension_numbers = #tpu.dot_dimension_numbers<[1], [0], [0], [1], [0, 0, 1, 1], [], []>, precision = #tpu.contract_precision<fp32>, transpose_lhs_hint = false} : vector<3x96xf32>, vector<96x384xf32>, vector<3x384xf32> -> vector<3x384xf32>
    %add3A_71 = vector.broadcast %get3A_4 : vector<3x1xf32> to vector<3x384xf32>
    %add3A_72 = arith.addf %dot_general3A_70, %add3A_71 : vector<3x384xf32>
    %slice3A_73 = vector.extract_strided_slice %add3A_72 {offsets = [0, 0], sizes = [2, 384], strides = [1, 1]} : vector<3x384xf32> to vector<2x384xf32>
    %broadcast_in_dim3A_74 = vector.shape_cast %slice3A_73 : vector<2x384xf32> to vector<2x1x384xf32>
    %swap3A_75 = arith.constant 0 : index
    %swap3A_76 = arith.constant 0 : index
    %swap3A_77 = arith.constant 1 : index
    %swap3A_78 = arith.constant 0 : index
    %swap3A_79 = vector.load %arg7[%swap3A_75, %swap3A_76, %swap3A_77, %swap3A_78] : memref<1x2x8x384xf32, #tpu.memory_space<vmem>>, vector<1x2x1x384xf32>
    %swap3A_80 = vector.shape_cast %swap3A_79 : vector<1x2x1x384xf32> to vector<2x1x384xf32>
    %swap3A_81 = vector.shape_cast %broadcast_in_dim3A_74 : vector<2x1x384xf32> to vector<1x2x1x384xf32>
    tpu.vector_store %arg7[%swap3A_75, %swap3A_76, %swap3A_77, %swap3A_78], %swap3A_81 {strides = array<i32>} : memref<1x2x8x384xf32, #tpu.memory_space<vmem>>, vector<1x2x1x384xf32>,
    %slice3A_82 = vector.extract_strided_slice %add3A_72 {offsets = [2, 0], sizes = [1, 384], strides = [1, 1]} : vector<3x384xf32> to vector<1x384xf32>
    %exp3A_83 = math.exp %slice3A_82 : vector<1x384xf32>
    %swap3A_84 = arith.constant 0 : index
    %swap3A_85 = arith.constant 1 : index
    %swap3A_86 = arith.constant 0 : index
    %swap3A_87 = vector.load %arg8[%swap3A_84, %swap3A_85, %swap3A_86] : memref<1x8x384xf32, #tpu.memory_space<vmem>>, vector<1x1x384xf32>
    %swap3A_88 = vector.shape_cast %swap3A_87 : vector<1x1x384xf32> to vector<1x384xf32>
    %swap3A_89 = vector.shape_cast %exp3A_83 : vector<1x384xf32> to vector<1x1x384xf32>
    tpu.vector_store %arg8[%swap3A_84, %swap3A_85, %swap3A_86], %swap3A_89 {strides = array<i32>} : memref<1x8x384xf32, #tpu.memory_space<vmem>>, vector<1x1x384xf32>,
    %slice3A_90 = vector.extract_strided_slice %get3A_10 {offsets = [1, 0], sizes = [1, 1], strides = [1, 1]} : vector<8x1xf32> to vector<1x1xf32>
    %squeeze3A_91 = vector.extract %slice3A_90[0, 0] : f32 from vector<1x1xf32>
    %slice3A_92 = vector.extract_strided_slice %add3A_72 {offsets = [0, 0], sizes = [1, 384], strides = [1, 1]} : vector<3x384xf32> to vector<1x384xf32>
    %add3A_93 = vector.broadcast %squeeze3A_91 : f32 to vector<1x384xf32>
    %add3A_94 = arith.addf %add3A_93, %slice3A_92 : vector<1x384xf32>
    %jit3A_95 = arith.constant 0.000000e+00 : f32
    %jit3A_96 = arith.constant 0.999989986 : f32
    %max3A_97 = vector.broadcast %jit3A_95 : f32 to vector<1x384xf32>
    %max3A_98 = arith.maximumf %max3A_97, %add3A_94 : vector<1x384xf32>
    %min3A_99 = vector.broadcast %jit3A_96 : f32 to vector<1x384xf32>
    %min3A_100 = arith.minimumf %min3A_99, %max3A_98 : vector<1x384xf32>
    %mul3A_101 = arith.constant 1.920000e+02 : f32
    %mul3A_102 = vector.broadcast %mul3A_101 : f32 to vector<1x384xf32>
    %mul3A_103 = arith.mulf %min3A_100, %mul3A_102 : vector<1x384xf32>
    %floor3A_104 = math.floor %mul3A_103 : vector<1x384xf32>
    %slice3A_105 = vector.extract_strided_slice %add3A_72 {offsets = [1, 0], sizes = [1, 384], strides = [1, 1]} : vector<3x384xf32> to vector<1x384xf32>
    %add3A_106 = arith.addf %get3A_7, %slice3A_105 : vector<1x384xf32>
    %jit3A_107 = arith.constant 0.000000e+00 : f32
    %jit3A_108 = arith.constant 0.999989986 : f32
    %max3A_109 = vector.broadcast %jit3A_107 : f32 to vector<1x384xf32>
    %max3A_110 = arith.maximumf %max3A_109, %add3A_106 : vector<1x384xf32>
    %min3A_111 = vector.broadcast %jit3A_108 : f32 to vector<1x384xf32>
    %min3A_112 = arith.minimumf %min3A_111, %max3A_110 : vector<1x384xf32>
    %mul3A_113 = arith.constant 1.920000e+02 : f32
    %mul3A_114 = vector.broadcast %mul3A_113 : f32 to vector<1x384xf32>
    %mul3A_115 = arith.mulf %min3A_112, %mul3A_114 : vector<1x384xf32>
    %floor3A_116 = math.floor %mul3A_115 : vector<1x384xf32>
    %mul3A_117 = arith.constant 1.920000e+02 : f32
    %mul3A_118 = vector.broadcast %mul3A_117 : f32 to vector<1x384xf32>
    %mul3A_119 = arith.mulf %floor3A_104, %mul3A_118 : vector<1x384xf32>
    %add3A_120 = arith.addf %mul3A_119, %floor3A_116 : vector<1x384xf32>
    %convert_element_type3A_121 = arith.fptosi %add3A_120 : vector<1x384xf32> to vector<1x384xi32>
    %swap3A_122 = arith.constant 0 : index
    %swap3A_123 = arith.constant 1 : index
    %swap3A_124 = arith.constant 0 : index
    %swap3A_125 = vector.load %arg9[%swap3A_122, %swap3A_123, %swap3A_124] : memref<1x8x384xi32, #tpu.memory_space<vmem>>, vector<1x1x384xi32>
    %swap3A_126 = vector.shape_cast %swap3A_125 : vector<1x1x384xi32> to vector<1x384xi32>
    %swap3A_127 = vector.shape_cast %convert_element_type3A_121 : vector<1x384xi32> to vector<1x1x384xi32>
    tpu.vector_store %arg9[%swap3A_122, %swap3A_123, %swap3A_124], %swap3A_127 {strides = array<i32>} : memref<1x8x384xi32, #tpu.memory_space<vmem>>, vector<1x1x384xi32>,
    %get3A_128 = arith.constant 0 : index
    %get3A_129 = arith.constant 0 : index
    %get3A_130 = arith.constant 2 : index
    %get3A_131 = arith.constant 0 : index
    %get3A_132 = vector.load %arg2[%get3A_128, %get3A_129, %get3A_130, %get3A_131] : memref<1x96x8x384xf32, #tpu.memory_space<vmem>>, vector<1x96x1x384xf32>
    %get3A_133 = vector.shape_cast %get3A_132 : vector<1x96x1x384xf32> to vector<96x384xf32>
    %dot_general3A_134 = arith.constant dense<0.000000e+00> : vector<3x384xf32>
    %dot_general3A_135 = tpu.matmul %get3A_1, %get3A_133, %dot_general3A_134 {dimension_numbers = #tpu.dot_dimension_numbers<[1], [0], [0], [1], [0, 0, 1, 1], [], []>, precision = #tpu.contract_precision<fp32>, transpose_lhs_hint = false} : vector<3x96xf32>, vector<96x384xf32>, vector<3x384xf32> -> vector<3x384xf32>
    %add3A_136 = vector.broadcast %get3A_4 : vector<3x1xf32> to vector<3x384xf32>
    %add3A_137 = arith.addf %dot_general3A_135, %add3A_136 : vector<3x384xf32>
    %slice3A_138 = vector.extract_strided_slice %add3A_137 {offsets = [0, 0], sizes = [2, 384], strides = [1, 1]} : vector<3x384xf32> to vector<2x384xf32>
    %broadcast_in_dim3A_139 = vector.shape_cast %slice3A_138 : vector<2x384xf32> to vector<2x1x384xf32>
    %swap3A_140 = arith.constant 0 : index
    %swap3A_141 = arith.constant 0 : index
    %swap3A_142 = arith.constant 2 : index
    %swap3A_143 = arith.constant 0 : index
    %swap3A_144 = vector.load %arg7[%swap3A_140, %swap3A_141, %swap3A_142, %swap3A_143] : memref<1x2x8x384xf32, #tpu.memory_space<vmem>>, vector<1x2x1x384xf32>
    %swap3A_145 = vector.shape_cast %swap3A_144 : vector<1x2x1x384xf32> to vector<2x1x384xf32>
    %swap3A_146 = vector.shape_cast %broadcast_in_dim3A_139 : vector<2x1x384xf32> to vector<1x2x1x384xf32>
    tpu.vector_store %arg7[%swap3A_140, %swap3A_141, %swap3A_142, %swap3A_143], %swap3A_146 {strides = array<i32>} : memref<1x2x8x384xf32, #tpu.memory_space<vmem>>, vector<1x2x1x384xf32>,
    %slice3A_147 = vector.extract_strided_slice %add3A_137 {offsets = [2, 0], sizes = [1, 384], strides = [1, 1]} : vector<3x384xf32> to vector<1x384xf32>
    %exp3A_148 = math.exp %slice3A_147 : vector<1x384xf32>
    %swap3A_149 = arith.constant 0 : index
    %swap3A_150 = arith.constant 2 : index
    %swap3A_151 = arith.constant 0 : index
    %swap3A_152 = vector.load %arg8[%swap3A_149, %swap3A_150, %swap3A_151] : memref<1x8x384xf32, #tpu.memory_space<vmem>>, vector<1x1x384xf32>
    %swap3A_153 = vector.shape_cast %swap3A_152 : vector<1x1x384xf32> to vector<1x384xf32>
    %swap3A_154 = vector.shape_cast %exp3A_148 : vector<1x384xf32> to vector<1x1x384xf32>
    tpu.vector_store %arg8[%swap3A_149, %swap3A_150, %swap3A_151], %swap3A_154 {strides = array<i32>} : memref<1x8x384xf32, #tpu.memory_space<vmem>>, vector<1x1x384xf32>,
    %slice3A_155 = vector.extract_strided_slice %get3A_10 {offsets = [2, 0], sizes = [1, 1], strides = [1, 1]} : vector<8x1xf32> to vector<1x1xf32>
    %squeeze3A_156 = vector.extract %slice3A_155[0, 0] : f32 from vector<1x1xf32>
    %slice3A_157 = vector.extract_strided_slice %add3A_137 {offsets = [0, 0], sizes = [1, 384], strides = [1, 1]} : vector<3x384xf32> to vector<1x384xf32>
    %add3A_158 = vector.broadcast %squeeze3A_156 : f32 to vector<1x384xf32>
    %add3A_159 = arith.addf %add3A_158, %slice3A_157 : vector<1x384xf32>
    %jit3A_160 = arith.constant 0.000000e+00 : f32
    %jit3A_161 = arith.constant 0.999989986 : f32
    %max3A_162 = vector.broadcast %jit3A_160 : f32 to vector<1x384xf32>
    %max3A_163 = arith.maximumf %max3A_162, %add3A_159 : vector<1x384xf32>
    %min3A_164 = vector.broadcast %jit3A_161 : f32 to vector<1x384xf32>
    %min3A_165 = arith.minimumf %min3A_164, %max3A_163 : vector<1x384xf32>
    %mul3A_166 = arith.constant 1.920000e+02 : f32
    %mul3A_167 = vector.broadcast %mul3A_166 : f32 to vector<1x384xf32>
    %mul3A_168 = arith.mulf %min3A_165, %mul3A_167 : vector<1x384xf32>
    %floor3A_169 = math.floor %mul3A_168 : vector<1x384xf32>
    %slice3A_170 = vector.extract_strided_slice %add3A_137 {offsets = [1, 0], sizes = [1, 384], strides = [1, 1]} : vector<3x384xf32> to vector<1x384xf32>
    %add3A_171 = arith.addf %get3A_7, %slice3A_170 : vector<1x384xf32>
    %jit3A_172 = arith.constant 0.000000e+00 : f32
    %jit3A_173 = arith.constant 0.999989986 : f32
    %max3A_174 = vector.broadcast %jit3A_172 : f32 to vector<1x384xf32>
    %max3A_175 = arith.maximumf %max3A_174, %add3A_171 : vector<1x384xf32>
    %min3A_176 = vector.broadcast %jit3A_173 : f32 to vector<1x384xf32>
    %min3A_177 = arith.minimumf %min3A_176, %max3A_175 : vector<1x384xf32>
    %mul3A_178 = arith.constant 1.920000e+02 : f32
    %mul3A_179 = vector.broadcast %mul3A_178 : f32 to vector<1x384xf32>
    %mul3A_180 = arith.mulf %min3A_177, %mul3A_179 : vector<1x384xf32>
    %floor3A_181 = math.floor %mul3A_180 : vector<1x384xf32>
    %mul3A_182 = arith.constant 1.920000e+02 : f32
    %mul3A_183 = vector.broadcast %mul3A_182 : f32 to vector<1x384xf32>
    %mul3A_184 = arith.mulf %floor3A_169, %mul3A_183 : vector<1x384xf32>
    %add3A_185 = arith.addf %mul3A_184, %floor3A_181 : vector<1x384xf32>
    %convert_element_type3A_186 = arith.fptosi %add3A_185 : vector<1x384xf32> to vector<1x384xi32>
    %swap3A_187 = arith.constant 0 : index
    %swap3A_188 = arith.constant 2 : index
    %swap3A_189 = arith.constant 0 : index
    %swap3A_190 = vector.load %arg9[%swap3A_187, %swap3A_188, %swap3A_189] : memref<1x8x384xi32, #tpu.memory_space<vmem>>, vector<1x1x384xi32>
    %swap3A_191 = vector.shape_cast %swap3A_190 : vector<1x1x384xi32> to vector<1x384xi32>
    %swap3A_192 = vector.shape_cast %convert_element_type3A_186 : vector<1x384xi32> to vector<1x1x384xi32>
    tpu.vector_store %arg9[%swap3A_187, %swap3A_188, %swap3A_189], %swap3A_192 {strides = array<i32>} : memref<1x8x384xi32, #tpu.memory_space<vmem>>, vector<1x1x384xi32>,
    %get3A_193 = arith.constant 0 : index
    %get3A_194 = arith.constant 0 : index
    %get3A_195 = arith.constant 3 : index
    %get3A_196 = arith.constant 0 : index
    %get3A_197 = vector.load %arg2[%get3A_193, %get3A_194, %get3A_195, %get3A_196] : memref<1x96x8x384xf32, #tpu.memory_space<vmem>>, vector<1x96x1x384xf32>
    %get3A_198 = vector.shape_cast %get3A_197 : vector<1x96x1x384xf32> to vector<96x384xf32>
    %dot_general3A_199 = arith.constant dense<0.000000e+00> : vector<3x384xf32>
    %dot_general3A_200 = tpu.matmul %get3A_1, %get3A_198, %dot_general3A_199 {dimension_numbers = #tpu.dot_dimension_numbers<[1], [0], [0], [1], [0, 0, 1, 1], [], []>, precision = #tpu.contract_precision<fp32>, transpose_lhs_hint = false} : vector<3x96xf32>, vector<96x384xf32>, vector<3x384xf32> -> vector<3x384xf32>
    %add3A_201 = vector.broadcast %get3A_4 : vector<3x1xf32> to vector<3x384xf32>
    %add3A_202 = arith.addf %dot_general3A_200, %add3A_201 : vector<3x384xf32>
    %slice3A_203 = vector.extract_strided_slice %add3A_202 {offsets = [0, 0], sizes = [2, 384], strides = [1, 1]} : vector<3x384xf32> to vector<2x384xf32>
    %broadcast_in_dim3A_204 = vector.shape_cast %slice3A_203 : vector<2x384xf32> to vector<2x1x384xf32>
    %swap3A_205 = arith.constant 0 : index
    %swap3A_206 = arith.constant 0 : index
    %swap3A_207 = arith.constant 3 : index
    %swap3A_208 = arith.constant 0 : index
    %swap3A_209 = vector.load %arg7[%swap3A_205, %swap3A_206, %swap3A_207, %swap3A_208] : memref<1x2x8x384xf32, #tpu.memory_space<vmem>>, vector<1x2x1x384xf32>
    %swap3A_210 = vector.shape_cast %swap3A_209 : vector<1x2x1x384xf32> to vector<2x1x384xf32>
    %swap3A_211 = vector.shape_cast %broadcast_in_dim3A_204 : vector<2x1x384xf32> to vector<1x2x1x384xf32>
    tpu.vector_store %arg7[%swap3A_205, %swap3A_206, %swap3A_207, %swap3A_208], %swap3A_211 {strides = array<i32>} : memref<1x2x8x384xf32, #tpu.memory_space<vmem>>, vector<1x2x1x384xf32>,
    %slice3A_212 = vector.extract_strided_slice %add3A_202 {offsets = [2, 0], sizes = [1, 384], strides = [1, 1]} : vector<3x384xf32> to vector<1x384xf32>
    %exp3A_213 = math.exp %slice3A_212 : vector<1x384xf32>
    %swap3A_214 = arith.constant 0 : index
    %swap3A_215 = arith.constant 3 : index
    %swap3A_216 = arith.constant 0 : index
    %swap3A_217 = vector.load %arg8[%swap3A_214, %swap3A_215, %swap3A_216] : memref<1x8x384xf32, #tpu.memory_space<vmem>>, vector<1x1x384xf32>
    %swap3A_218 = vector.shape_cast %swap3A_217 : vector<1x1x384xf32> to vector<1x384xf32>
    %swap3A_219 = vector.shape_cast %exp3A_213 : vector<1x384xf32> to vector<1x1x384xf32>
    tpu.vector_store %arg8[%swap3A_214, %swap3A_215, %swap3A_216], %swap3A_219 {strides = array<i32>} : memref<1x8x384xf32, #tpu.memory_space<vmem>>, vector<1x1x384xf32>,
    %slice3A_220 = vector.extract_strided_slice %get3A_10 {offsets = [3, 0], sizes = [1, 1], strides = [1, 1]} : vector<8x1xf32> to vector<1x1xf32>
    %squeeze3A_221 = vector.extract %slice3A_220[0, 0] : f32 from vector<1x1xf32>
    %slice3A_222 = vector.extract_strided_slice %add3A_202 {offsets = [0, 0], sizes = [1, 384], strides = [1, 1]} : vector<3x384xf32> to vector<1x384xf32>
    %add3A_223 = vector.broadcast %squeeze3A_221 : f32 to vector<1x384xf32>
    %add3A_224 = arith.addf %add3A_223, %slice3A_222 : vector<1x384xf32>
    %jit3A_225 = arith.constant 0.000000e+00 : f32
    %jit3A_226 = arith.constant 0.999989986 : f32
    %max3A_227 = vector.broadcast %jit3A_225 : f32 to vector<1x384xf32>
    %max3A_228 = arith.maximumf %max3A_227, %add3A_224 : vector<1x384xf32>
    %min3A_229 = vector.broadcast %jit3A_226 : f32 to vector<1x384xf32>
    %min3A_230 = arith.minimumf %min3A_229, %max3A_228 : vector<1x384xf32>
    %mul3A_231 = arith.constant 1.920000e+02 : f32
    %mul3A_232 = vector.broadcast %mul3A_231 : f32 to vector<1x384xf32>
    %mul3A_233 = arith.mulf %min3A_230, %mul3A_232 : vector<1x384xf32>
    %floor3A_234 = math.floor %mul3A_233 : vector<1x384xf32>
    %slice3A_235 = vector.extract_strided_slice %add3A_202 {offsets = [1, 0], sizes = [1, 384], strides = [1, 1]} : vector<3x384xf32> to vector<1x384xf32>
    %add3A_236 = arith.addf %get3A_7, %slice3A_235 : vector<1x384xf32>
    %jit3A_237 = arith.constant 0.000000e+00 : f32
    %jit3A_238 = arith.constant 0.999989986 : f32
    %max3A_239 = vector.broadcast %jit3A_237 : f32 to vector<1x384xf32>
    %max3A_240 = arith.maximumf %max3A_239, %add3A_236 : vector<1x384xf32>
    %min3A_241 = vector.broadcast %jit3A_238 : f32 to vector<1x384xf32>
    %min3A_242 = arith.minimumf %min3A_241, %max3A_240 : vector<1x384xf32>
    %mul3A_243 = arith.constant 1.920000e+02 : f32
    %mul3A_244 = vector.broadcast %mul3A_243 : f32 to vector<1x384xf32>
    %mul3A_245 = arith.mulf %min3A_242, %mul3A_244 : vector<1x384xf32>
    %floor3A_246 = math.floor %mul3A_245 : vector<1x384xf32>
    %mul3A_247 = arith.constant 1.920000e+02 : f32
    %mul3A_248 = vector.broadcast %mul3A_247 : f32 to vector<1x384xf32>
    %mul3A_249 = arith.mulf %floor3A_234, %mul3A_248 : vector<1x384xf32>
    %add3A_250 = arith.addf %mul3A_249, %floor3A_246 : vector<1x384xf32>
    %convert_element_type3A_251 = arith.fptosi %add3A_250 : vector<1x384xf32> to vector<1x384xi32>
    %swap3A_252 = arith.constant 0 : index
    %swap3A_253 = arith.constant 3 : index
    %swap3A_254 = arith.constant 0 : index
    %swap3A_255 = vector.load %arg9[%swap3A_252, %swap3A_253, %swap3A_254] : memref<1x8x384xi32, #tpu.memory_space<vmem>>, vector<1x1x384xi32>
    %swap3A_256 = vector.shape_cast %swap3A_255 : vector<1x1x384xi32> to vector<1x384xi32>
    %swap3A_257 = vector.shape_cast %convert_element_type3A_251 : vector<1x384xi32> to vector<1x1x384xi32>
    tpu.vector_store %arg9[%swap3A_252, %swap3A_253, %swap3A_254], %swap3A_257 {strides = array<i32>} : memref<1x8x384xi32, #tpu.memory_space<vmem>>, vector<1x1x384xi32>,
    %get3A_258 = arith.constant 0 : index
    %get3A_259 = arith.constant 0 : index
    %get3A_260 = arith.constant 4 : index
    %get3A_261 = arith.constant 0 : index
    %get3A_262 = vector.load %arg2[%get3A_258, %get3A_259, %get3A_260, %get3A_261] : memref<1x96x8x384xf32, #tpu.memory_space<vmem>>, vector<1x96x1x384xf32>
    %get3A_263 = vector.shape_cast %get3A_262 : vector<1x96x1x384xf32> to vector<96x384xf32>
    %dot_general3A_264 = arith.constant dense<0.000000e+00> : vector<3x384xf32>
    %dot_general3A_265 = tpu.matmul %get3A_1, %get3A_263, %dot_general3A_264 {dimension_numbers = #tpu.dot_dimension_numbers<[1], [0], [0], [1], [0, 0, 1, 1], [], []>, precision = #tpu.contract_precision<fp32>, transpose_lhs_hint = false} : vector<3x96xf32>, vector<96x384xf32>, vector<3x384xf32> -> vector<3x384xf32>
    %add3A_266 = vector.broadcast %get3A_4 : vector<3x1xf32> to vector<3x384xf32>
    %add3A_267 = arith.addf %dot_general3A_265, %add3A_266 : vector<3x384xf32>
    %slice3A_268 = vector.extract_strided_slice %add3A_267 {offsets = [0, 0], sizes = [2, 384], strides = [1, 1]} : vector<3x384xf32> to vector<2x384xf32>
    %broadcast_in_dim3A_269 = vector.shape_cast %slice3A_268 : vector<2x384xf32> to vector<2x1x384xf32>
    %swap3A_270 = arith.constant 0 : index
    %swap3A_271 = arith.constant 0 : index
    %swap3A_272 = arith.constant 4 : index
    %swap3A_273 = arith.constant 0 : index
    %swap3A_274 = vector.load %arg7[%swap3A_270, %swap3A_271, %swap3A_272, %swap3A_273] : memref<1x2x8x384xf32, #tpu.memory_space<vmem>>, vector<1x2x1x384xf32>
    %swap3A_275 = vector.shape_cast %swap3A_274 : vector<1x2x1x384xf32> to vector<2x1x384xf32>
    %swap3A_276 = vector.shape_cast %broadcast_in_dim3A_269 : vector<2x1x384xf32> to vector<1x2x1x384xf32>
    tpu.vector_store %arg7[%swap3A_270, %swap3A_271, %swap3A_272, %swap3A_273], %swap3A_276 {strides = array<i32>} : memref<1x2x8x384xf32, #tpu.memory_space<vmem>>, vector<1x2x1x384xf32>,
    %slice3A_277 = vector.extract_strided_slice %add3A_267 {offsets = [2, 0], sizes = [1, 384], strides = [1, 1]} : vector<3x384xf32> to vector<1x384xf32>
    %exp3A_278 = math.exp %slice3A_277 : vector<1x384xf32>
    %swap3A_279 = arith.constant 0 : index
    %swap3A_280 = arith.constant 4 : index
    %swap3A_281 = arith.constant 0 : index
    %swap3A_282 = vector.load %arg8[%swap3A_279, %swap3A_280, %swap3A_281] : memref<1x8x384xf32, #tpu.memory_space<vmem>>, vector<1x1x384xf32>
    %swap3A_283 = vector.shape_cast %swap3A_282 : vector<1x1x384xf32> to vector<1x384xf32>
    %swap3A_284 = vector.shape_cast %exp3A_278 : vector<1x384xf32> to vector<1x1x384xf32>
    tpu.vector_store %arg8[%swap3A_279, %swap3A_280, %swap3A_281], %swap3A_284 {strides = array<i32>} : memref<1x8x384xf32, #tpu.memory_space<vmem>>, vector<1x1x384xf32>,
    %slice3A_285 = vector.extract_strided_slice %get3A_10 {offsets = [4, 0], sizes = [1, 1], strides = [1, 1]} : vector<8x1xf32> to vector<1x1xf32>
    %squeeze3A_286 = vector.extract %slice3A_285[0, 0] : f32 from vector<1x1xf32>
    %slice3A_287 = vector.extract_strided_slice %add3A_267 {offsets = [0, 0], sizes = [1, 384], strides = [1, 1]} : vector<3x384xf32> to vector<1x384xf32>
    %add3A_288 = vector.broadcast %squeeze3A_286 : f32 to vector<1x384xf32>
    %add3A_289 = arith.addf %add3A_288, %slice3A_287 : vector<1x384xf32>
    %jit3A_290 = arith.constant 0.000000e+00 : f32
    %jit3A_291 = arith.constant 0.999989986 : f32
    %max3A_292 = vector.broadcast %jit3A_290 : f32 to vector<1x384xf32>
    %max3A_293 = arith.maximumf %max3A_292, %add3A_289 : vector<1x384xf32>
    %min3A_294 = vector.broadcast %jit3A_291 : f32 to vector<1x384xf32>
    %min3A_295 = arith.minimumf %min3A_294, %max3A_293 : vector<1x384xf32>
    %mul3A_296 = arith.constant 1.920000e+02 : f32
    %mul3A_297 = vector.broadcast %mul3A_296 : f32 to vector<1x384xf32>
    %mul3A_298 = arith.mulf %min3A_295, %mul3A_297 : vector<1x384xf32>
    %floor3A_299 = math.floor %mul3A_298 : vector<1x384xf32>
    %slice3A_300 = vector.extract_strided_slice %add3A_267 {offsets = [1, 0], sizes = [1, 384], strides = [1, 1]} : vector<3x384xf32> to vector<1x384xf32>
    %add3A_301 = arith.addf %get3A_7, %slice3A_300 : vector<1x384xf32>
    %jit3A_302 = arith.constant 0.000000e+00 : f32
    %jit3A_303 = arith.constant 0.999989986 : f32
    %max3A_304 = vector.broadcast %jit3A_302 : f32 to vector<1x384xf32>
    %max3A_305 = arith.maximumf %max3A_304, %add3A_301 : vector<1x384xf32>
    %min3A_306 = vector.broadcast %jit3A_303 : f32 to vector<1x384xf32>
    %min3A_307 = arith.minimumf %min3A_306, %max3A_305 : vector<1x384xf32>
    %mul3A_308 = arith.constant 1.920000e+02 : f32
    %mul3A_309 = vector.broadcast %mul3A_308 : f32 to vector<1x384xf32>
    %mul3A_310 = arith.mulf %min3A_307, %mul3A_309 : vector<1x384xf32>
    %floor3A_311 = math.floor %mul3A_310 : vector<1x384xf32>
    %mul3A_312 = arith.constant 1.920000e+02 : f32
    %mul3A_313 = vector.broadcast %mul3A_312 : f32 to vector<1x384xf32>
    %mul3A_314 = arith.mulf %floor3A_299, %mul3A_313 : vector<1x384xf32>
    %add3A_315 = arith.addf %mul3A_314, %floor3A_311 : vector<1x384xf32>
    %convert_element_type3A_316 = arith.fptosi %add3A_315 : vector<1x384xf32> to vector<1x384xi32>
    %swap3A_317 = arith.constant 0 : index
    %swap3A_318 = arith.constant 4 : index
    %swap3A_319 = arith.constant 0 : index
    %swap3A_320 = vector.load %arg9[%swap3A_317, %swap3A_318, %swap3A_319] : memref<1x8x384xi32, #tpu.memory_space<vmem>>, vector<1x1x384xi32>
    %swap3A_321 = vector.shape_cast %swap3A_320 : vector<1x1x384xi32> to vector<1x384xi32>
    %swap3A_322 = vector.shape_cast %convert_element_type3A_316 : vector<1x384xi32> to vector<1x1x384xi32>
    tpu.vector_store %arg9[%swap3A_317, %swap3A_318, %swap3A_319], %swap3A_322 {strides = array<i32>} : memref<1x8x384xi32, #tpu.memory_space<vmem>>, vector<1x1x384xi32>,
    %get3A_323 = arith.constant 0 : index
    %get3A_324 = arith.constant 0 : index
    %get3A_325 = arith.constant 5 : index
    %get3A_326 = arith.constant 0 : index
    %get3A_327 = vector.load %arg2[%get3A_323, %get3A_324, %get3A_325, %get3A_326] : memref<1x96x8x384xf32, #tpu.memory_space<vmem>>, vector<1x96x1x384xf32>
    %get3A_328 = vector.shape_cast %get3A_327 : vector<1x96x1x384xf32> to vector<96x384xf32>
    %dot_general3A_329 = arith.constant dense<0.000000e+00> : vector<3x384xf32>
    %dot_general3A_330 = tpu.matmul %get3A_1, %get3A_328, %dot_general3A_329 {dimension_numbers = #tpu.dot_dimension_numbers<[1], [0], [0], [1], [0, 0, 1, 1], [], []>, precision = #tpu.contract_precision<fp32>, transpose_lhs_hint = false} : vector<3x96xf32>, vector<96x384xf32>, vector<3x384xf32> -> vector<3x384xf32>
    %add3A_331 = vector.broadcast %get3A_4 : vector<3x1xf32> to vector<3x384xf32>
    %add3A_332 = arith.addf %dot_general3A_330, %add3A_331 : vector<3x384xf32>
    %slice3A_333 = vector.extract_strided_slice %add3A_332 {offsets = [0, 0], sizes = [2, 384], strides = [1, 1]} : vector<3x384xf32> to vector<2x384xf32>
    %broadcast_in_dim3A_334 = vector.shape_cast %slice3A_333 : vector<2x384xf32> to vector<2x1x384xf32>
    %swap3A_335 = arith.constant 0 : index
    %swap3A_336 = arith.constant 0 : index
    %swap3A_337 = arith.constant 5 : index
    %swap3A_338 = arith.constant 0 : index
    %swap3A_339 = vector.load %arg7[%swap3A_335, %swap3A_336, %swap3A_337, %swap3A_338] : memref<1x2x8x384xf32, #tpu.memory_space<vmem>>, vector<1x2x1x384xf32>
    %swap3A_340 = vector.shape_cast %swap3A_339 : vector<1x2x1x384xf32> to vector<2x1x384xf32>
    %swap3A_341 = vector.shape_cast %broadcast_in_dim3A_334 : vector<2x1x384xf32> to vector<1x2x1x384xf32>
    tpu.vector_store %arg7[%swap3A_335, %swap3A_336, %swap3A_337, %swap3A_338], %swap3A_341 {strides = array<i32>} : memref<1x2x8x384xf32, #tpu.memory_space<vmem>>, vector<1x2x1x384xf32>,
    %slice3A_342 = vector.extract_strided_slice %add3A_332 {offsets = [2, 0], sizes = [1, 384], strides = [1, 1]} : vector<3x384xf32> to vector<1x384xf32>
    %exp3A_343 = math.exp %slice3A_342 : vector<1x384xf32>
    %swap3A_344 = arith.constant 0 : index
    %swap3A_345 = arith.constant 5 : index
    %swap3A_346 = arith.constant 0 : index
    %swap3A_347 = vector.load %arg8[%swap3A_344, %swap3A_345, %swap3A_346] : memref<1x8x384xf32, #tpu.memory_space<vmem>>, vector<1x1x384xf32>
    %swap3A_348 = vector.shape_cast %swap3A_347 : vector<1x1x384xf32> to vector<1x384xf32>
    %swap3A_349 = vector.shape_cast %exp3A_343 : vector<1x384xf32> to vector<1x1x384xf32>
    tpu.vector_store %arg8[%swap3A_344, %swap3A_345, %swap3A_346], %swap3A_349 {strides = array<i32>} : memref<1x8x384xf32, #tpu.memory_space<vmem>>, vector<1x1x384xf32>,
    %slice3A_350 = vector.extract_strided_slice %get3A_10 {offsets = [5, 0], sizes = [1, 1], strides = [1, 1]} : vector<8x1xf32> to vector<1x1xf32>
    %squeeze3A_351 = vector.extract %slice3A_350[0, 0] : f32 from vector<1x1xf32>
    %slice3A_352 = vector.extract_strided_slice %add3A_332 {offsets = [0, 0], sizes = [1, 384], strides = [1, 1]} : vector<3x384xf32> to vector<1x384xf32>
    %add3A_353 = vector.broadcast %squeeze3A_351 : f32 to vector<1x384xf32>
    %add3A_354 = arith.addf %add3A_353, %slice3A_352 : vector<1x384xf32>
    %jit3A_355 = arith.constant 0.000000e+00 : f32
    %jit3A_356 = arith.constant 0.999989986 : f32
    %max3A_357 = vector.broadcast %jit3A_355 : f32 to vector<1x384xf32>
    %max3A_358 = arith.maximumf %max3A_357, %add3A_354 : vector<1x384xf32>
    %min3A_359 = vector.broadcast %jit3A_356 : f32 to vector<1x384xf32>
    %min3A_360 = arith.minimumf %min3A_359, %max3A_358 : vector<1x384xf32>
    %mul3A_361 = arith.constant 1.920000e+02 : f32
    %mul3A_362 = vector.broadcast %mul3A_361 : f32 to vector<1x384xf32>
    %mul3A_363 = arith.mulf %min3A_360, %mul3A_362 : vector<1x384xf32>
    %floor3A_364 = math.floor %mul3A_363 : vector<1x384xf32>
    %slice3A_365 = vector.extract_strided_slice %add3A_332 {offsets = [1, 0], sizes = [1, 384], strides = [1, 1]} : vector<3x384xf32> to vector<1x384xf32>
    %add3A_366 = arith.addf %get3A_7, %slice3A_365 : vector<1x384xf32>
    %jit3A_367 = arith.constant 0.000000e+00 : f32
    %jit3A_368 = arith.constant 0.999989986 : f32
    %max3A_369 = vector.broadcast %jit3A_367 : f32 to vector<1x384xf32>
    %max3A_370 = arith.maximumf %max3A_369, %add3A_366 : vector<1x384xf32>
    %min3A_371 = vector.broadcast %jit3A_368 : f32 to vector<1x384xf32>
    %min3A_372 = arith.minimumf %min3A_371, %max3A_370 : vector<1x384xf32>
    %mul3A_373 = arith.constant 1.920000e+02 : f32
    %mul3A_374 = vector.broadcast %mul3A_373 : f32 to vector<1x384xf32>
    %mul3A_375 = arith.mulf %min3A_372, %mul3A_374 : vector<1x384xf32>
    %floor3A_376 = math.floor %mul3A_375 : vector<1x384xf32>
    %mul3A_377 = arith.constant 1.920000e+02 : f32
    %mul3A_378 = vector.broadcast %mul3A_377 : f32 to vector<1x384xf32>
    %mul3A_379 = arith.mulf %floor3A_364, %mul3A_378 : vector<1x384xf32>
    %add3A_380 = arith.addf %mul3A_379, %floor3A_376 : vector<1x384xf32>
    %convert_element_type3A_381 = arith.fptosi %add3A_380 : vector<1x384xf32> to vector<1x384xi32>
    %swap3A_382 = arith.constant 0 : index
    %swap3A_383 = arith.constant 5 : index
    %swap3A_384 = arith.constant 0 : index
    %swap3A_385 = vector.load %arg9[%swap3A_382, %swap3A_383, %swap3A_384] : memref<1x8x384xi32, #tpu.memory_space<vmem>>, vector<1x1x384xi32>
    %swap3A_386 = vector.shape_cast %swap3A_385 : vector<1x1x384xi32> to vector<1x384xi32>
    %swap3A_387 = vector.shape_cast %convert_element_type3A_381 : vector<1x384xi32> to vector<1x1x384xi32>
    tpu.vector_store %arg9[%swap3A_382, %swap3A_383, %swap3A_384], %swap3A_387 {strides = array<i32>} : memref<1x8x384xi32, #tpu.memory_space<vmem>>, vector<1x1x384xi32>,
    %get3A_388 = arith.constant 0 : index
    %get3A_389 = arith.constant 0 : index
    %get3A_390 = arith.constant 6 : index
    %get3A_391 = arith.constant 0 : index
    %get3A_392 = vector.load %arg2[%get3A_388, %get3A_389, %get3A_390, %get3A_391] : memref<1x96x8x384xf32, #tpu.memory_space<vmem>>, vector<1x96x1x384xf32>
    %get3A_393 = vector.shape_cast %get3A_392 : vector<1x96x1x384xf32> to vector<96x384xf32>
    %dot_general3A_394 = arith.constant dense<0.000000e+00> : vector<3x384xf32>
    %dot_general3A_395 = tpu.matmul %get3A_1, %get3A_393, %dot_general3A_394 {dimension_numbers = #tpu.dot_dimension_numbers<[1], [0], [0], [1], [0, 0, 1, 1], [], []>, precision = #tpu.contract_precision<fp32>, transpose_lhs_hint = false} : vector<3x96xf32>, vector<96x384xf32>, vector<3x384xf32> -> vector<3x384xf32>
    %add3A_396 = vector.broadcast %get3A_4 : vector<3x1xf32> to vector<3x384xf32>
    %add3A_397 = arith.addf %dot_general3A_395, %add3A_396 : vector<3x384xf32>
    %slice3A_398 = vector.extract_strided_slice %add3A_397 {offsets = [0, 0], sizes = [2, 384], strides = [1, 1]} : vector<3x384xf32> to vector<2x384xf32>
    %broadcast_in_dim3A_399 = vector.shape_cast %slice3A_398 : vector<2x384xf32> to vector<2x1x384xf32>
    %swap3A_400 = arith.constant 0 : index
    %swap3A_401 = arith.constant 0 : index
    %swap3A_402 = arith.constant 6 : index
    %swap3A_403 = arith.constant 0 : index
    %swap3A_404 = vector.load %arg7[%swap3A_400, %swap3A_401, %swap3A_402, %swap3A_403] : memref<1x2x8x384xf32, #tpu.memory_space<vmem>>, vector<1x2x1x384xf32>
    %swap3A_405 = vector.shape_cast %swap3A_404 : vector<1x2x1x384xf32> to vector<2x1x384xf32>
    %swap3A_406 = vector.shape_cast %broadcast_in_dim3A_399 : vector<2x1x384xf32> to vector<1x2x1x384xf32>
    tpu.vector_store %arg7[%swap3A_400, %swap3A_401, %swap3A_402, %swap3A_403], %swap3A_406 {strides = array<i32>} : memref<1x2x8x384xf32, #tpu.memory_space<vmem>>, vector<1x2x1x384xf32>,
    %slice3A_407 = vector.extract_strided_slice %add3A_397 {offsets = [2, 0], sizes = [1, 384], strides = [1, 1]} : vector<3x384xf32> to vector<1x384xf32>
    %exp3A_408 = math.exp %slice3A_407 : vector<1x384xf32>
    %swap3A_409 = arith.constant 0 : index
    %swap3A_410 = arith.constant 6 : index
    %swap3A_411 = arith.constant 0 : index
    %swap3A_412 = vector.load %arg8[%swap3A_409, %swap3A_410, %swap3A_411] : memref<1x8x384xf32, #tpu.memory_space<vmem>>, vector<1x1x384xf32>
    %swap3A_413 = vector.shape_cast %swap3A_412 : vector<1x1x384xf32> to vector<1x384xf32>
    %swap3A_414 = vector.shape_cast %exp3A_408 : vector<1x384xf32> to vector<1x1x384xf32>
    tpu.vector_store %arg8[%swap3A_409, %swap3A_410, %swap3A_411], %swap3A_414 {strides = array<i32>} : memref<1x8x384xf32, #tpu.memory_space<vmem>>, vector<1x1x384xf32>,
    %slice3A_415 = vector.extract_strided_slice %get3A_10 {offsets = [6, 0], sizes = [1, 1], strides = [1, 1]} : vector<8x1xf32> to vector<1x1xf32>
    %squeeze3A_416 = vector.extract %slice3A_415[0, 0] : f32 from vector<1x1xf32>
    %slice3A_417 = vector.extract_strided_slice %add3A_397 {offsets = [0, 0], sizes = [1, 384], strides = [1, 1]} : vector<3x384xf32> to vector<1x384xf32>
    %add3A_418 = vector.broadcast %squeeze3A_416 : f32 to vector<1x384xf32>
    %add3A_419 = arith.addf %add3A_418, %slice3A_417 : vector<1x384xf32>
    %jit3A_420 = arith.constant 0.000000e+00 : f32
    %jit3A_421 = arith.constant 0.999989986 : f32
    %max3A_422 = vector.broadcast %jit3A_420 : f32 to vector<1x384xf32>
    %max3A_423 = arith.maximumf %max3A_422, %add3A_419 : vector<1x384xf32>
    %min3A_424 = vector.broadcast %jit3A_421 : f32 to vector<1x384xf32>
    %min3A_425 = arith.minimumf %min3A_424, %max3A_423 : vector<1x384xf32>
    %mul3A_426 = arith.constant 1.920000e+02 : f32
    %mul3A_427 = vector.broadcast %mul3A_426 : f32 to vector<1x384xf32>
    %mul3A_428 = arith.mulf %min3A_425, %mul3A_427 : vector<1x384xf32>
    %floor3A_429 = math.floor %mul3A_428 : vector<1x384xf32>
    %slice3A_430 = vector.extract_strided_slice %add3A_397 {offsets = [1, 0], sizes = [1, 384], strides = [1, 1]} : vector<3x384xf32> to vector<1x384xf32>
    %add3A_431 = arith.addf %get3A_7, %slice3A_430 : vector<1x384xf32>
    %jit3A_432 = arith.constant 0.000000e+00 : f32
    %jit3A_433 = arith.constant 0.999989986 : f32
    %max3A_434 = vector.broadcast %jit3A_432 : f32 to vector<1x384xf32>
    %max3A_435 = arith.maximumf %max3A_434, %add3A_431 : vector<1x384xf32>
    %min3A_436 = vector.broadcast %jit3A_433 : f32 to vector<1x384xf32>
    %min3A_437 = arith.minimumf %min3A_436, %max3A_435 : vector<1x384xf32>
    %mul3A_438 = arith.constant 1.920000e+02 : f32
    %mul3A_439 = vector.broadcast %mul3A_438 : f32 to vector<1x384xf32>
    %mul3A_440 = arith.mulf %min3A_437, %mul3A_439 : vector<1x384xf32>
    %floor3A_441 = math.floor %mul3A_440 : vector<1x384xf32>
    %mul3A_442 = arith.constant 1.920000e+02 : f32
    %mul3A_443 = vector.broadcast %mul3A_442 : f32 to vector<1x384xf32>
    %mul3A_444 = arith.mulf %floor3A_429, %mul3A_443 : vector<1x384xf32>
    %add3A_445 = arith.addf %mul3A_444, %floor3A_441 : vector<1x384xf32>
    %convert_element_type3A_446 = arith.fptosi %add3A_445 : vector<1x384xf32> to vector<1x384xi32>
    %swap3A_447 = arith.constant 0 : index
    %swap3A_448 = arith.constant 6 : index
    %swap3A_449 = arith.constant 0 : index
    %swap3A_450 = vector.load %arg9[%swap3A_447, %swap3A_448, %swap3A_449] : memref<1x8x384xi32, #tpu.memory_space<vmem>>, vector<1x1x384xi32>
    %swap3A_451 = vector.shape_cast %swap3A_450 : vector<1x1x384xi32> to vector<1x384xi32>
    %swap3A_452 = vector.shape_cast %convert_element_type3A_446 : vector<1x384xi32> to vector<1x1x384xi32>
    tpu.vector_store %arg9[%swap3A_447, %swap3A_448, %swap3A_449], %swap3A_452 {strides = array<i32>} : memref<1x8x384xi32, #tpu.memory_space<vmem>>, vector<1x1x384xi32>,
    %get3A_453 = arith.constant 0 : index
    %get3A_454 = arith.constant 0 : index
    %get3A_455 = arith.constant 7 : index
    %get3A_456 = arith.constant 0 : index
    %get3A_457 = vector.load %arg2[%get3A_453, %get3A_454, %get3A_455, %get3A_456] : memref<1x96x8x384xf32, #tpu.memory_space<vmem>>, vector<1x96x1x384xf32>
    %get3A_458 = vector.shape_cast %get3A_457 : vector<1x96x1x384xf32> to vector<96x384xf32>
    %dot_general3A_459 = arith.constant dense<0.000000e+00> : vector<3x384xf32>
    %dot_general3A_460 = tpu.matmul %get3A_1, %get3A_458, %dot_general3A_459 {dimension_numbers = #tpu.dot_dimension_numbers<[1], [0], [0], [1], [0, 0, 1, 1], [], []>, precision = #tpu.contract_precision<fp32>, transpose_lhs_hint = false} : vector<3x96xf32>, vector<96x384xf32>, vector<3x384xf32> -> vector<3x384xf32>
    %add3A_461 = vector.broadcast %get3A_4 : vector<3x1xf32> to vector<3x384xf32>
    %add3A_462 = arith.addf %dot_general3A_460, %add3A_461 : vector<3x384xf32>
    %slice3A_463 = vector.extract_strided_slice %add3A_462 {offsets = [0, 0], sizes = [2, 384], strides = [1, 1]} : vector<3x384xf32> to vector<2x384xf32>
    %broadcast_in_dim3A_464 = vector.shape_cast %slice3A_463 : vector<2x384xf32> to vector<2x1x384xf32>
    %swap3A_465 = arith.constant 0 : index
    %swap3A_466 = arith.constant 0 : index
    %swap3A_467 = arith.constant 7 : index
    %swap3A_468 = arith.constant 0 : index
    %swap3A_469 = vector.load %arg7[%swap3A_465, %swap3A_466, %swap3A_467, %swap3A_468] : memref<1x2x8x384xf32, #tpu.memory_space<vmem>>, vector<1x2x1x384xf32>
    %swap3A_470 = vector.shape_cast %swap3A_469 : vector<1x2x1x384xf32> to vector<2x1x384xf32>
    %swap3A_471 = vector.shape_cast %broadcast_in_dim3A_464 : vector<2x1x384xf32> to vector<1x2x1x384xf32>
    tpu.vector_store %arg7[%swap3A_465, %swap3A_466, %swap3A_467, %swap3A_468], %swap3A_471 {strides = array<i32>} : memref<1x2x8x384xf32, #tpu.memory_space<vmem>>, vector<1x2x1x384xf32>,
    %slice3A_472 = vector.extract_strided_slice %add3A_462 {offsets = [2, 0], sizes = [1, 384], strides = [1, 1]} : vector<3x384xf32> to vector<1x384xf32>
    %exp3A_473 = math.exp %slice3A_472 : vector<1x384xf32>
    %swap3A_474 = arith.constant 0 : index
    %swap3A_475 = arith.constant 7 : index
    %swap3A_476 = arith.constant 0 : index
    %swap3A_477 = vector.load %arg8[%swap3A_474, %swap3A_475, %swap3A_476] : memref<1x8x384xf32, #tpu.memory_space<vmem>>, vector<1x1x384xf32>
    %swap3A_478 = vector.shape_cast %swap3A_477 : vector<1x1x384xf32> to vector<1x384xf32>
    %swap3A_479 = vector.shape_cast %exp3A_473 : vector<1x384xf32> to vector<1x1x384xf32>
    tpu.vector_store %arg8[%swap3A_474, %swap3A_475, %swap3A_476], %swap3A_479 {strides = array<i32>} : memref<1x8x384xf32, #tpu.memory_space<vmem>>, vector<1x1x384xf32>,
    %slice3A_480 = vector.extract_strided_slice %get3A_10 {offsets = [7, 0], sizes = [1, 1], strides = [1, 1]} : vector<8x1xf32> to vector<1x1xf32>
    %squeeze3A_481 = vector.extract %slice3A_480[0, 0] : f32 from vector<1x1xf32>
    %slice3A_482 = vector.extract_strided_slice %add3A_462 {offsets = [0, 0], sizes = [1, 384], strides = [1, 1]} : vector<3x384xf32> to vector<1x384xf32>
    %add3A_483 = vector.broadcast %squeeze3A_481 : f32 to vector<1x384xf32>
    %add3A_484 = arith.addf %add3A_483, %slice3A_482 : vector<1x384xf32>
    %jit3A_485 = arith.constant 0.000000e+00 : f32
    %jit3A_486 = arith.constant 0.999989986 : f32
    %max3A_487 = vector.broadcast %jit3A_485 : f32 to vector<1x384xf32>
    %max3A_488 = arith.maximumf %max3A_487, %add3A_484 : vector<1x384xf32>
    %min3A_489 = vector.broadcast %jit3A_486 : f32 to vector<1x384xf32>
    %min3A_490 = arith.minimumf %min3A_489, %max3A_488 : vector<1x384xf32>
    %mul3A_491 = arith.constant 1.920000e+02 : f32
    %mul3A_492 = vector.broadcast %mul3A_491 : f32 to vector<1x384xf32>
    %mul3A_493 = arith.mulf %min3A_490, %mul3A_492 : vector<1x384xf32>
    %floor3A_494 = math.floor %mul3A_493 : vector<1x384xf32>
    %slice3A_495 = vector.extract_strided_slice %add3A_462 {offsets = [1, 0], sizes = [1, 384], strides = [1, 1]} : vector<3x384xf32> to vector<1x384xf32>
    %add3A_496 = arith.addf %get3A_7, %slice3A_495 : vector<1x384xf32>
    %jit3A_497 = arith.constant 0.000000e+00 : f32
    %jit3A_498 = arith.constant 0.999989986 : f32
    %max3A_499 = vector.broadcast %jit3A_497 : f32 to vector<1x384xf32>
    %max3A_500 = arith.maximumf %max3A_499, %add3A_496 : vector<1x384xf32>
    %min3A_501 = vector.broadcast %jit3A_498 : f32 to vector<1x384xf32>
    %min3A_502 = arith.minimumf %min3A_501, %max3A_500 : vector<1x384xf32>
    %mul3A_503 = arith.constant 1.920000e+02 : f32
    %mul3A_504 = vector.broadcast %mul3A_503 : f32 to vector<1x384xf32>
    %mul3A_505 = arith.mulf %min3A_502, %mul3A_504 : vector<1x384xf32>
    %floor3A_506 = math.floor %mul3A_505 : vector<1x384xf32>
    %mul3A_507 = arith.constant 1.920000e+02 : f32
    %mul3A_508 = vector.broadcast %mul3A_507 : f32 to vector<1x384xf32>
    %mul3A_509 = arith.mulf %floor3A_494, %mul3A_508 : vector<1x384xf32>
    %add3A_510 = arith.addf %mul3A_509, %floor3A_506 : vector<1x384xf32>
    %convert_element_type3A_511 = arith.fptosi %add3A_510 : vector<1x384xf32> to vector<1x384xi32>
    %swap3A_512 = arith.constant 0 : index
    %swap3A_513 = arith.constant 7 : index
    %swap3A_514 = arith.constant 0 : index
    %swap3A_515 = vector.load %arg9[%swap3A_512, %swap3A_513, %swap3A_514] : memref<1x8x384xi32, #tpu.memory_space<vmem>>, vector<1x1x384xi32>
    %swap3A_516 = vector.shape_cast %swap3A_515 : vector<1x1x384xi32> to vector<1x384xi32>
    %swap3A_517 = vector.shape_cast %convert_element_type3A_511 : vector<1x384xi32> to vector<1x1x384xi32>
    tpu.vector_store %arg9[%swap3A_512, %swap3A_513, %swap3A_514], %swap3A_517 {strides = array<i32>} : memref<1x8x384xi32, #tpu.memory_space<vmem>>, vector<1x1x384xi32>,
    return
  }
  func.func @transform_0(%arg0: i32, %arg1: i32) -> (i32, i32, i32, i32) {
    %c0_i32 = arith.constant 0 : i32
    %c0_i32_0 = arith.constant 0 : i32
    %c0_i32_1 = arith.constant 0 : i32
    return %arg0, %c0_i32, %arg1, %c0_i32_0 : i32, i32, i32, i32
  }
  func.func @transform_1(%arg0: i32, %arg1: i32) -> (i32, i32) {
    %c0_i32 = arith.constant 0 : i32
    %c0_i32_0 = arith.constant 0 : i32
    return %arg1, %c0_i32 : i32, i32
  }
  func.func @transform_2(%arg0: i32, %arg1: i32) -> (i32, i32) {
    %c0_i32 = arith.constant 0 : i32
    %c0_i32_0 = arith.constant 0 : i32
    %c0_i32_1 = arith.constant 0 : i32
    return %c0_i32, %c0_i32_0 : i32, i32
  }
  func.func @transform_3(%arg0: i32, %arg1: i32) -> (i32, i32) {
    %c0_i32 = arith.constant 0 : i32
    %c0_i32_0 = arith.constant 0 : i32
    %c0_i32_1 = arith.constant 0 : i32
    return %c0_i32, %c0_i32_0 : i32, i32
  }
  func.func @transform_4(%arg0: i32, %arg1: i32) -> (i32, i32) {
    %c0_i32 = arith.constant 0 : i32
    %c0_i32_0 = arith.constant 0 : i32
    %c0_i32_1 = arith.constant 0 : i32
    return %c0_i32, %c0_i32_0 : i32, i32
  }
  func.func @transform_5(%arg0: i32, %arg1: i32) -> (i32, i32, i32, i32) {
    %c0_i32 = arith.constant 0 : i32
    %c0_i32_0 = arith.constant 0 : i32
    %c0_i32_1 = arith.constant 0 : i32
    return %arg0, %c0_i32, %arg1, %c0_i32_0 : i32, i32, i32, i32
  }
  func.func @transform_6(%arg0: i32, %arg1: i32) -> (i32, i32, i32) {
    %c0_i32 = arith.constant 0 : i32
    %c0_i32_0 = arith.constant 0 : i32
    return %arg0, %arg1, %c0_i32 : i32, i32, i32
  }
  func.func @transform_7(%arg0: i32, %arg1: i32) -> (i32, i32, i32) {
    %c0_i32 = arith.constant 0 : i32
    %c0_i32_0 = arith.constant 0 : i32
    return %arg0, %arg1, %c0_i32 : i32, i32, i32
  }
}

</mosaic_0001>

<sc_bundles>
// kernel: kernel.6.cloned.1.call-start
scs
__scs_entry_jumppad:
0x0: {  	(pc) =	sbr.rel $0x88, $3  }
0x1: {  	(tag) =	ssettag $0x0;
	lr =	simm.s32 $0x1  }
0x2: {  	[smem:$0x3F9E] =	sst lr;
	_ =	strace $0xD0000000  }
0x3: {  	_ = 	snop  }
0x4: {  	_ = 	snop  }
0x5: {  	_ = 	snop  }
0x6: {  	_ = 	snop  }
0x7: {  	_ = 	snop  }
__scs_overlays_trampoline_lowered:
0x8: {  	[smem:$0x3FAD] =	sst s0  }
0x9: {  	[smem:$0x3FAE] =	sst s1  }
0xa: {  	[smem:$0x3FAF] =	sst s2  }
0xb: {  	[smem:$0x3FB0] =	sst s3  }
0xc: {  	[smem:$0x3FB1] =	sst s4  }
0xd: {  	[smem:$0x3FB2] =	sst s5  }
0xe: {  	[smem:$0x3FB3] =	sst s6  }
0xf: {  	[smem:$0x3FB4] =	sst s7  }
0x10: {  	[smem:$0x3FB5] =	sst s8  }
0x11: {  	[smem:$0x3FB6] =	sst s9;
	s0 =	simm.s32 @!p0 $0x0  }
0x12: {  	s1 =	sld [smem:$0x3F9C];
	s0 =	simm.s32 @p0 $0x1  }
0x13: {  	[smem:$0x3FB7] =	sst s0;
	s0 =	simm.s32 @!p1 $0x0  }
0x14: {  	s2 =	sld [smem:$0x3F9B];
	s0 =	simm.s32 @p1 $0x1  }
0x15: {  	[smem:$0x3FB8] =	sst s0;
	s0 =	simm.s32 @!p2 $0x0  }
0x16: {  	s3 =	sld [smem:$0x3FDB];
	s0 =	simm.s32 @p2 $0x1  }
0x17: {  	s4 =	simm.s32 $0x1BF5;
	[smem:$0x3FBA] =	sst s0  }
0x18: {  	s0 =	sld [smem:$0x3F9D];
	_ =	swait.ge [sflag:s4], $0x0  }
0x19: {  	s7 =	sld [smem:$0x3F9E]  }
0x1a: {  	s8 =	sadd.s32 $0xFFFFE003, lr  }
0x1b: {  	s9 =	sadd.s32 $0xFFFFFEF7, lr;
	s5 =	simm.s32 $0xFFFFFFFF;
	p2 =	slt.u32 s8, $0xFFFFF086  }
0x1c: {  	p1 =	slt.u32 s9, $0xF7A;
	s5 =	simm.s32 @!p2 $0x0  }
0x1d: {  	s5 =	simm.s32 @p1 $0x1;
	p0 =	seq.s32 s7, s2  }
0x1e: {  	s7 =	smul.u32 @!p0 $0xF7A, s2;
	p2 =	seq.s32 @!p0 s5, $0x0  }
0x1f: {  	s9 =	smul.u32 $0xF7A, s1;
	s8 =	simm.s32 @!p0 $0x1BF5;
	p2 =	por !p2, p0  }
0x20: {  	[sflag:s8] =	ssyncset.s32 @!p0 $0xFFFFF086;
	s6 =	sadd.s32 @!p0 s3, s7;
	s7 =	simm.s32 @!p0 $0x108  }
0x21: {  	s3 =	sadd.s32 s3, s9;
	s6 =	sadd.s32 @!p0 $0x88, s6;
	s7 =	simm.s32 @p2 $0x1082  }
0x22: {  	[simem:s7], [sflag:s8] =	dma.local @!p0 [hbm:s6], $0xF7A  }
0x23: {  	s9 =	sor.u32 $0xD0000000, s2;
	s6 =	simm.s32 $0x108;
	_ =	swait.ge @!p0 [sflag:s8], $0x0  }
0x24: {  	s3 =	sadd.s32 $0x88, s3;
	s6 =	simm.s32 @!p1 $0x1082;
	[sflag:s4] =	ssyncset.s32 $0xFFFFF086  }
0x25: {  	[simem:s6], [sflag:s4] =	dma.local [hbm:s3], $0xF7A  }
0x26: {  	[smem:$0x3F9E] =	sst s1;
	(tag) =	ssettag s2;
	_ =	strace s9  }
0x27: {  	s1 =	sld [smem:$0x3FAE]  }
0x28: {  	s2 =	sld [smem:$0x3FAF]  }
0x29: {  	s4 =	sld [smem:$0x3FB1]  }
0x2a: {  	p0 =	seq.s32 s5, $0x0;
	s5 =	sld [smem:$0x3FB2]  }
0x2b: {  	s6 =	sld [smem:$0x3FB3]  }
0x2c: {  	s7 =	sld [smem:$0x3FB4]  }
0x2d: {  	s3 =	simm.s32 $0x108;
	s8 =	sld [smem:$0x3FB5]  }
0x2e: {  	s3 =	simm.s32 @!p0 $0x1082;
	s9 =	sld [smem:$0x3FB6]  }
0x2f: {  	lr =	sadd.s32 s0, s3;
	s0 =	sld [smem:$0x3FAD]  }
0x30: {  	s3 =	sld [smem:$0x3FB0]  }
0x31: {  	[smem:$0x3FB9] =	sst s10  }
0x32: {  	s10 =	sld [smem:$0x3FB7];
	_ =	sdelay $0x3  }
0x33: {  	p0 =	seq.s32 s10, $0x1;
	s10 =	sld [smem:$0x3FB9];
	_ =	sdelay $0x3  }
0x34: {  	[smem:$0x3FB9] =	sst s10  }
0x35: {  	s10 =	sld [smem:$0x3FB8];
	_ =	sdelay $0x3  }
0x36: {  	p1 =	seq.s32 s10, $0x1;
	s10 =	sld [smem:$0x3FB9];
	_ =	sdelay $0x3  }
0x37: {  	[smem:$0x3FB9] =	sst s10  }
0x38: {  	s10 =	sld [smem:$0x3FBA]  }
0x39: {  	_ = 	snop;
	(pc) =	sbr.ind lr, $3  }
0x3a: {  	_ = 	snop  }
0x3b: {  	_ = 	snop  }
0x3c: {  	p2 =	seq.s32 s10, $0x1;
	s10 =	sld [smem:$0x3FB9]  }
0x3d: {  	_ =	shalt  }
0x3e: {  	_ =	shalt  }
0x3f: {  	_ =	shalt  }
0x40: {  	_ =	shalt  }
0x41: {  	_ =	shalt  }
0x42: {  	_ =	shalt  }
0x43: {  	_ =	shalt  }
0x44: {  	_ =	shalt  }
0x45: {  	_ =	shalt  }
0x46: {  	_ =	shalt  }
0x47: {  	_ =	shalt  }
0x48: {  	_ =	shalt  }
0x49: {  	_ =	shalt  }
0x4a: {  	_ =	shalt  }
0x4b: {  	_ =	shalt  }
0x4c: {  	_ =	shalt  }
0x4d: {  	_ =	shalt  }
0x4e: {  	_ =	shalt  }
0x4f: {  	_ =	shalt  }
0x50: {  	_ =	shalt  }
0x51: {  	_ =	shalt  }
0x52: {  	_ =	shalt  }
0x53: {  	_ =	shalt  }
0x54: {  	_ =	shalt  }
0x55: {  	_ =	shalt  }
0x56: {  	_ =	shalt  }
0x57: {  	_ =	shalt  }
0x58: {  	_ =	shalt  }
0x59: {  	_ =	shalt  }
0x5a: {  	_ =	shalt  }
0x5b: {  	_ =	shalt  }
0x5c: {  	_ =	shalt  }
0x5d: {  	_ =	shalt  }
0x5e: {  	_ =	shalt  }
0x5f: {  	_ =	shalt  }
0x60: {  	_ =	shalt  }
0x61: {  	_ =	shalt  }
0x62: {  	_ =	shalt  }
0x63: {  	_ =	shalt  }
0x64: {  	_ =	shalt  }
0x65: {  	_ =	shalt  }
0x66: {  	_ =	shalt  }
0x67: {  	_ =	shalt  }
0x68: {  	_ =	shalt  }
0x69: {  	_ =	shalt  }
0x6a: {  	_ =	shalt  }
0x6b: {  	_ =	shalt  }
0x6c: {  	_ =	shalt  }
0x6d: {  	_ =	shalt  }
0x6e: {  	_ =	shalt  }
0x6f: {  	_ =	shalt  }
0x70: {  	_ =	shalt  }
0x71: {  	_ =	shalt  }
0x72: {  	_ =	shalt  }
0x73: {  	_ =	shalt  }
0x74: {  	_ =	shalt  }
0x75: {  	_ =	shalt  }
0x76: {  	_ =	shalt  }
0x77: {  	_ =	shalt  }
0x78: {  	_ =	shalt  }
0x79: {  	_ =	shalt  }
0x7a: {  	_ =	shalt  }
0x7b: {  	_ =	shalt  }
0x7c: {  	_ =	shalt  }
0x7d: {  	_ =	shalt  }
0x7e: {  	_ =	shalt  }
0x7f: {  	_ =	shalt  }
0x80: {  	_ =	shalt  }
0x81: {  	_ =	shalt  }
0x82: {  	_ =	shalt  }
0x83: {  	_ =	shalt  }
0x84: {  	_ =	shalt  }
0x85: {  	_ =	shalt  }
0x86: {  	_ =	shalt  }
0x87: {  	_ =	shalt  }
.Lfunc_end0:
.L_simem_size_0:
called_computation_lowered:
.L_overlay_start_0:
0x88: {  	s2 =	sld [smem:$0x3FD9]  }
0x89: {  	s3 =	sld [smem:$0x3FFE];
	_ =	sdelay $0x1  }
0x8a: {  	s1 =	srdreg.scid  }
0x8b: {  	s0 =	sand.u32 $0x1, s1  }
0x8c: {  	s14 =	sshll.u32 s0, $0xA;
	s2 =	sadd.s32 s3, s2  }
0x8d: {  	s2 =	sadd.s32 s2, s14  }
0x8e: {  	[smem:$0x3FC5] =	sst s2  }
0x8f: {  	_ = 	snop  }
0x90: {  	s2 =	sld [smem:$0x3FD0];
	_ =	sdelay $0x2  }
0x91: {  	s4 =	simm.s32 $0xA;
	s5 =	simm.s32 $0x10;
	s15 =	sld [smem:$0x3FC9]  }
0x92: {  	[smem:s5], [sflag:s4] =	dma.local [hbm:s2], $0x1  }
0x93: {  	_ =	swait.eq [sflag:s4], $0x1  }
0x94: {  	[sflag:s4] =	ssyncset.done $0x0  }
0x95: {  	[sflag:s4] =	ssyncadd.s32 $0xFFFFFFFF  }
0x96: {  	s16 =	sld [smem:$0x10];
	(tm) =	ssettm $0x1  }
0x97: {  	s17 =	sld [smem:$0x3FFB];
	_ =	sdelay $0x3  }
0x98: {  	_ =	strace s17  }
0x99: {  	s4 =	sld [smem:$0x3FFC];
	_ =	sdelay $0x3  }
0x9a: {  	_ =	strace s4  }
0x9b: {  	s4 =	sld [smem:$0x3FFD];
	_ =	sdelay $0x3  }
0x9c: {  	_ =	strace s4  }
0x9d: {  	_ =	strace $0x8FFFFFFF  }
0x9e: {  	s18 =	sld [smem:$0x3FDB];
	_ =	sdelay $0x1  }
0x9f: {  	s19 =	simm.s32 $_scs_section_size  }
0xa0: {  	s6 =	simm.s32 $_size__tile_overlayer_lowered;
	s7 =	simm.s32 $_tile_overlayer_lowered  }
0xa1: {  	s22 =	simm.s32 $0x1BFF;
	s21 =	sshll.u32 s7, $0x1;
	s4 =	sadd.s32 s19, s18  }
0xa2: {  	s8 =	simm.s32 $0x0;
	s20 =	sshll.u32 s6, $0x1;
	s6 =	sadd.s32 s21, s4  }
0xa3: {  	[timem:s8], [sflag:s22] =	dma.local [hbm:s6], s20  }
0xa4: {  	_ =	swait.ge [sflag:s22], s20  }
0xa5: {  	s5 =	ssub.s32 $0x0, s20;
	[sflag:s22] =	ssyncset.done $0x0  }
0xa6: {  	[sflag:s22] =	ssyncadd.s32 s5;
	_ =	sdelay $0x1  }
0xa7: {  	s23 =	simm.s32 $0x1B8B  }
0xa8: {  	_ =	swait.ge [sflag:s23], $0x1  }
0xa9: {  	[sflag:s23] =	ssyncset.done $0x0  }
0xaa: {  	s25 =	simm.s32 $0x1B8E;
	s24 =	sld [smem:$0x3FFE];
	[sflag:s23] =	ssyncadd.s32 $0xFFFFFFFF  }
0xab: {  	s26 =	simm.s32 $execute0_lowered;
	[smem:$0x3FD2] =	sst s25  }
0xac: {  	s6 =	sshll.u32 s26, $0x1;
	_ =	strace $0x80000046;
	[dreg:$0x1] =	wrdreg $0xFFFFFFFF  }
0xad: {  	s28 =	simm.s32 $_size_execute0_lowered;
	s4 =	sadd.s32 s4, s6;
	[dreg:$0x0] =	wrdreg $0x0  }
0xae: {  	s6 =	sshll.u32 s28, $0x1;
	[dreg:$0x2] =	wrdreg s4  }
0xaf: {  	[dreg:$0x3] =	wrdreg s6  }
0xb0: {  	[dreg:$0x4] =	wrdreg $0xC0  }
0xb1: {  	_ =	task [dreg:s8], $0x5FFFF  }
0xb2: {  	[dreg:$0x1] =	wrdreg $0xFFFFFFFF  }
0xb3: {  	[dreg:$0x0] =	wrdreg $0x60  }
0xb4: {  	[dreg:$0x2] =	wrdreg s15  }
0xb5: {  	[dreg:$0x3] =	wrdreg s24  }
0xb6: {  	[dreg:$0x4] =	wrdreg s16  }
0xb7: {  	[dreg:$0x5] =	wrdreg $0x9  }
0xb8: {  	_ =	task.clear_ibuf [dreg:s8], $0x6FFFF;
	_ =	strace $0x90000046  }
0xb9: {  	s29 =	simm.s32 $0x9;
	_ =	strace $0x80000048  }
0xba: {  	_ =	swait.ge [sflag:s29], $0x1  }
0xbb: {  	[sflag:s29] =	ssyncadd.s32 $0xFFFFFFFF  }
0xbc: {  	_ =	strace $0x90000048  }
0xbd: {  	_ =	sfence  }
0xbe: {  	s30 =	sld [smem:$0x0];
	_ =	sdelay $0x2  }
0xbf: {  	s31 =	sshll.u32 s1, $0xD;
	s1 =	sshrl.u32 s1, $0x2  }
0xc0: {  	s3 =	sand.u32 $0x4000, s31;
	s1 =	sadd.s32 s1, s30  }
0xc1: {  	s0 =	sor.u32 s3, s0;
	s1 =	sshll.u32 s1, $0x11  }
0xc2: {  	s0 =	sor.u32 s1, s0  }
0xc3: {  	s0 =	sadd.s32 $0x8F2B, s0  }
0xc4: {  	[sflag:s0] =	ssyncadd.remote.s32 $0x1  }
0xc5: {  	_ =	sfence.sel $0xFFFF  }
0xc6: {  	[dreg:$0x0] =	wrdreg $0xFFFFFFFF;
	(pc) =	sbr.abs _section_cstart, $3  }
0xc7: {  	[dreg:$0x1] =	wrdreg $0xFFFFFFFF  }
0xc8: {  	_ =	task.clear_ibuf [dreg:s8], $0x2FFFF;
	_ =	strace $0x9FFFFFFF  }
0xc9: {  	(tm) =	ssettm $0x7FFFFFFF  }
tec
execute0_lowered:
.L_overlay_start_1:
0x0: {  	(tag) =	ssettag $0x1  }
0x1: {  	s1 =	rddreg [dreg:$0x0]  }
0x2: {  	s0 =	srdreg.scid;
	s2 =	rddreg [dreg:$0x1]  }
0x3: {  	s4 =	stileid.u32;
	s5 =	simm.s32 $0xFFFFFFF0;
	s9 =	rddreg [dreg:$0x2]  }
0x4: {  	s12 =	simm.s32 $0x24000;
	s30 =	simm.s32 $0x3;
	s0 =	sand.u32 $0x1, s0  }
0x5: {  	s3 =	sshll.u32 s4, $0x1;
	p0 =	sgt.u32 s4, $0x7;
	s4 =	simm.s32 $0x0  }
0x6: {  	s6 =	sadd.s32 $0xA800, s2;
	s7 =	sadd.s32 $0x13800, s2;
	s3 =	sor.u32 s0, s3  }
0x7: {  	s5 =	simm.s32 @!p0 $0x0;
	[smem:$0x7FF] =	sst s4;
	s0 =	ssub.s32 $0x2, s0  }
0x8: {  	s12 =	simm.s32 @!p0 $0x0;
	s10 =	sadd.s32 s3, s5;
	_ =	strace $0x80000047  }
0x9: {  	s5 =	sadd.s32 $0x1800, s2;
	s8 =	sshrl.u32 s0, $0x1;
	s21 =	sshll.u32 s3, $0x8  }
0xa: {  	[dreg:$0x4] =	wrdreg s3;
	s14 =	sshll.u32 s3, $0x7;
	s11 =	smul.u32 $0x18, s10  }
0xb: {  	s0 =	ssub.s32 s0, s8;
	s8 =	sand.u32 $0x300, s21;
	s10 =	sshrl.u32 s10, $0x3  }
0xc: {  	s25 =	sand.u32 $0x380, s14;
	s21 =	simm.s32 $0x15000;
	[dreg:$0x5] =	wrdreg s8  }
0xd: {  	s10 =	smul.u32 $0x48000, s10;
	s20 =	sshrl.u32 s11, $0x3;
	s13 =	sadd.s32 $0x8, s11  }
0xe: {  	s11 =	sadd.s32 $0x10, s11;
	s2 =	smul.u32 $0xC00, s20;
	s13 =	sshrl.u32 s13, $0x3  }
0xf: {  	s0 =	smax.u32 s0, $0x1;
	s11 =	sshrl.u32 s11, $0x3;
	s13 =	smul.u32 $0xC00, s13  }
0x10: {  	[dreg:$0xd] =	wrdreg s0;
	s23 =	smul.u32 $0xC00, s11;
	s2 =	sadd.s32 s12, s2  }
0x11: {  	s2 =	sshrl.u32 s2, $0x3;
	s24 =	sadd.s32 s12, s13;
	s13 =	simm.s32 $0x90000  }
0x12: {  	s22 =	sadd.s32 s5, s2;
	s2 =	sadd.s32 s6, s2;
	s11 =	sshrl.u32 s24, $0x3  }
0x13: {  	s13 =	simm.s32 @!p0 $0x7;
	s24 =	simm.s32 $0x1C800;
	[dreg:$0x6] =	wrdreg s22  }
0x14: {  	[dreg:$0x7] =	wrdreg s2;
	s2 =	sadd.s32 s12, s23;
	s10 =	sadd.s32 s13, s10  }
0x15: {  	s26 =	sadd.s32 s5, s11;
	s28 =	sadd.s32 s6, s11;
	s22 =	simm.s32 $0x16800  }
0x16: {  	s23 =	simm.s32 $0x19800;
	[dreg:$0x8] =	wrdreg s26;
	s2 =	sshrl.u32 s2, $0x3  }
0x17: {  	s10 =	sor.u32 s25, s10;
	[dreg:$0x9] =	wrdreg s28;
	s29 =	sadd.s32 s5, s2  }
0x18: {  	s10 =	sshrl.u32 s10, $0x3;
	s2 =	sadd.s32 s6, s2;
	[dreg:$0xa] =	wrdreg s29  }
0x19: {  	s25 =	simm.s32 $0x1;
	[dreg:$0xb] =	wrdreg s2;
	s31 =	sadd.s32 s9, s10  }
0x1a: {  	v0 =	vimm.f32 $0.0e+00;
	s26 =	simm.s32 $0x2;
	s2 =	simm.s32 $0x0;
	[dreg:$0xc] =	wrdreg s31  }
.LBB2_1:
0x1b: {  	[dreg:$0xe] =	wrdreg s2;
	s0 =	simm.s32 $0x0  }
.LBB2_2:
0x1c: {  	s2 =	simm.s32 $0x40  }
0x1d: {  	[tilespmem:s2+$0xFFFFFFC0] =	vst v0  }
0x1e: {  	[tilespmem:s2+$0x30] =	vst v0  }
0x1f: {  	[tilespmem:s2+$0x20] =	vst v0  }
0x20: {  	[tilespmem:s2+$0x10] =	vst v0  }
0x21: {  	[tilespmem:s2+$0x0] =	vst v0  }
0x22: {  	[tilespmem:s2+$0xFFFFFFF0] =	vst v0  }
0x23: {  	s9 =	simm.s32 $0x0;
	[tilespmem:s2+$0xFFFFFFE0] =	vst v0  }
.LBB2_3:
0x24: {  	s9 =	sadd.s32 $0x8, s9;
	[tilespmem:s2+$0xFFFFFFD0] =	vst v0;
	s2 =	sadd.s32 $0x80, s2  }
0x25: {  	[tilespmem:s2+$0xFFFFFFC0] =	vst v0;
	p0 =	slt.u32 s9, $0x11F8  }
0x26: {  	[tilespmem:s2+$0x30] =	vst v0  }
.Ltmp0:
0x27: {  	[tilespmem:s2+$0x20] =	vst v0;
	(pc) =	sbr.rel @p0 .LBB2_3-.Ltmp0, $4  }
0x28: {  	[tilespmem:s2+$0x10] =	vst v0  }
0x29: {  	[tilespmem:s2+$0x0] =	vst v0  }
0x2a: {  	[tilespmem:s2+$0xFFFFFFF0] =	vst v0  }
0x2b: {  	[tilespmem:s2+$0xFFFFFFE0] =	vst v0  }
0x2c: {  	s9 =	sshll.u32 s0, $0x5;
	s3 =	rddreg [dreg:$0x4]  }
0x2d: {  	s9 =	sor.u32 s3, s9  }
0x2e: {  	s10 =	simm.s32 $0x7FFFFFD0;
	p0 =	sgt.u32 s9, $0x2F  }
0x2f: {  	s10 =	simm.s32 @!p0 $0x0  }
0x30: {  	s14 =	sadd.s32 s9, s10  }
0x31: {  	s12 =	simm.s32 $0xD80000;
	s9 =	smul.u32 $0x48000, s14  }
0x32: {  	s12 =	simm.s32 @!p0 $0x0  }
0x33: {  	s10 =	sadd.s32 s12, s9  }
0x34: {  	s18 =	simm.s32 $0x12000;
	s9 =	sshllo.u32 s14, $0x1;
	s11 =	sshrl.u32 s10, $0x3  }
0x35: {  	[tilespmem:s2+$0xFFFFFFD0] =	vst v0;
	s13 =	smul.u32 $0x24000, s9;
	s17 =	sadd.s32 s1, s11;
	s11 =	simm.s32 $0x0  }
0x36: {  	[tilespmem:s18], [sflag:$0x1] =	stream.linear.gather [hbm4b:s17+s11], $0x1800, $0x38;
	[tilespmem:$0x1E000] =	vst v63  }
0x37: {  	s12 =	sadd.s32 s12, s13;
	s13 =	simm.s32 $0x24000  }
0x38: {  	s19 =	sshrl.u32 s12, $0x3;
	s13 =	simm.s32 @!p0 $0x0  }
0x39: {  	s20 =	simm.s32 $0x13800;
	s2 =	sadd.s32 s1, s19;
	s28 =	sshrl.u32 s13, $0x3  }
0x3a: {  	[tilespmem:s20], [sflag:$0x1] =	stream.linear.gather [hbm4b:s2+s11], $0x1800, $0x38;
	[tilespmem:$0x1E000] =	vst v63  }
0x3b: {  	s29 =	simm.s32 $0x18000;
	s31 =	simm.s32 $0x1B000;
	s15 =	sadd.s32 s5, s28  }
0x3c: {  	[tilespmem:s29], [sflag:$0x1] =	stream.linear.gather [hbm4b:s15+s11], $0x1800, $0x38;
	[tilespmem:$0x1E000] =	vst v63  }
0x3d: {  	s14 =	sshll.u32 s14, $0x1;
	s2 =	sadd.s32 s6, s28;
	s15 =	simm.s32 $0x0  }
0x3e: {  	[tilespmem:s31], [sflag:$0x1] =	stream.linear.gather [hbm4b:s2+s11], $0x1800, $0x38;
	[tilespmem:$0x1E000] =	vst v63  }
.LBB2_5:
0x3f: {  	s16 =	smul.u32 $0x3000, s15;
	_ =	sdelay $0x1  }
0x40: {  	s2 =	sadd.s32 $0x1800, s16  }
0x41: {  	s17 =	sadd.s32 s10, s2  }
0x42: {  	s17 =	sshrl.u32 s17, $0x3  }
0x43: {  	s19 =	sadd.s32 s12, s2;
	s17 =	sadd.s32 s1, s17  }
0x44: {  	[tilespmem:s21], [sflag:$0x2] =	stream.linear.gather [hbm4b:s17+s11], $0x1800, $0x38;
	[tilespmem:$0x1E000] =	vst v63  }
0x45: {  	s2 =	sadd.s32 s13, s2;
	s17 =	sshrl.u32 s19, $0x3  }
0x46: {  	s2 =	sshrl.u32 s2, $0x3;
	s17 =	sadd.s32 s1, s17  }
0x47: {  	[tilespmem:s22], [sflag:$0x2] =	stream.linear.gather [hbm4b:s17+s11], $0x1800, $0x38;
	[tilespmem:$0x1E000] =	vst v63  }
0x48: {  	s20 =	sadd.s32 s5, s2  }
0x49: {  	[tilespmem:s23], [sflag:$0x2] =	stream.linear.gather [hbm4b:s20+s11], $0x1800, $0x38;
	[tilespmem:$0x1E000] =	vst v63  }
0x4a: {  	s2 =	sadd.s32 s6, s2  }
0x4b: {  	[tilespmem:s24], [sflag:$0x2] =	stream.linear.gather [hbm4b:s2+s11], $0x1800, $0x38;
	[tilespmem:$0x1E000] =	vst v63  }
0x4c: {  	_ =	swait.ge [sflag:s25], $0x1800  }
0x4d: {  	[sflag:s25] =	ssyncset.done $0x0  }
0x4e: {  	[sflag:s25] =	ssyncadd.s32 $0xFFFFE800  }
0x4f: {  	s28 =	smulhi.u32 $0xAAAAAAAB, s11;
	_ =	swait.ge [sflag:s25], $0x1800  }
0x50: {  	[sflag:s25] =	ssyncset.done $0x0  }
0x51: {  	s29 =	sshrl.u32 s28, $0x7;
	[sflag:s25] =	ssyncadd.s32 $0xFFFFE800  }
0x52: {  	s18 =	smul.u32 $0xC00, s29;
	_ =	swait.ge [sflag:s25], $0x1800  }
0x53: {  	s2 =	sshrl.u32 s28, $0x4;
	[sflag:s25] =	ssyncset.done $0x0  }
0x54: {  	s18 =	sadd.s32 $0x0, s18;
	s19 =	sand.u32 $0x7, s2;
	[sflag:s25] =	ssyncadd.s32 $0xFFFFE800  }
0x55: {  	s31 =	smul.u32 $0xC00, s2;
	s20 =	sshll.u32 s19, $0x7;
	_ =	swait.ge [sflag:s25], $0x1800  }
0x56: {  	s18 =	sadd.s32 s20, s18;
	[sflag:s25] =	ssyncset.done $0x0  }
0x57: {  	s18 =	ssub.s32 s18, s31;
	[sflag:s25] =	ssyncadd.s32 $0xFFFFE800  }
0x58: {  	v4 =	vld [tilespmem:s18+$0x1B070]  }
0x59: {  	v5 =	vld [tilespmem:s18+$0x18070]  }
0x5a: {  	v6 =	vld [tilespmem:s18+$0x12070]  }
0x5b: {  	v1 =	vld [tilespmem:s18+$0x1B000]  }
0x5c: {  	v9 =	vld [tilespmem:s18+$0x12000]  }
0x5d: {  	v2 =	vld [tilespmem:s18+$0x1B010]  }
0x5e: {  	v10 =	vld [tilespmem:s18+$0x12010]  }
0x5f: {  	v3 =	vld [tilespmem:s18+$0x1B020]  }
0x60: {  	s17 =	smul.u32 $0x3000, s29;
	v11 =	vld [tilespmem:s18+$0x12020]  }
0x61: {  	s2 =	smul.u32 $0x3000, s2;
	s19 =	sshll.u32 s19, $0x9;
	v12 =	vld [tilespmem:s18+$0x12030]  }
0x62: {  	s17 =	sor.u32 s19, s17;
	v7 =	vld [tilespmem:s18+$0x1B040]  }
0x63: {  	s2 =	ssub.s32 s17, s2;
	v14 =	vld [tilespmem:s18+$0x12040];
	v6 =	vmul.f32 v6, v4  }
0x64: {  	s2 =	sshra.s32 s2, $0x2;
	v15 =	vld [tilespmem:s18+$0x12050]  }
0x65: {  	s19 =	sadd.s32 $0x13800, s2;
	[tilespmem:v5+s4+$0x0] =	vst.idx.add.f32.msk $0xffff, v6  }
0x66: {  	v8 =	vld [tilespmem:s19+$0x70]  }
0x67: {  	v16 =	vld [tilespmem:s18+$0x18020]  }
0x68: {  	v17 =	vld [tilespmem:s18+$0x18030];
	v13 =	vadd.s32 $0x9000, v5  }
0x69: {  	v20 =	vld [tilespmem:s18+$0x18040]  }
0x6a: {  	v21 =	vld [tilespmem:s18+$0x18050]  }
0x6b: {  	v22 =	vld [tilespmem:s18+$0x18060];
	v4 =	vmul.f32 v8, v4  }
0x6c: {  	v5 =	vld [tilespmem:s18+$0x1B050]  }
0x6d: {  	[tilespmem:v13+s4+$0x0] =	vst.idx.add.f32.msk $0xffff, v4  }
0x6e: {  	v4 =	vld [tilespmem:s18+$0x18000]  }
0x6f: {  	v13 =	vld [tilespmem:s18+$0x18010]  }
0x70: {  	v18 =	vld [tilespmem:s18+$0x12060];
	v11 =	vmul.f32 v11, v3  }
0x71: {  	v6 =	vld [tilespmem:s18+$0x1B030]  }
0x72: {  	[tilespmem:v16+s4+$0x0] =	vst.idx.add.f32.msk $0xffff, v11  }
0x73: {  	v11 =	vmul.f32 v15, v5;
	v15 =	vld [tilespmem:s19+$0x20]  }
0x74: {  	v9 =	vmul.f32 v9, v1;
	v8 =	vld [tilespmem:s18+$0x1B060]  }
0x75: {  	v10 =	vmul.f32 v10, v2;
	[tilespmem:v21+s4+$0x0] =	vst.idx.add.f32.msk $0xffff, v11  }
0x76: {  	[tilespmem:v4+s4+$0x0] =	vst.idx.add.f32.msk $0xffff, v9  }
0x77: {  	v9 =	vmul.f32 v12, v6;
	[tilespmem:v13+s4+$0x0] =	vst.idx.add.f32.msk $0xffff, v10  }
0x78: {  	v10 =	vmul.f32 v14, v7;
	v19 =	vld [tilespmem:s19+$0x0]  }
0x79: {  	[tilespmem:v17+s4+$0x0] =	vst.idx.add.f32.msk $0xffff, v9  }
0x7a: {  	[tilespmem:v20+s4+$0x0] =	vst.idx.add.f32.msk $0xffff, v10  }
0x7b: {  	v9 =	vmul.f32 v18, v8;
	v18 =	vld [tilespmem:s19+$0x10]  }
0x7c: {  	v14 =	vadd.s32 $0x9000, v4;
	v12 =	vadd.s32 $0x9000, v16;
	v16 =	vld [tilespmem:s19+$0x30]  }
0x7d: {  	s17 =	simm.s32 $0x0;
	v11 =	vadd.s32 $0x9000, v17;
	v13 =	vadd.s32 $0x9000, v13;
	v17 =	vld [tilespmem:s19+$0x40]  }
0x7e: {  	s31 =	simm.s32 $0x0;
	s2 =	simm.s32 $0x13800;
	s18 =	simm.s32 $0x8;
	v4 =	vadd.s32 $0x9000, v22;
	v10 =	vadd.s32 $0x9000, v20;
	[tilespmem:v22+s4+$0x0] =	vst.idx.add.f32.msk $0xffff, v9;
	v9 =	vadd.s32 $0x9000, v21  }
.LBB2_6:
0x7f: {  	s20 =	smulhi.u32 $0xAAAAAAAB, s18;
	v1 =	vmul.f32 v19, v1;
	v19 =	vld [tilespmem:s19+$0x50]  }
0x80: {  	s17 =	sadd.s32 $0x8, s17;
	v2 =	vmul.f32 v18, v2;
	v18 =	vld [tilespmem:s19+$0x60]  }
0x81: {  	p1 =	slt.u32 s17, $0x178;
	s19 =	sshrl.u32 s20, $0x7;
	[tilespmem:v14+s4+$0x0] =	vst.idx.add.f32.msk $0xffff, v1;
	v1 =	vmul.f32 v15, v3  }
0x82: {  	s8 =	sshrl.u32 s20, $0x4;
	s3 =	smul.u32 $0xC00, s19;
	[tilespmem:v13+s4+$0x0] =	vst.idx.add.f32.msk $0xffff, v2;
	v2 =	vmul.f32 v16, v6  }
0x83: {  	s31 =	sadd.s32 $0x400, s31;
	s28 =	sand.u32 $0x7, s8;
	[tilespmem:v12+s4+$0x0] =	vst.idx.add.f32.msk $0xffff, v1;
	v1 =	vmul.f32 v17, v7  }
0x84: {  	s29 =	smul.u32 $0xC00, s8;
	s20 =	sshll.u32 s28, $0x7;
	s3 =	sadd.s32 s3, s31;
	[tilespmem:v11+s4+$0x0] =	vst.idx.add.f32.msk $0xffff, v2;
	v2 =	vmul.f32 v19, v5  }
0x85: {  	s3 =	sadd.s32 s20, s3;
	[tilespmem:v10+s4+$0x0] =	vst.idx.add.f32.msk $0xffff, v1;
	v10 =	vmul.f32 v18, v8  }
0x86: {  	s20 =	ssub.s32 s3, s29;
	[tilespmem:v9+s4+$0x0] =	vst.idx.add.f32.msk $0xffff, v2  }
0x87: {  	v8 =	vld [tilespmem:s20+$0x1B070]  }
0x88: {  	v5 =	vld [tilespmem:s20+$0x18070]  }
0x89: {  	v6 =	vld [tilespmem:s20+$0x12070]  }
0x8a: {  	v1 =	vld [tilespmem:s20+$0x1B000]  }
0x8b: {  	s3 =	smul.u32 $0x3000, s19;
	v7 =	vld [tilespmem:s20+$0x12000]  }
0x8c: {  	s8 =	smul.u32 $0x3000, s8;
	s19 =	sshll.u32 s28, $0x9;
	v2 =	vld [tilespmem:s20+$0x1B010]  }
0x8d: {  	s3 =	sor.u32 s19, s3;
	v9 =	vld [tilespmem:s20+$0x12010]  }
0x8e: {  	s3 =	ssub.s32 s3, s8;
	v3 =	vld [tilespmem:s20+$0x1B020];
	v6 =	vmul.f32 v6, v8  }
0x8f: {  	s2 =	sadd.s32 $0x400, s2;
	s3 =	sshra.s32 s3, $0x2;
	v11 =	vld [tilespmem:s20+$0x12020]  }
0x90: {  	s19 =	sadd.s32 s3, s2;
	v15 =	vmul.f32 v7, v1;
	[tilespmem:v5+s4+$0x0] =	vst.idx.add.f32.msk $0xffff, v6  }
0x91: {  	v12 =	vld [tilespmem:s19+$0x70]  }
0x92: {  	v9 =	vmul.f32 v9, v2;
	v6 =	vld [tilespmem:s20+$0x1B030]  }
0x93: {  	v14 =	vadd.s32 $0x9000, v5;
	v13 =	vld [tilespmem:s20+$0x12030]  }
0x94: {  	v16 =	vmul.f32 v11, v3;
	v7 =	vld [tilespmem:s20+$0x1B040]  }
0x95: {  	v11 =	vld [tilespmem:s20+$0x12040]  }
0x96: {  	v5 =	vld [tilespmem:s20+$0x1B050];
	v8 =	vmul.f32 v12, v8  }
0x97: {  	v12 =	vld [tilespmem:s20+$0x12050]  }
0x98: {  	v17 =	vmul.f32 v13, v6;
	[tilespmem:v14+s4+$0x0] =	vst.idx.add.f32.msk $0xffff, v8  }
0x99: {  	v8 =	vld [tilespmem:s20+$0x1B060]  }
0x9a: {  	v18 =	vmul.f32 v11, v7;
	v11 =	vld [tilespmem:s20+$0x12060]  }
0x9b: {  	v19 =	vld [tilespmem:s20+$0x18000]  }
0x9c: {  	v20 =	vld [tilespmem:s20+$0x18010];
	v21 =	vmul.f32 v12, v5  }
0x9d: {  	v22 =	vld [tilespmem:s20+$0x18020]  }
0x9e: {  	v23 =	vld [tilespmem:s20+$0x18030]  }
0x9f: {  	v24 =	vld [tilespmem:s20+$0x18040];
	v25 =	vmul.f32 v11, v8  }
0xa0: {  	v14 =	vadd.s32 $0x9000, v19;
	v26 =	vld [tilespmem:s20+$0x18050]  }
0xa1: {  	v13 =	vadd.s32 $0x9000, v20;
	v27 =	vld [tilespmem:s20+$0x18060]  }
0xa2: {  	v12 =	vadd.s32 $0x9000, v22;
	[tilespmem:v4+s4+$0x0] =	vst.idx.add.f32.msk $0xffff, v10  }
0xa3: {  	[tilespmem:v19+s4+$0x0] =	vst.idx.add.f32.msk $0xffff, v15;
	v11 =	vadd.s32 $0x9000, v23  }
0xa4: {  	[tilespmem:v20+s4+$0x0] =	vst.idx.add.f32.msk $0xffff, v9;
	v10 =	vadd.s32 $0x9000, v24  }
0xa5: {  	[tilespmem:v22+s4+$0x0] =	vst.idx.add.f32.msk $0xffff, v16;
	v9 =	vadd.s32 $0x9000, v26  }
0xa6: {  	[tilespmem:v23+s4+$0x0] =	vst.idx.add.f32.msk $0xffff, v17;
	v4 =	vadd.s32 $0x9000, v27  }
0xa7: {  	[tilespmem:v24+s4+$0x0] =	vst.idx.add.f32.msk $0xffff, v18  }
0xa8: {  	[tilespmem:v26+s4+$0x0] =	vst.idx.add.f32.msk $0xffff, v21  }
0xa9: {  	[tilespmem:v27+s4+$0x0] =	vst.idx.add.f32.msk $0xffff, v25  }
.Ltmp1:
0xaa: {  	v19 =	vld [tilespmem:s19+$0x0];
	(pc) =	sbr.rel @p1 .LBB2_6-.Ltmp1, $4  }
0xab: {  	v18 =	vld [tilespmem:s19+$0x10]  }
0xac: {  	v15 =	vld [tilespmem:s19+$0x20]  }
0xad: {  	v16 =	vld [tilespmem:s19+$0x30]  }
0xae: {  	s18 =	sadd.s32 $0x8, s18;
	v17 =	vld [tilespmem:s19+$0x40]  }
0xaf: {  	_ =	sdelay $0x1  }
0xb0: {  	v1 =	vmul.f32 v19, v1;
	v19 =	vld [tilespmem:s19+$0x50]  }
0xb1: {  	v2 =	vmul.f32 v18, v2;
	v18 =	vld [tilespmem:s19+$0x60]  }
0xb2: {  	[tilespmem:v14+s4+$0x0] =	vst.idx.add.f32.msk $0xffff, v1;
	v1 =	vmul.f32 v15, v3  }
0xb3: {  	[tilespmem:v13+s4+$0x0] =	vst.idx.add.f32.msk $0xffff, v2;
	v2 =	vmul.f32 v16, v6  }
0xb4: {  	p1 =	seq.s32 s15, $0xB;
	[tilespmem:v12+s4+$0x0] =	vst.idx.add.f32.msk $0xffff, v1;
	v1 =	vmul.f32 v17, v7  }
0xb5: {  	s2 =	sadd.s32 @!p1 $0x3000, s16;
	[tilespmem:v11+s4+$0x0] =	vst.idx.add.f32.msk $0xffff, v2;
	v2 =	vmul.f32 v19, v5  }
0xb6: {  	s3 =	sadd.s32 @!p1 s10, s2;
	[tilespmem:v10+s4+$0x0] =	vst.idx.add.f32.msk $0xffff, v1;
	v1 =	vmul.f32 v18, v8  }
0xb7: {  	s3 =	sshrl.u32 @!p1 s3, $0x3;
	[tilespmem:v9+s4+$0x0] =	vst.idx.add.f32.msk $0xffff, v2  }
0xb8: {  	s8 =	simm.s32 @!p1 $0x0;
	s16 =	simm.s32 @!p1 $0x12000;
	s3 =	sadd.s32 @!p1 s1, s3;
	[tilespmem:v4+s4+$0x0] =	vst.idx.add.f32.msk $0xffff, v1  }
0xb9: {  	[tilespmem:s16], [sflag:$0x1] =	stream.linear.gather @!p1 [hbm4b:s3+s8], $0x1800, $0x38;
	[tilespmem:$0x1E000] =	vst v63  }
0xba: {  	s3 =	sadd.s32 @!p1 s12, s2  }
0xbb: {  	s2 =	sadd.s32 @!p1 s13, s2;
	s3 =	sshrl.u32 @!p1 s3, $0x3  }
0xbc: {  	s16 =	simm.s32 @!p1 $0x13800;
	s2 =	sshrl.u32 @!p1 s2, $0x3;
	s3 =	sadd.s32 @!p1 s1, s3  }
0xbd: {  	[tilespmem:s16], [sflag:$0x1] =	stream.linear.gather @!p1 [hbm4b:s3+s8], $0x1800, $0x38;
	[tilespmem:$0x1E000] =	vst v63  }
0xbe: {  	s3 =	sadd.s32 @!p1 s5, s2;
	s16 =	simm.s32 @!p1 $0x18000  }
0xbf: {  	[tilespmem:s16], [sflag:$0x1] =	stream.linear.gather @!p1 [hbm4b:s3+s8], $0x1800, $0x38;
	[tilespmem:$0x1E000] =	vst v63  }
0xc0: {  	s2 =	sadd.s32 @!p1 s6, s2;
	s3 =	simm.s32 @!p1 $0x1B000  }
0xc1: {  	[tilespmem:s3], [sflag:$0x1] =	stream.linear.gather @!p1 [hbm4b:s2+s8], $0x1800, $0x38;
	[tilespmem:$0x1E000] =	vst v63  }
0xc2: {  	_ =	swait.ge [sflag:s26], $0x1800  }
0xc3: {  	s16 =	simm.s32 $0x0;
	[sflag:s26] =	ssyncset.done $0x0  }
0xc4: {  	s3 =	smulhi.u32 $0xAAAAAAAB, s16;
	[sflag:s26] =	ssyncadd.s32 $0xFFFFE800  }
0xc5: {  	_ =	swait.ge [sflag:s26], $0x1800  }
0xc6: {  	s8 =	sshrl.u32 s3, $0x4;
	[sflag:s26] =	ssyncset.done $0x0  }
0xc7: {  	s2 =	sshrl.u32 s3, $0x7;
	s19 =	smul.u32 $0xC00, s8;
	[sflag:s26] =	ssyncadd.s32 $0xFFFFE800  }
0xc8: {  	s17 =	smul.u32 $0xC00, s2;
	_ =	swait.ge [sflag:s26], $0x1800  }
0xc9: {  	s18 =	sand.u32 $0x7, s8;
	s2 =	smul.u32 $0x3000, s2;
	[sflag:s26] =	ssyncset.done $0x0  }
0xca: {  	s3 =	smul.u32 $0x3000, s8;
	s20 =	sshll.u32 s18, $0x9;
	[sflag:s26] =	ssyncadd.s32 $0xFFFFE800  }
0xcb: {  	s28 =	sshll.u32 s18, $0x7;
	s17 =	sadd.s32 $0x0, s17;
	_ =	swait.ge [sflag:s26], $0x1800  }
0xcc: {  	s2 =	sor.u32 s20, s2;
	s8 =	ssub.s32 s17, s19;
	[sflag:s26] =	ssyncset.done $0x0  }
0xcd: {  	s2 =	ssub.s32 s2, s3;
	s29 =	sadd.s32 s8, s28;
	[sflag:s26] =	ssyncadd.s32 $0xFFFFE800  }
0xce: {  	s2 =	sshra.s32 s2, $0x2;
	v1 =	vld [tilespmem:s29+$0x1C870]  }
0xcf: {  	s2 =	sadd.s32 $0x15000, s2;
	v2 =	vld [tilespmem:s29+$0x19870]  }
0xd0: {  	v3 =	vld [tilespmem:s2+$0x70]  }
0xd1: {  	v5 =	vld [tilespmem:s2+$0x0]  }
0xd2: {  	v9 =	vld [tilespmem:s2+$0x10]  }
0xd3: {  	v10 =	vld [tilespmem:s2+$0x20]  }
0xd4: {  	v11 =	vld [tilespmem:s2+$0x30]  }
0xd5: {  	v12 =	vld [tilespmem:s2+$0x40]  }
0xd6: {  	v13 =	vld [tilespmem:s2+$0x50]  }
0xd7: {  	v14 =	vld [tilespmem:s2+$0x60]  }
0xd8: {  	v8 =	vld [tilespmem:s29+$0x1C800]  }
0xd9: {  	v7 =	vld [tilespmem:s29+$0x1C810]  }
0xda: {  	v6 =	vld [tilespmem:s29+$0x1C820]  }
0xdb: {  	v4 =	vld [tilespmem:s29+$0x1C830]  }
0xdc: {  	v15 =	vld [tilespmem:s29+$0x19810];
	v3 =	vmul.f32 v3, v1  }
0xdd: {  	v16 =	vld [tilespmem:s29+$0x19820]  }
0xde: {  	[tilespmem:v2+s4+$0x0] =	vst.idx.add.f32.msk $0xffff, v3  }
0xdf: {  	v3 =	vld [tilespmem:s2+$0x1870]  }
0xe0: {  	v19 =	vld [tilespmem:s29+$0x19830]  }
0xe1: {  	v20 =	vld [tilespmem:s29+$0x19840];
	v2 =	vadd.s32 $0x9000, v2  }
0xe2: {  	v21 =	vld [tilespmem:s29+$0x19850]  }
0xe3: {  	v22 =	vld [tilespmem:s29+$0x19860]  }
0xe4: {  	v17 =	vmul.f32 v5, v8;
	v5 =	vld [tilespmem:s29+$0x1C860];
	v1 =	vmul.f32 v3, v1  }
0xe5: {  	v3 =	vld [tilespmem:s29+$0x1C840]  }
0xe6: {  	v9 =	vmul.f32 v9, v7;
	[tilespmem:v2+s4+$0x0] =	vst.idx.add.f32.msk $0xffff, v1  }
0xe7: {  	v11 =	vmul.f32 v11, v4;
	v1 =	vld [tilespmem:s29+$0x19800]  }
0xe8: {  	v10 =	vmul.f32 v10, v6;
	[tilespmem:v15+s4+$0x0] =	vst.idx.add.f32.msk $0xffff, v9  }
0xe9: {  	[tilespmem:v19+s4+$0x0] =	vst.idx.add.f32.msk $0xffff, v11;
	v11 =	vmul.f32 v14, v5  }
0xea: {  	[tilespmem:v16+s4+$0x0] =	vst.idx.add.f32.msk $0xffff, v10  }
0xeb: {  	[tilespmem:v22+s4+$0x0] =	vst.idx.add.f32.msk $0xffff, v11  }
0xec: {  	v2 =	vld [tilespmem:s29+$0x1C850];
	v9 =	vmul.f32 v12, v3  }
0xed: {  	v12 =	vadd.s32 $0x9000, v16;
	v16 =	vld [tilespmem:s2+$0x1830]  }
0xee: {  	[tilespmem:v20+s4+$0x0] =	vst.idx.add.f32.msk $0xffff, v9  }
0xef: {  	[tilespmem:v1+s4+$0x0] =	vst.idx.add.f32.msk $0xffff, v17  }
0xf0: {  	v18 =	vld [tilespmem:s2+$0x1800]  }
0xf1: {  	v10 =	vmul.f32 v13, v2;
	v17 =	vld [tilespmem:s2+$0x1810]  }
0xf2: {  	v11 =	vadd.s32 $0x9000, v19;
	v14 =	vadd.s32 $0x9000, v1;
	v13 =	vadd.s32 $0x9000, v15;
	v15 =	vld [tilespmem:s2+$0x1820]  }
0xf3: {  	s31 =	simm.s32 $0x8;
	s18 =	simm.s32 $0x0;
	s17 =	simm.s32 $0x15000;
	v9 =	vadd.s32 $0x9000, v21;
	[tilespmem:v21+s4+$0x0] =	vst.idx.add.f32.msk $0xffff, v10;
	v10 =	vadd.s32 $0x9000, v20;
	v1 =	vadd.s32 $0x9000, v22  }
.LBB2_8:
0xf4: {  	s3 =	smulhi.u32 $0xAAAAAAAB, s31;
	v19 =	vld [tilespmem:s2+$0x1840]  }
0xf5: {  	v8 =	vmul.f32 v18, v8;
	v18 =	vld [tilespmem:s2+$0x1850]  }
0xf6: {  	s18 =	sadd.s32 $0x8, s18;
	s8 =	sshrl.u32 s3, $0x4;
	v7 =	vmul.f32 v17, v7;
	v17 =	vld [tilespmem:s2+$0x1860]  }
0xf7: {  	p1 =	slt.u32 s18, $0x178;
	s2 =	sshrl.u32 s3, $0x7;
	s3 =	smul.u32 $0xC00, s8;
	[tilespmem:v14+s4+$0x0] =	vst.idx.add.f32.msk $0xffff, v8;
	v6 =	vmul.f32 v15, v6  }
0xf8: {  	s19 =	smul.u32 $0xC00, s2;
	[tilespmem:v13+s4+$0x0] =	vst.idx.add.f32.msk $0xffff, v7;
	v4 =	vmul.f32 v16, v4  }
0xf9: {  	s16 =	sadd.s32 $0x400, s16;
	s20 =	sand.u32 $0x7, s8;
	s2 =	smul.u32 $0x3000, s2;
	[tilespmem:v12+s4+$0x0] =	vst.idx.add.f32.msk $0xffff, v6;
	v3 =	vmul.f32 v19, v3  }
0xfa: {  	s8 =	smul.u32 $0x3000, s8;
	s28 =	sshll.u32 s20, $0x9;
	s19 =	sadd.s32 s19, s16;
	[tilespmem:v11+s4+$0x0] =	vst.idx.add.f32.msk $0xffff, v4;
	v2 =	vmul.f32 v18, v2  }
0xfb: {  	s2 =	sor.u32 s28, s2;
	s3 =	ssub.s32 s19, s3;
	s19 =	sshll.u32 s20, $0x7;
	[tilespmem:v10+s4+$0x0] =	vst.idx.add.f32.msk $0xffff, v3;
	v10 =	vmul.f32 v17, v5  }
0xfc: {  	s2 =	ssub.s32 s2, s8;
	s19 =	sadd.s32 s3, s19;
	[tilespmem:v9+s4+$0x0] =	vst.idx.add.f32.msk $0xffff, v2  }
0xfd: {  	s17 =	sadd.s32 $0x400, s17;
	s2 =	sshra.s32 s2, $0x2;
	v2 =	vld [tilespmem:s19+$0x1C870]  }
0xfe: {  	s2 =	sadd.s32 s2, s17;
	v3 =	vld [tilespmem:s19+$0x19870]  }
0xff: {  	v4 =	vld [tilespmem:s2+$0x70]  }
0x100: {  	v5 =	vld [tilespmem:s2+$0x0]  }
0x101: {  	v9 =	vld [tilespmem:s2+$0x10]  }
0x102: {  	v11 =	vld [tilespmem:s2+$0x20]  }
0x103: {  	v12 =	vld [tilespmem:s2+$0x30]  }
0x104: {  	v13 =	vld [tilespmem:s2+$0x40];
	v4 =	vmul.f32 v4, v2  }
0x105: {  	v14 =	vld [tilespmem:s2+$0x50]  }
0x106: {  	[tilespmem:v3+s4+$0x0] =	vst.idx.add.f32.msk $0xffff, v4  }
0x107: {  	v15 =	vld [tilespmem:s2+$0x1870]  }
0x108: {  	v16 =	vld [tilespmem:s2+$0x60]  }
0x109: {  	v17 =	vadd.s32 $0x9000, v3;
	v8 =	vld [tilespmem:s19+$0x1C800]  }
0x10a: {  	v7 =	vld [tilespmem:s19+$0x1C810]  }
0x10b: {  	v6 =	vld [tilespmem:s19+$0x1C820]  }
0x10c: {  	v4 =	vld [tilespmem:s19+$0x1C830];
	v2 =	vmul.f32 v15, v2  }
0x10d: {  	v3 =	vld [tilespmem:s19+$0x1C840]  }
0x10e: {  	v15 =	vmul.f32 v5, v8;
	[tilespmem:v17+s4+$0x0] =	vst.idx.add.f32.msk $0xffff, v2  }
0x10f: {  	v9 =	vmul.f32 v9, v7;
	v2 =	vld [tilespmem:s19+$0x1C850]  }
0x110: {  	v17 =	vmul.f32 v11, v6;
	v5 =	vld [tilespmem:s19+$0x1C860]  }
0x111: {  	v11 =	vld [tilespmem:s19+$0x19800];
	v18 =	vmul.f32 v12, v4  }
0x112: {  	v19 =	vld [tilespmem:s19+$0x19810];
	v20 =	vmul.f32 v13, v3  }
0x113: {  	v21 =	vld [tilespmem:s19+$0x19820]  }
0x114: {  	v22 =	vld [tilespmem:s19+$0x19830];
	v23 =	vmul.f32 v14, v2  }
0x115: {  	v24 =	vld [tilespmem:s19+$0x19840];
	v16 =	vmul.f32 v16, v5  }
0x116: {  	v14 =	vadd.s32 $0x9000, v11;
	v25 =	vld [tilespmem:s19+$0x19850]  }
0x117: {  	v13 =	vadd.s32 $0x9000, v19;
	v26 =	vld [tilespmem:s19+$0x19860]  }
0x118: {  	v12 =	vadd.s32 $0x9000, v21;
	[tilespmem:v1+s4+$0x0] =	vst.idx.add.f32.msk $0xffff, v10  }
0x119: {  	[tilespmem:v11+s4+$0x0] =	vst.idx.add.f32.msk $0xffff, v15;
	v11 =	vadd.s32 $0x9000, v22  }
0x11a: {  	[tilespmem:v19+s4+$0x0] =	vst.idx.add.f32.msk $0xffff, v9;
	v10 =	vadd.s32 $0x9000, v24  }
0x11b: {  	[tilespmem:v21+s4+$0x0] =	vst.idx.add.f32.msk $0xffff, v17;
	v9 =	vadd.s32 $0x9000, v25  }
0x11c: {  	[tilespmem:v22+s4+$0x0] =	vst.idx.add.f32.msk $0xffff, v18;
	v1 =	vadd.s32 $0x9000, v26  }
0x11d: {  	[tilespmem:v24+s4+$0x0] =	vst.idx.add.f32.msk $0xffff, v20  }
0x11e: {  	[tilespmem:v25+s4+$0x0] =	vst.idx.add.f32.msk $0xffff, v23  }
.Ltmp2:
0x11f: {  	[tilespmem:v26+s4+$0x0] =	vst.idx.add.f32.msk $0xffff, v16;
	(pc) =	sbr.rel @p1 .LBB2_8-.Ltmp2, $4  }
0x120: {  	v18 =	vld [tilespmem:s2+$0x1800]  }
0x121: {  	v17 =	vld [tilespmem:s2+$0x1810]  }
0x122: {  	v15 =	vld [tilespmem:s2+$0x1820]  }
0x123: {  	s31 =	sadd.s32 $0x8, s31;
	v16 =	vld [tilespmem:s2+$0x1830]  }
0x124: {  	_ = 	snop  }
0x125: {  	v19 =	vld [tilespmem:s2+$0x1840]  }
0x126: {  	v62 =	vld [tilespmem:s2+$0x1850];
	v8 =	vmul.f32 v18, v8  }
0x127: {  	v63 =	vld [tilespmem:s2+$0x1860];
	v7 =	vmul.f32 v17, v7  }
0x128: {  	s15 =	sadd.s32 $0x1, s15;
	[tilespmem:v14+s4+$0x0] =	vst.idx.add.f32.msk $0xffff, v8;
	v6 =	vmul.f32 v15, v6  }
0x129: {  	p1 =	sne.s32 s15, $0xC;
	[tilespmem:v13+s4+$0x0] =	vst.idx.add.f32.msk $0xffff, v7;
	v4 =	vmul.f32 v16, v4  }
.Ltmp3:
0x12a: {  	[tilespmem:v12+s4+$0x0] =	vst.idx.add.f32.msk $0xffff, v6;
	v3 =	vmul.f32 v19, v3;
	(pc) =	sbr.rel @p1 .LBB2_5-.Ltmp3, $4  }
0x12b: {  	v2 =	vmul.f32 v62, v2;
	[tilespmem:v11+s4+$0x0] =	vst.idx.add.f32.msk $0xffff, v4  }
0x12c: {  	[tilespmem:v10+s4+$0x0] =	vst.idx.add.f32.msk $0xffff, v3;
	v3 =	vmul.f32 v63, v5  }
0x12d: {  	[tilespmem:v9+s4+$0x0] =	vst.idx.add.f32.msk $0xffff, v2  }
0x12e: {  	[tilespmem:v1+s4+$0x0] =	vst.idx.add.f32.msk $0xffff, v3  }
0x12f: {  	s2 =	sshrl.u32 s14, $0x3  }
0x130: {  	s3 =	simm.s32 $0x360000;
	s2 =	smul.u32 $0x48000, s2  }
0x131: {  	s3 =	simm.s32 @!p0 $0x0  }
0x132: {  	s28 =	rddreg [dreg:$0x5];
	s2 =	sadd.s32 s3, s2  }
0x133: {  	s3 =	sor.u32 s28, s2  }
0x134: {  	s8 =	simm.s32 $0x80;
	s3 =	sshrl.u32 s3, $0x3  }
0x135: {  	s12 =	simm.s32 $0x400;
	s29 =	sshll.u32 s9, $0x7;
	s3 =	sadd.s32 s7, s3  }
0x136: {  	[hbm4b:s3+s8] =	stream.strided.scatter [tilespmem:s4], [sflag:$0x3], $0x9000, s12, s8, $0x38;
	[tilespmem:$0x1E000] =	vst v63  }
0x137: {  	s31 =	simm.s32 $0x9000;
	s3 =	sand.u32 $0x380, s29  }
0x138: {  	s0 =	sadd.s32 $0x1, s0;
	_ =	swait.ge [sflag:s30], $0x9000;
	s2 =	sor.u32 s3, s2  }
0x139: {  	p0 =	sne.s32 s0, $0x3;
	[sflag:s30] =	ssyncset.done $0x0;
	s2 =	sshrl.u32 s2, $0x3  }
.Ltmp4:
0x13a: {  	[sflag:s30] =	ssyncadd.s32 $0xFFFF7000;
	s2 =	sadd.s32 s7, s2;
	(pc) =	sbr.rel @p0 .LBB2_2-.Ltmp4, $4  }
0x13b: {  	[hbm4b:s2+s8] =	stream.strided.scatter [tilespmem:s31], [sflag:$0x3], $0x9000, s12, s8, $0x38;
	[tilespmem:$0x1E000] =	vst v63  }
0x13c: {  	_ =	swait.ge [sflag:s30], $0x9000  }
0x13d: {  	[sflag:s30] =	ssyncset.done $0x0  }
0x13e: {  	s10 =	simm.s32 $0x80;
	s11 =	simm.s32 $0x400;
	[sflag:s30] =	ssyncadd.s32 $0xFFFF7000  }
0x13f: {  	s0 =	simm.s32 $0x40  }
0x140: {  	[tilespmem:s0+$0xFFFFFFC0] =	vst v0  }
0x141: {  	[tilespmem:s0+$0x30] =	vst v0  }
0x142: {  	[tilespmem:s0+$0x20] =	vst v0  }
0x143: {  	[tilespmem:s0+$0x10] =	vst v0  }
0x144: {  	[tilespmem:s0+$0x0] =	vst v0  }
0x145: {  	[tilespmem:s0+$0xFFFFFFF0] =	vst v0  }
0x146: {  	s2 =	simm.s32 $0x0;
	[tilespmem:s0+$0xFFFFFFE0] =	vst v0  }
.LBB2_12:
0x147: {  	s2 =	sadd.s32 $0x8, s2;
	[tilespmem:s0+$0xFFFFFFD0] =	vst v0;
	s0 =	sadd.s32 $0x80, s0  }
0x148: {  	[tilespmem:s0+$0xFFFFFFC0] =	vst v0;
	p0 =	slt.u32 s2, $0x8F8  }
0x149: {  	[tilespmem:s0+$0x30] =	vst v0  }
.Ltmp5:
0x14a: {  	[tilespmem:s0+$0x20] =	vst v0;
	(pc) =	sbr.rel @p0 .LBB2_12-.Ltmp5, $4  }
0x14b: {  	[tilespmem:s0+$0x10] =	vst v0  }
0x14c: {  	[tilespmem:s0+$0x0] =	vst v0  }
0x14d: {  	[tilespmem:s0+$0xFFFFFFF0] =	vst v0  }
0x14e: {  	[tilespmem:s0+$0xFFFFFFE0] =	vst v0  }
0x14f: {  	[tilespmem:s0+$0xFFFFFFD0] =	vst v0;
	s0 =	simm.s32 $0x0  }
0x150: {  	s3 =	simm.s32 $0x18000;
	s2 =	rddreg [dreg:$0x6];
	s28 =	smulhi.u32 $0xAAAAAAAB, s0  }
0x151: {  	[tilespmem:s3], [sflag:$0x3] =	stream.linear.gather [hbm4b:s2+s0], $0xC00, $0x38;
	[tilespmem:$0x1E000] =	vst v63  }
0x152: {  	s8 =	simm.s32 $0x1B000;
	_ =	swait.ge [sflag:s30], $0xC00  }
0x153: {  	s31 =	sshrl.u32 s28, $0x7;
	s2 =	sshrl.u32 s28, $0x4;
	[sflag:s30] =	ssyncset.done $0x0  }
0x154: {  	s29 =	rddreg [dreg:$0x7];
	s3 =	smul.u32 $0xC00, s31;
	[sflag:s30] =	ssyncadd.s32 $0xFFFFF400  }
0x155: {  	[tilespmem:s8], [sflag:$0x3] =	stream.linear.gather [hbm4b:s29+s0], $0xC00, $0x38;
	[tilespmem:$0x1E000] =	vst v63  }
0x156: {  	s2 =	smul.u32 $0xB80, s2;
	_ =	swait.ge [sflag:s30], $0xC00  }
0x157: {  	s3 =	sadd.s32 $0x0, s3;
	[sflag:s30] =	ssyncset.done $0x0  }
0x158: {  	s3 =	ssub.s32 s3, s2;
	[sflag:s30] =	ssyncadd.s32 $0xFFFFF400  }
0x159: {  	v3 =	vld [tilespmem:s3+$0x18070]  }
0x15a: {  	v6 =	vld [tilespmem:s3+$0x18000]  }
0x15b: {  	v4 =	vld [tilespmem:s3+$0x18010]  }
0x15c: {  	v8 =	vld [tilespmem:s3+$0x1B070]  }
0x15d: {  	v7 =	vld [tilespmem:s3+$0x18020]  }
0x15e: {  	v5 =	vld [tilespmem:s3+$0x18030]  }
0x15f: {  	v2 =	vld [tilespmem:s3+$0x18040]  }
0x160: {  	v1 =	vld [tilespmem:s3+$0x18050]  }
0x161: {  	v14 =	vld [tilespmem:s3+$0x1B000]  }
0x162: {  	v13 =	vld [tilespmem:s3+$0x1B010]  }
0x163: {  	v12 =	vld [tilespmem:s3+$0x1B020]  }
0x164: {  	v11 =	vld [tilespmem:s3+$0x1B030]  }
0x165: {  	v10 =	vld [tilespmem:s3+$0x1B040]  }
0x166: {  	v9 =	vld [tilespmem:s3+$0x1B060]  }
0x167: {  	[tilespmem:v3+s4+$0x0] =	vst.idx.add.f32.msk $0xffff, v8  }
0x168: {  	v3 =	vld [tilespmem:s3+$0x18060]  }
0x169: {  	s9 =	simm.s32 $0x8;
	s2 =	simm.s32 $0x0;
	v8 =	vld [tilespmem:s3+$0x1B050]  }
.LBB2_14:
0x16a: {  	s3 =	smulhi.u32 $0xAAAAAAAB, s9;
	s2 =	sadd.s32 $0x8, s2;
	[tilespmem:v6+s4+$0x0] =	vst.idx.add.f32.msk $0xffff, v14  }
0x16b: {  	p0 =	slt.u32 s2, $0xB8;
	[tilespmem:v4+s4+$0x0] =	vst.idx.add.f32.msk $0xffff, v13  }
0x16c: {  	s8 =	sshrl.u32 s3, $0x7;
	[tilespmem:v7+s4+$0x0] =	vst.idx.add.f32.msk $0xffff, v12  }
0x16d: {  	s3 =	sshrl.u32 s3, $0x4;
	s8 =	smul.u32 $0xC00, s8;
	[tilespmem:v5+s4+$0x0] =	vst.idx.add.f32.msk $0xffff, v11  }
0x16e: {  	s0 =	sadd.s32 $0x400, s0;
	s3 =	smul.u32 $0xB80, s3;
	[tilespmem:v2+s4+$0x0] =	vst.idx.add.f32.msk $0xffff, v10  }
0x16f: {  	s8 =	sadd.s32 s8, s0;
	[tilespmem:v1+s4+$0x0] =	vst.idx.add.f32.msk $0xffff, v8  }
0x170: {  	s3 =	ssub.s32 s8, s3;
	[tilespmem:v3+s4+$0x0] =	vst.idx.add.f32.msk $0xffff, v9  }
0x171: {  	v3 =	vld [tilespmem:s3+$0x18070]  }
0x172: {  	v6 =	vld [tilespmem:s3+$0x18000]  }
0x173: {  	v4 =	vld [tilespmem:s3+$0x18010]  }
0x174: {  	v8 =	vld [tilespmem:s3+$0x1B070]  }
0x175: {  	v7 =	vld [tilespmem:s3+$0x18020]  }
0x176: {  	v5 =	vld [tilespmem:s3+$0x18030]  }
0x177: {  	v2 =	vld [tilespmem:s3+$0x18040]  }
0x178: {  	v1 =	vld [tilespmem:s3+$0x18050]  }
0x179: {  	[tilespmem:v3+s4+$0x0] =	vst.idx.add.f32.msk $0xffff, v8  }
0x17a: {  	v3 =	vld [tilespmem:s3+$0x18060]  }
0x17b: {  	v14 =	vld [tilespmem:s3+$0x1B000]  }
0x17c: {  	v13 =	vld [tilespmem:s3+$0x1B010]  }
.Ltmp6:
0x17d: {  	v12 =	vld [tilespmem:s3+$0x1B020];
	(pc) =	sbr.rel @p0 .LBB2_14-.Ltmp6, $4  }
0x17e: {  	v11 =	vld [tilespmem:s3+$0x1B030]  }
0x17f: {  	v10 =	vld [tilespmem:s3+$0x1B040]  }
0x180: {  	v8 =	vld [tilespmem:s3+$0x1B050]  }
0x181: {  	s9 =	sadd.s32 $0x8, s9;
	v9 =	vld [tilespmem:s3+$0x1B060]  }
0x182: {  	_ =	sdelay $0x3  }
0x183: {  	[tilespmem:v6+s4+$0x0] =	vst.idx.add.f32.msk $0xffff, v14  }
0x184: {  	[tilespmem:v4+s4+$0x0] =	vst.idx.add.f32.msk $0xffff, v13  }
0x185: {  	[tilespmem:v7+s4+$0x0] =	vst.idx.add.f32.msk $0xffff, v12  }
0x186: {  	[tilespmem:v5+s4+$0x0] =	vst.idx.add.f32.msk $0xffff, v11  }
0x187: {  	[tilespmem:v2+s4+$0x0] =	vst.idx.add.f32.msk $0xffff, v10  }
0x188: {  	[tilespmem:v1+s4+$0x0] =	vst.idx.add.f32.msk $0xffff, v8  }
0x189: {  	s0 =	simm.s32 $0x0;
	[tilespmem:v3+s4+$0x0] =	vst.idx.add.f32.msk $0xffff, v9  }
0x18a: {  	s3 =	simm.s32 $0x18000;
	s28 =	smulhi.u32 $0xAAAAAAAB, s0;
	s2 =	rddreg [dreg:$0x8]  }
0x18b: {  	[tilespmem:s3], [sflag:$0x3] =	stream.linear.gather [hbm4b:s2+s0], $0xC00, $0x38;
	[tilespmem:$0x1E000] =	vst v63  }
0x18c: {  	s31 =	sshrl.u32 s28, $0x7;
	_ =	swait.ge [sflag:s30], $0xC00  }
0x18d: {  	s8 =	simm.s32 $0x1B000;
	s3 =	smul.u32 $0xC00, s31;
	[sflag:s30] =	ssyncset.done $0x0  }
0x18e: {  	s2 =	sshrl.u32 s28, $0x4;
	s29 =	rddreg [dreg:$0x9];
	[sflag:s30] =	ssyncadd.s32 $0xFFFFF400  }
0x18f: {  	[tilespmem:s8], [sflag:$0x3] =	stream.linear.gather [hbm4b:s29+s0], $0xC00, $0x38;
	[tilespmem:$0x1E000] =	vst v63  }
0x190: {  	s2 =	smul.u32 $0xB80, s2;
	_ =	swait.ge [sflag:s30], $0xC00  }
0x191: {  	s3 =	sadd.s32 $0x0, s3;
	[sflag:s30] =	ssyncset.done $0x0  }
0x192: {  	s3 =	ssub.s32 s3, s2;
	[sflag:s30] =	ssyncadd.s32 $0xFFFFF400  }
0x193: {  	v3 =	vld [tilespmem:s3+$0x18070]  }
0x194: {  	v6 =	vld [tilespmem:s3+$0x18000]  }
0x195: {  	v4 =	vld [tilespmem:s3+$0x18010]  }
0x196: {  	v8 =	vld [tilespmem:s3+$0x1B070]  }
0x197: {  	v7 =	vld [tilespmem:s3+$0x18020]  }
0x198: {  	v5 =	vld [tilespmem:s3+$0x18030]  }
0x199: {  	v2 =	vld [tilespmem:s3+$0x18040]  }
0x19a: {  	v1 =	vld [tilespmem:s3+$0x18050]  }
0x19b: {  	v14 =	vld [tilespmem:s3+$0x1B000]  }
0x19c: {  	v13 =	vld [tilespmem:s3+$0x1B010]  }
0x19d: {  	v12 =	vld [tilespmem:s3+$0x1B020]  }
0x19e: {  	v11 =	vld [tilespmem:s3+$0x1B030]  }
0x19f: {  	v10 =	vld [tilespmem:s3+$0x1B040]  }
0x1a0: {  	v9 =	vld [tilespmem:s3+$0x1B060]  }
0x1a1: {  	[tilespmem:v3+s4+$0x0] =	vst.idx.add.f32.msk $0xffff, v8  }
0x1a2: {  	v3 =	vld [tilespmem:s3+$0x18060]  }
0x1a3: {  	s9 =	simm.s32 $0x8;
	s2 =	simm.s32 $0x0;
	v8 =	vld [tilespmem:s3+$0x1B050]  }
.LBB2_16:
0x1a4: {  	s3 =	smulhi.u32 $0xAAAAAAAB, s9;
	s2 =	sadd.s32 $0x8, s2;
	[tilespmem:v6+s4+$0x0] =	vst.idx.add.f32.msk $0xffff, v14  }
0x1a5: {  	p0 =	slt.u32 s2, $0xB8;
	[tilespmem:v4+s4+$0x0] =	vst.idx.add.f32.msk $0xffff, v13  }
0x1a6: {  	s8 =	sshrl.u32 s3, $0x7;
	[tilespmem:v7+s4+$0x0] =	vst.idx.add.f32.msk $0xffff, v12  }
0x1a7: {  	s3 =	sshrl.u32 s3, $0x4;
	s8 =	smul.u32 $0xC00, s8;
	[tilespmem:v5+s4+$0x0] =	vst.idx.add.f32.msk $0xffff, v11  }
0x1a8: {  	s0 =	sadd.s32 $0x400, s0;
	s3 =	smul.u32 $0xB80, s3;
	[tilespmem:v2+s4+$0x0] =	vst.idx.add.f32.msk $0xffff, v10  }
0x1a9: {  	s8 =	sadd.s32 s8, s0;
	[tilespmem:v1+s4+$0x0] =	vst.idx.add.f32.msk $0xffff, v8  }
0x1aa: {  	s3 =	ssub.s32 s8, s3;
	[tilespmem:v3+s4+$0x0] =	vst.idx.add.f32.msk $0xffff, v9  }
0x1ab: {  	v3 =	vld [tilespmem:s3+$0x18070]  }
0x1ac: {  	v6 =	vld [tilespmem:s3+$0x18000]  }
0x1ad: {  	v4 =	vld [tilespmem:s3+$0x18010]  }
0x1ae: {  	v8 =	vld [tilespmem:s3+$0x1B070]  }
0x1af: {  	v7 =	vld [tilespmem:s3+$0x18020]  }
0x1b0: {  	v5 =	vld [tilespmem:s3+$0x18030]  }
0x1b1: {  	v2 =	vld [tilespmem:s3+$0x18040]  }
0x1b2: {  	v1 =	vld [tilespmem:s3+$0x18050]  }
0x1b3: {  	[tilespmem:v3+s4+$0x0] =	vst.idx.add.f32.msk $0xffff, v8  }
0x1b4: {  	v3 =	vld [tilespmem:s3+$0x18060]  }
0x1b5: {  	v14 =	vld [tilespmem:s3+$0x1B000]  }
0x1b6: {  	v13 =	vld [tilespmem:s3+$0x1B010]  }
.Ltmp7:
0x1b7: {  	v12 =	vld [tilespmem:s3+$0x1B020];
	(pc) =	sbr.rel @p0 .LBB2_16-.Ltmp7, $4  }
0x1b8: {  	v11 =	vld [tilespmem:s3+$0x1B030]  }
0x1b9: {  	v10 =	vld [tilespmem:s3+$0x1B040]  }
0x1ba: {  	v8 =	vld [tilespmem:s3+$0x1B050]  }
0x1bb: {  	s9 =	sadd.s32 $0x8, s9;
	v9 =	vld [tilespmem:s3+$0x1B060]  }
0x1bc: {  	_ =	sdelay $0x3  }
0x1bd: {  	[tilespmem:v6+s4+$0x0] =	vst.idx.add.f32.msk $0xffff, v14  }
0x1be: {  	[tilespmem:v4+s4+$0x0] =	vst.idx.add.f32.msk $0xffff, v13  }
0x1bf: {  	[tilespmem:v7+s4+$0x0] =	vst.idx.add.f32.msk $0xffff, v12  }
0x1c0: {  	[tilespmem:v5+s4+$0x0] =	vst.idx.add.f32.msk $0xffff, v11  }
0x1c1: {  	[tilespmem:v2+s4+$0x0] =	vst.idx.add.f32.msk $0xffff, v10  }
0x1c2: {  	[tilespmem:v1+s4+$0x0] =	vst.idx.add.f32.msk $0xffff, v8  }
0x1c3: {  	s0 =	simm.s32 $0x0;
	[tilespmem:v3+s4+$0x0] =	vst.idx.add.f32.msk $0xffff, v9  }
0x1c4: {  	s3 =	simm.s32 $0x18000;
	s28 =	smulhi.u32 $0xAAAAAAAB, s0;
	s2 =	rddreg [dreg:$0xa]  }
0x1c5: {  	[tilespmem:s3], [sflag:$0x3] =	stream.linear.gather [hbm4b:s2+s0], $0xC00, $0x38;
	[tilespmem:$0x1E000] =	vst v63  }
0x1c6: {  	s31 =	sshrl.u32 s28, $0x7;
	_ =	swait.ge [sflag:s30], $0xC00  }
0x1c7: {  	s8 =	simm.s32 $0x1B000;
	s3 =	smul.u32 $0xC00, s31;
	[sflag:s30] =	ssyncset.done $0x0  }
0x1c8: {  	s2 =	sshrl.u32 s28, $0x4;
	s29 =	rddreg [dreg:$0xb];
	[sflag:s30] =	ssyncadd.s32 $0xFFFFF400  }
0x1c9: {  	[tilespmem:s8], [sflag:$0x3] =	stream.linear.gather [hbm4b:s29+s0], $0xC00, $0x38;
	[tilespmem:$0x1E000] =	vst v63  }
0x1ca: {  	s2 =	smul.u32 $0xB80, s2;
	_ =	swait.ge [sflag:s30], $0xC00  }
0x1cb: {  	s3 =	sadd.s32 $0x0, s3;
	[sflag:s30] =	ssyncset.done $0x0  }
0x1cc: {  	s3 =	ssub.s32 s3, s2;
	[sflag:s30] =	ssyncadd.s32 $0xFFFFF400  }
0x1cd: {  	v3 =	vld [tilespmem:s3+$0x18070]  }
0x1ce: {  	v6 =	vld [tilespmem:s3+$0x18000]  }
0x1cf: {  	v4 =	vld [tilespmem:s3+$0x18010]  }
0x1d0: {  	v8 =	vld [tilespmem:s3+$0x1B070]  }
0x1d1: {  	v7 =	vld [tilespmem:s3+$0x18020]  }
0x1d2: {  	v5 =	vld [tilespmem:s3+$0x18030]  }
0x1d3: {  	v2 =	vld [tilespmem:s3+$0x18040]  }
0x1d4: {  	v1 =	vld [tilespmem:s3+$0x18050]  }
0x1d5: {  	v14 =	vld [tilespmem:s3+$0x1B000]  }
0x1d6: {  	v13 =	vld [tilespmem:s3+$0x1B010]  }
0x1d7: {  	v12 =	vld [tilespmem:s3+$0x1B020]  }
0x1d8: {  	v11 =	vld [tilespmem:s3+$0x1B030]  }
0x1d9: {  	v10 =	vld [tilespmem:s3+$0x1B040]  }
0x1da: {  	v9 =	vld [tilespmem:s3+$0x1B060]  }
0x1db: {  	[tilespmem:v3+s4+$0x0] =	vst.idx.add.f32.msk $0xffff, v8  }
0x1dc: {  	v3 =	vld [tilespmem:s3+$0x18060]  }
0x1dd: {  	s9 =	simm.s32 $0x8;
	s2 =	simm.s32 $0x0;
	v8 =	vld [tilespmem:s3+$0x1B050]  }
.LBB2_18:
0x1de: {  	s3 =	smulhi.u32 $0xAAAAAAAB, s9;
	s2 =	sadd.s32 $0x8, s2;
	[tilespmem:v6+s4+$0x0] =	vst.idx.add.f32.msk $0xffff, v14  }
0x1df: {  	p0 =	slt.u32 s2, $0xB8;
	[tilespmem:v4+s4+$0x0] =	vst.idx.add.f32.msk $0xffff, v13  }
0x1e0: {  	s8 =	sshrl.u32 s3, $0x7;
	[tilespmem:v7+s4+$0x0] =	vst.idx.add.f32.msk $0xffff, v12  }
0x1e1: {  	s3 =	sshrl.u32 s3, $0x4;
	s8 =	smul.u32 $0xC00, s8;
	[tilespmem:v5+s4+$0x0] =	vst.idx.add.f32.msk $0xffff, v11  }
0x1e2: {  	s0 =	sadd.s32 $0x400, s0;
	s3 =	smul.u32 $0xB80, s3;
	[tilespmem:v2+s4+$0x0] =	vst.idx.add.f32.msk $0xffff, v10  }
0x1e3: {  	s8 =	sadd.s32 s8, s0;
	[tilespmem:v1+s4+$0x0] =	vst.idx.add.f32.msk $0xffff, v8  }
0x1e4: {  	s3 =	ssub.s32 s8, s3;
	[tilespmem:v3+s4+$0x0] =	vst.idx.add.f32.msk $0xffff, v9  }
0x1e5: {  	v3 =	vld [tilespmem:s3+$0x18070]  }
0x1e6: {  	v6 =	vld [tilespmem:s3+$0x18000]  }
0x1e7: {  	v4 =	vld [tilespmem:s3+$0x18010]  }
0x1e8: {  	v8 =	vld [tilespmem:s3+$0x1B070]  }
0x1e9: {  	v7 =	vld [tilespmem:s3+$0x18020]  }
0x1ea: {  	v5 =	vld [tilespmem:s3+$0x18030]  }
0x1eb: {  	v2 =	vld [tilespmem:s3+$0x18040]  }
0x1ec: {  	v1 =	vld [tilespmem:s3+$0x18050]  }
0x1ed: {  	[tilespmem:v3+s4+$0x0] =	vst.idx.add.f32.msk $0xffff, v8  }
0x1ee: {  	v3 =	vld [tilespmem:s3+$0x18060]  }
0x1ef: {  	v14 =	vld [tilespmem:s3+$0x1B000]  }
0x1f0: {  	v13 =	vld [tilespmem:s3+$0x1B010]  }
.Ltmp8:
0x1f1: {  	v12 =	vld [tilespmem:s3+$0x1B020];
	(pc) =	sbr.rel @p0 .LBB2_18-.Ltmp8, $4  }
0x1f2: {  	v11 =	vld [tilespmem:s3+$0x1B030]  }
0x1f3: {  	v10 =	vld [tilespmem:s3+$0x1B040]  }
0x1f4: {  	v8 =	vld [tilespmem:s3+$0x1B050]  }
0x1f5: {  	s9 =	sadd.s32 $0x8, s9;
	v9 =	vld [tilespmem:s3+$0x1B060]  }
0x1f6: {  	_ =	sdelay $0x3  }
0x1f7: {  	[tilespmem:v6+s4+$0x0] =	vst.idx.add.f32.msk $0xffff, v14  }
0x1f8: {  	[tilespmem:v4+s4+$0x0] =	vst.idx.add.f32.msk $0xffff, v13  }
0x1f9: {  	[tilespmem:v7+s4+$0x0] =	vst.idx.add.f32.msk $0xffff, v12  }
0x1fa: {  	[tilespmem:v5+s4+$0x0] =	vst.idx.add.f32.msk $0xffff, v11  }
0x1fb: {  	[tilespmem:v2+s4+$0x0] =	vst.idx.add.f32.msk $0xffff, v10  }
0x1fc: {  	[tilespmem:v1+s4+$0x0] =	vst.idx.add.f32.msk $0xffff, v8  }
0x1fd: {  	[tilespmem:v3+s4+$0x0] =	vst.idx.add.f32.msk $0xffff, v9  }
0x1fe: {  	s0 =	rddreg [dreg:$0xc]  }
0x1ff: {  	[hbm4b:s0+s10] =	stream.strided.scatter [tilespmem:s4], [sflag:$0x3], $0x9000, s11, s10, $0x38;
	[tilespmem:$0x1E000] =	vst v63  }
0x200: {  	_ =	swait.ge [sflag:s30], $0x9000  }
0x201: {  	s2 =	rddreg [dreg:$0xe]  }
0x202: {  	s31 =	rddreg [dreg:$0xd];
	s2 =	sadd.s32 $0x1, s2  }
0x203: {  	p0 =	sne.s32 s2, s31  }
.Ltmp9:
0x204: {  	_ = 	snop;
	(pc) =	sbr.rel @p0 .LBB2_1-.Ltmp9, $3  }
0x205: {  	_ =	sdelay $0x1  }
0x206: {  	[sflag:s30] =	ssyncset.done $0x0  }
0x207: {  	[sflag:s30] =	ssyncadd.s32 $0xFFFF7000  }
0x208: {  	_ =	sfence.sel $0x180000  }
0x209: {  	[bflag:$0x0] =	sbarrier.arrive $0xFFFF  }
0x20a: {  	_ =	strace $0x90000047  }
0x20b: {  	s0 =	stileid.u32;
	[bflag:$0x2] =	sbarrier.arrive $0xFFFF  }
0x20c: {  	p0 =	sne.s32 s0, $0x0;
	s0 =	rddreg [dreg:$0x3]  }
0x20d: {  	s0 =	sadd.s32 @!p0 $0x100000, s0  }
0x20e: {  	[sflag:s0] =	ssyncadd.tile.s32 @!p0 $0x1;
	_ =	shalt  }
.Lfunc_end2:
_tile_overlayer_lowered:
.L_overlay_start_2:
0x20f: {  	(tag) =	ssettag $0x2  }
0x210: {  	s0 =	rddreg [dreg:$0x0];
	s2 =	stileid.u32  }
0x211: {  	s1 =	rddreg [dreg:$0x1];
	p0 =	sne.s32 s2, $0x0  }
0x212: {  	s3 =	rddreg [dreg:$0x2];
	[bflag:$0x3] =	sbarrier.arrive $0xFFFF;
	s2 =	simm.s32 @!p0 $0x1C03  }
0x213: {  	[timem:s3], [sflag:s2] =	dma.local @!p0 [hbm:s0], s1  }
0x214: {  	s0 =	simm.s32 @!p0 $0x3  }
0x215: {  	_ =	swait.ge @!p0 [sflag:s0], s1  }
0x216: {  	s1 =	ssub.s32 @!p0 $0x0, s1;
	[sflag:s0] =	ssyncset.done @!p0 $0x0  }
0x217: {  	[sflag:s0] =	ssyncadd.s32 @!p0 s1  }
0x218: {  	[bflag:$0x3] =	sbarrier.arrive $0xFFFF  }
0x219: {  	_ =	shalt  }

</sc_bundles>
